<compile_context>
chip_gen: v7x
topology: tpu7x:2x2x1
jax: 0.10.2.dev20260603
libtpu: 0.0.44.dev20260713+nightly
codegen_flags: <defaults>
</compile_context>

<pallas_src>
import functools

import jax
import jax.numpy as jnp
from jax import lax
from jax.experimental import pallas as pl
from jax.experimental.pallas import tpu as pltpu
from jax.experimental.pallas import tpu_sc as plsc

INPUT_SIZE = 128
OUTPUT_SIZE = 100000
NCE_K = 4096
NUM_SAMPLES = 100000
TEMPERATURE = 0.07
MOMENTUM = 0.5
EPS = 1e-07
BATCH = 128

K1 = NCE_K + 1
KPAD = 4112
NBLK = 4096
NGRID = (OUTPUT_SIZE + NBLK - 1) // NBLK
B2 = 2 * BATCH

NUM_CORES = 2
NUM_SUBCORES = 16
NW = NUM_CORES * NUM_SUBCORES


@functools.lru_cache(maxsize=None)
def _sc_mesh():
  return plsc.VectorSubcoreMesh(
      core_axis_name="c", subcore_axis_name="s",
      num_cores=NUM_CORES, num_subcores=NUM_SUBCORES)


def _stage_a_body(mv1_hbm, mv2_hbm, pos_hbm, g1_hbm, g2_hbm,
                  idx_v, rows_v, sem):
  wid = lax.axis_index("s") * NUM_CORES + lax.axis_index("c")
  base = (wid % 16) * 8
  pltpu.sync_copy(pos_hbm.at[pl.ds(base, 8)], idx_v)
  pltpu.async_copy(mv1_hbm.at[idx_v], rows_v, sem).wait()
  pltpu.sync_copy(rows_v, g1_hbm.at[pl.ds(base, 8)])
  pltpu.async_copy(mv2_hbm.at[idx_v], rows_v, sem).wait()
  pltpu.sync_copy(rows_v, g2_hbm.at[pl.ds(base, 8)])


@functools.lru_cache(maxsize=None)
def _stage_a():
  return pl.kernel(
      _stage_a_body,
      out_type=(jax.ShapeDtypeStruct((BATCH, INPUT_SIZE), jnp.float32),
                jax.ShapeDtypeStruct((BATCH, INPUT_SIZE), jnp.float32)),
      mesh=_sc_mesh(),
      scratch_types=[
          pltpu.VMEM((8,), jnp.int32),
          pltpu.VMEM((8, INPUT_SIZE), jnp.float32),
          pltpu.SemaphoreType.DMA,
      ],
  )


def _stage_b_body(student_ref, teacher_ref, pos_ref, g1_ref, g2_ref,
                  mv1_ref, mv2_ref,
                  st_ref, nm1_ref, nm2_ref):
  i = pl.program_id(0)
  student = student_ref[...]
  teacher = teacher_ref[...]

  l1 = g1_ref[...] * MOMENTUM + student * (1.0 - MOMENTUM)
  u1 = l1 / jnp.sqrt(jnp.sum(l1 * l1, axis=1, keepdims=True))
  l2 = g2_ref[...] * MOMENTUM + teacher * (1.0 - MOMENTUM)
  u2 = l2 / jnp.sqrt(jnp.sum(l2 * l2, axis=1, keepdims=True))

  def mm3(a, b):
    a_hi = a.astype(jnp.bfloat16).astype(jnp.float32)
    a_lo = a - a_hi
    b_hi = b.astype(jnp.bfloat16).astype(jnp.float32)
    b_lo = b - b_hi
    dot = lambda x, y: lax.dot_general(
        x, y, (((1,), (1,)), ((), ())), preferred_element_type=jnp.float32)
    return dot(a_hi, b_hi) + dot(a_lo, b_hi) + dot(a_hi, b_lo)

  st_ref[0:BATCH, :] = mm3(student, mv2_ref[...])
  st_ref[BATCH:B2, :] = mm3(teacher, mv1_ref[...])

  pos = pos_ref[...]
  post = jnp.reshape(pos, (1, BATCH))
  eq = (pos == post)
  jj = lax.broadcasted_iota(jnp.int32, (BATCH, BATCH), 0)
  kk = lax.broadcasted_iota(jnp.int32, (BATCH, BATCH), 1)
  dup_later = jnp.sum(jnp.where(eq & (kk > jj), 1, 0), axis=1, keepdims=True)
  keep = dup_later == 0

  gid = i * NBLK + lax.broadcasted_iota(jnp.int32, (1, NBLK), 1)
  m = jnp.where((pos == gid) & keep, 1.0, 0.0)
  lo = jax.lax.Precision.DEFAULT
  scat1 = lax.dot_general(m, u1, (((0,), (0,)), ((), ())),
                          precision=lo, preferred_element_type=jnp.float32)
  scat2 = lax.dot_general(m, u2, (((0,), (0,)), ((), ())),
                          precision=lo, preferred_element_type=jnp.float32)
  gidc = i * NBLK + lax.broadcasted_iota(jnp.int32, (NBLK, 1), 0)
  keepr = jnp.reshape(keep, (1, BATCH))
  eqc = (gidc == post) & keepr
  covered = jnp.any(eqc, axis=1, keepdims=True)
  nm1_ref[...] = jnp.where(covered, scat1, mv1_ref[...])
  nm2_ref[...] = jnp.where(covered, scat2, mv2_ref[...])


_stage_b = pl.pallas_call(
    _stage_b_body,
    grid=(NGRID,),
    in_specs=[
        pl.BlockSpec((BATCH, INPUT_SIZE), lambda i: (0, 0)),
        pl.BlockSpec((BATCH, INPUT_SIZE), lambda i: (0, 0)),
        pl.BlockSpec((BATCH, 1), lambda i: (0, 0)),
        pl.BlockSpec((BATCH, INPUT_SIZE), lambda i: (0, 0)),
        pl.BlockSpec((BATCH, INPUT_SIZE), lambda i: (0, 0)),
        pl.BlockSpec((NBLK, INPUT_SIZE), lambda i: (i, 0)),
        pl.BlockSpec((NBLK, INPUT_SIZE), lambda i: (i, 0)),
    ],
    out_specs=[
        pl.BlockSpec((B2, NBLK), lambda i: (0, i)),
        pl.BlockSpec((NBLK, INPUT_SIZE), lambda i: (i, 0)),
        pl.BlockSpec((NBLK, INPUT_SIZE), lambda i: (i, 0)),
    ],
    out_shape=[
        jax.ShapeDtypeStruct((B2, OUTPUT_SIZE), jnp.float32),
        jax.ShapeDtypeStruct((OUTPUT_SIZE, INPUT_SIZE), jnp.float32),
        jax.ShapeDtypeStruct((OUTPUT_SIZE, INPUT_SIZE), jnp.float32),
    ],
)


def _stage_c_body(st_hbm, cidx_hbm, r_hbm, srow_v, idx_v, out_v, sem):
  wid = lax.axis_index("s") * NUM_CORES + lax.axis_index("c")
  base = wid * 8

  for j in range(8):
    row = base + j
    brow = row - (row // BATCH) * BATCH
    cp_s = pltpu.async_copy(st_hbm.at[row], srow_v, sem)
    pltpu.sync_copy(cidx_hbm.at[brow], idx_v)
    cp_s.wait()

    def body(k, carry):
      idxv = idx_v[pl.ds(k * 16, 16)]
      out_v[pl.ds(k * 16, 16)] = plsc.load_gather(srow_v, [idxv])
      return carry

    lax.fori_loop(0, KPAD // 16, body, 0, unroll=16)
    pltpu.sync_copy(out_v, r_hbm.at[row])


@functools.lru_cache(maxsize=None)
def _stage_c():
  return pl.kernel(
      _stage_c_body,
      out_type=jax.ShapeDtypeStruct((B2, KPAD), jnp.float32),
      mesh=_sc_mesh(),
      scratch_types=[
          pltpu.VMEM((OUTPUT_SIZE,), jnp.float32),
          pltpu.VMEM((KPAD,), jnp.int32),
          pltpu.VMEM((KPAD,), jnp.float32),
          pltpu.SemaphoreType.DMA,
      ],
      compiler_params=pltpu.CompilerParams(needs_layout_passes=False),
  )


def _stage_d_body(r_ref, loss_ref):
  pn = 1.0 / float(NUM_SAMPLES)
  mpn = float(NCE_K) * pn
  col = lax.broadcasted_iota(jnp.int32, (B2, KPAD), 1)
  rowi = lax.broadcasted_iota(jnp.int32, (B2, KPAD), 0)
  valid = col < K1
  is_pos = col == 0
  bank1 = rowi < BATCH

  r = r_ref[...]
  e = jnp.where(valid, jnp.exp(r * (1.0 / TEMPERATURE)), 0.0)
  z1 = jnp.sum(jnp.where(bank1, e, 0.0)) * (float(OUTPUT_SIZE) / float(BATCH * K1))
  z2 = jnp.sum(jnp.where(bank1, 0.0, e)) * (float(OUTPUT_SIZE) / float(BATCH * K1))
  p = e / jnp.where(bank1, z1, z2)
  d1 = jnp.log(p / (p + mpn + EPS))
  d0 = jnp.log(mpn / (p + mpn + EPS))
  terms = jnp.where(is_pos, d1, jnp.where(valid, d0, 0.0))
  loss_ref[...] = jnp.reshape(-jnp.sum(terms) / float(BATCH), (1, 1))


_stage_d = pl.pallas_call(
    _stage_d_body,
    out_shape=jax.ShapeDtypeStruct((1, 1), jnp.float32),
)


def kernel(student_embed, teacher_embed, pos_idx, contrast_idx,
           memory_v1, memory_v2):
  g1, g2 = _stage_a()(memory_v1, memory_v2, pos_idx)

  pos2d = jnp.reshape(pos_idx, (BATCH, 1))
  st, new_mv1, new_mv2 = _stage_b(
      student_embed, teacher_embed, pos2d, g1, g2, memory_v1, memory_v2)

  cidx_pad = jnp.pad(contrast_idx, ((0, 0), (0, KPAD - K1)))
  r = _stage_c()(st, cidx_pad)

  loss = _stage_d(r)
  return jnp.reshape(loss, (1,)), new_mv1, new_mv2

# --- scband reference (transcript-rebuilt; emitter-appended) ---
"""Pipeline reference for scband-crdloss-4492535792355 (READ-ONLY COPY).

The authoritative reference and input builder live on the scoring server;
editing this copy changes nothing except your own understanding.
"""

import jax, jax.numpy as jnp
import numpy as np

INPUT_SIZE = 128
OUTPUT_SIZE = 100000
NCE_K = 4096
NUM_SAMPLES = 100000
TEMPERATURE = 0.07
MOMENTUM = 0.5
EPS = 1e-07
BATCH = 128


def setup_inputs(seed: int = 0) -> dict:
    key = jax.random.key(seed)
    ks = jax.random.split(key, 6)
    student_embed = jax.random.normal(ks[0], (BATCH, INPUT_SIZE), dtype=jnp.float32)
    teacher_embed = jax.random.normal(ks[1], (BATCH, INPUT_SIZE), dtype=jnp.float32)
    pos_idx = jax.random.randint(ks[2], (BATCH,), 0, OUTPUT_SIZE, dtype=jnp.int32)
    contrast_idx = jax.random.randint(ks[3], (BATCH, NCE_K + 1), 0, OUTPUT_SIZE, dtype=jnp.int32)
    # first column of contrast_idx is the positive sample index (as in torch forward)
    contrast_idx = contrast_idx.at[:, 0].set(pos_idx)
    stdv = 1.0 / np.sqrt(INPUT_SIZE / 3.0)
    memory_v1 = jax.random.uniform(ks[4], (OUTPUT_SIZE, INPUT_SIZE), dtype=jnp.float32, minval=-stdv, maxval=stdv)
    memory_v2 = jax.random.uniform(ks[5], (OUTPUT_SIZE, INPUT_SIZE), dtype=jnp.float32, minval=-stdv, maxval=stdv)
    return {
        'student_embed': student_embed,
        'teacher_embed': teacher_embed,
        'pos_idx': pos_idx,
        'contrast_idx': contrast_idx,
        'memory_v1': memory_v1,
        'memory_v2': memory_v2,
    }


def _contrast_loss(x):
    b = x.shape[0]
    m = x.shape[1] - 1
    pn = 1.0 / float(NUM_SAMPLES)
    p_pos = x[:, 0]
    log_d1 = jnp.log(p_pos / (p_pos + m * pn + EPS))
    p_neg = x[:, 1:]
    log_d0 = jnp.log((m * pn) / (p_neg + m * pn + EPS))
    return -(jnp.sum(log_d1) + jnp.sum(log_d0)) / b


def reference(student_embed, teacher_embed, pos_idx, contrast_idx, memory_v1, memory_v2):
    b, d = student_embed.shape
    flat_idx = contrast_idx.reshape(-1)
    # gather negatives+positive rows from both memory banks (detached in torch)
    weight_v1 = jax.lax.stop_gradient(jnp.take(memory_v1, flat_idx, axis=0)).reshape(b, -1, d)
    out_v2 = jnp.exp(jnp.einsum('bkd,bd->bk', weight_v1, teacher_embed) / TEMPERATURE)
    weight_v2 = jax.lax.stop_gradient(jnp.take(memory_v2, flat_idx, axis=0)).reshape(b, -1, d)
    out_v1 = jnp.exp(jnp.einsum('bkd,bd->bk', weight_v2, student_embed) / TEMPERATURE)
    # z constants initialized on first call (z_v1 = z_v2 = -1 < 0); detached in torch
    z_v1 = jax.lax.stop_gradient(jnp.mean(out_v1) * OUTPUT_SIZE)
    z_v2 = jax.lax.stop_gradient(jnp.mean(out_v2) * OUTPUT_SIZE)
    out_v1 = out_v1 / z_v1
    out_v2 = out_v2 / z_v2
    # momentum memory-bank update (torch no_grad + index_copy_)
    l_pos = jnp.take(memory_v1, pos_idx, axis=0) * MOMENTUM + student_embed * (1.0 - MOMENTUM)
    l_norm = jnp.sqrt(jnp.sum(l_pos ** 2, axis=1, keepdims=True))
    updated_v1 = jax.lax.stop_gradient(l_pos / l_norm)
    new_memory_v1 = memory_v1.at[pos_idx].set(updated_v1)
    ab_pos = jnp.take(memory_v2, pos_idx, axis=0) * MOMENTUM + teacher_embed * (1.0 - MOMENTUM)
    ab_norm = jnp.sqrt(jnp.sum(ab_pos ** 2, axis=1, keepdims=True))
    updated_v2 = jax.lax.stop_gradient(ab_pos / ab_norm)
    new_memory_v2 = memory_v2.at[pos_idx].set(updated_v2)
    loss = _contrast_loss(out_v1) + _contrast_loss(out_v2)
    return jnp.reshape(loss, (1,)), new_memory_v1, new_memory_v2

if __name__ == "__main__":
    import jax
    _d = setup_inputs()
    print(jax.jit(kernel)(*tuple(_d.values())))

</pallas_src>

<mosaic_0001>
#map = affine_map<(d0, d1) -> (0, 0)>
#map1 = affine_map<(d0, d1) -> (0)>
module attributes {stable_mosaic.version = 14 : i64} {
  func.func @_stage_a_body(%arg0: i32, %arg1: i32, %arg2: memref<100000x128xf32, #tpu.memory_space<hbm>>, %arg3: memref<100000x128xf32, #tpu.memory_space<hbm>>, %arg4: memref<128xi32, #tpu.memory_space<hbm>>, %arg5: memref<128x128xf32, #tpu.memory_space<hbm>>, %arg6: memref<128x128xf32, #tpu.memory_space<hbm>>, %arg7: memref<8xi32, #tpu.memory_space<vmem>>, %arg8: memref<8x128xf32, #tpu.memory_space<vmem>>, %arg9: memref<!tpu.dma_semaphore, #tpu.memory_space<semaphore_mem>>) attributes {dimension_semantics = [#tpu.dimension_semantics<core_parallel>, #tpu.dimension_semantics<subcore_parallel>], iteration_bounds = array<i64: 2, 16>, scalar_prefetch = 0 : i64, scratch_operands = 3 : i64, tpu.core_type = #tpu.core_type<sc_vector_subcore>, window_params = [{transform_indices = #map}, {transform_indices = #map}, {transform_indices = #map1}, {transform_indices = #map}, {transform_indices = #map}]} {
    %mul3A = arith.constant 2 : i32
    %mul3A_0 = arith.muli %arg1, %mul3A : i32
    %add3A = arith.addi %mul3A_0, %arg0 : i32
    %jit3A = arith.constant 16 : i32
    %eq3A = arith.constant 0 : i32
    %eq3A_1 = arith.cmpi eq, %jit3A, %eq3A : i32
    %jit3A_2 = arith.constant 1 : i32
    %select_n3A = arith.select %eq3A_1, %jit3A_2, %jit3A : i32
    %rem3A = arith.remsi %add3A, %select_n3A : i32
    %ne3A = arith.constant 0 : i32
    %ne3A_3 = arith.cmpi ne, %rem3A, %ne3A : i32
    %lt3A = arith.constant 0 : i32
    %lt3A_4 = arith.cmpi slt, %rem3A, %lt3A : i32
    %lt3A_5 = arith.constant 0 : i32
    %lt3A_6 = arith.cmpi slt, %select_n3A, %lt3A_5 : i32
    %ne3A_7 = arith.xori %lt3A_4, %lt3A_6 : i1
    %and3A = arith.andi %ne3A_7, %ne3A_3 : i1
    %add3A_8 = arith.addi %rem3A, %select_n3A : i32
    %select_n3A_9 = arith.select %and3A, %add3A_8, %rem3A : i32
    %mul3A_10 = arith.constant 8 : i32
    %mul3A_11 = arith.muli %select_n3A_9, %mul3A_10 : i32
    "tpu.region"() ({
      %run_scoped3A = tpu.sem_alloc : memref<!tpu.dma_semaphore, #tpu.memory_space<semaphore_mem>>
      %dma_start3A_22 = tpu.memref_slice %arg4[%mul3A_11] : memref<128xi32, #tpu.memory_space<hbm>> -> memref<8xi32, #tpu.memory_space<hbm>>
      %dma_start3A_23 = tpu.memref_slice %arg4[%mul3A_11] : memref<128xi32, #tpu.memory_space<hbm>> -> memref<8xi32, #tpu.memory_space<hbm>>
      tpu.enqueue_dma source(%dma_start3A_23 : memref<8xi32, #tpu.memory_space<hbm>>) target(%arg7 : memref<8xi32, #tpu.memory_space<vmem>>) target_semaphore(%run_scoped3A : memref<!tpu.dma_semaphore, #tpu.memory_space<semaphore_mem>>)
      %dma_wait3A_24 = tpu.memref_slice %arg4[%mul3A_11] : memref<128xi32, #tpu.memory_space<hbm>> -> memref<8xi32, #tpu.memory_space<hbm>>
      %dma_wait3A_25 = tpu.memref_slice %arg4[%mul3A_11] : memref<128xi32, #tpu.memory_space<hbm>> -> memref<8xi32, #tpu.memory_space<hbm>>
      tpu.wait_dma2 semaphore(%run_scoped3A : memref<!tpu.dma_semaphore, #tpu.memory_space<semaphore_mem>>) src(%dma_wait3A_25 : memref<8xi32, #tpu.memory_space<hbm>>) dst(%arg7 : memref<8xi32, #tpu.memory_space<vmem>>)
      tpu.yield
    }) : () -> ()
    %dma_start3A = arith.constant 0 : i32
    %dma_start3A_12 = arith.constant 0 : i32
    %dma_start3A_13 = tpu.memref_slice %arg2[%dma_start3A, %dma_start3A_12] : memref<100000x128xf32, #tpu.memory_space<hbm>> -> memref<100000x128xf32, #tpu.memory_space<hbm>>
    tpu.enqueue_indirect_dma source(%dma_start3A_13 : memref<100000x128xf32, #tpu.memory_space<hbm>>) target(%arg8 : memref<8x128xf32, #tpu.memory_space<vmem>>) offsets(%arg7 : memref<8xi32, #tpu.memory_space<vmem>>) semaphore(%arg9 : memref<!tpu.dma_semaphore, #tpu.memory_space<semaphore_mem>>)
    %dma_wait3A = arith.constant 0 : i32
    %dma_wait3A_14 = arith.constant 0 : i32
    %dma_wait3A_15 = tpu.memref_slice %arg2[%dma_wait3A, %dma_wait3A_14] : memref<100000x128xf32, #tpu.memory_space<hbm>> -> memref<100000x128xf32, #tpu.memory_space<hbm>>
    tpu.wait_indirect_dma semaphore(%arg9 : memref<!tpu.dma_semaphore, #tpu.memory_space<semaphore_mem>>) src(%dma_wait3A_15 : memref<100000x128xf32, #tpu.memory_space<hbm>>) dst(%arg8 : memref<8x128xf32, #tpu.memory_space<vmem>>)
    "tpu.region"() ({
      %run_scoped3A = tpu.sem_alloc : memref<!tpu.dma_semaphore, #tpu.memory_space<semaphore_mem>>
      %dma_start3A_22 = arith.constant 0 : i32
      %dma_start3A_23 = tpu.memref_slice %arg5[%mul3A_11, %dma_start3A_22] : memref<128x128xf32, #tpu.memory_space<hbm>> -> memref<8x128xf32, #tpu.memory_space<hbm>>
      %dma_start3A_24 = arith.constant 0 : i32
      %dma_start3A_25 = tpu.memref_slice %arg5[%mul3A_11, %dma_start3A_24] : memref<128x128xf32, #tpu.memory_space<hbm>> -> memref<8x128xf32, #tpu.memory_space<hbm>>
      tpu.enqueue_dma source(%arg8 : memref<8x128xf32, #tpu.memory_space<vmem>>) target(%dma_start3A_25 : memref<8x128xf32, #tpu.memory_space<hbm>>) target_semaphore(%run_scoped3A : memref<!tpu.dma_semaphore, #tpu.memory_space<semaphore_mem>>)
      %dma_wait3A_26 = arith.constant 0 : i32
      %dma_wait3A_27 = tpu.memref_slice %arg5[%mul3A_11, %dma_wait3A_26] : memref<128x128xf32, #tpu.memory_space<hbm>> -> memref<8x128xf32, #tpu.memory_space<hbm>>
      %dma_wait3A_28 = arith.constant 0 : i32
      %dma_wait3A_29 = tpu.memref_slice %arg5[%mul3A_11, %dma_wait3A_28] : memref<128x128xf32, #tpu.memory_space<hbm>> -> memref<8x128xf32, #tpu.memory_space<hbm>>
      tpu.wait_dma2 semaphore(%run_scoped3A : memref<!tpu.dma_semaphore, #tpu.memory_space<semaphore_mem>>) src(%arg8 : memref<8x128xf32, #tpu.memory_space<vmem>>) dst(%dma_wait3A_29 : memref<8x128xf32, #tpu.memory_space<hbm>>)
      tpu.yield
    }) : () -> ()
    %dma_start3A_16 = arith.constant 0 : i32
    %dma_start3A_17 = arith.constant 0 : i32
    %dma_start3A_18 = tpu.memref_slice %arg3[%dma_start3A_16, %dma_start3A_17] : memref<100000x128xf32, #tpu.memory_space<hbm>> -> memref<100000x128xf32, #tpu.memory_space<hbm>>
    tpu.enqueue_indirect_dma source(%dma_start3A_18 : memref<100000x128xf32, #tpu.memory_space<hbm>>) target(%arg8 : memref<8x128xf32, #tpu.memory_space<vmem>>) offsets(%arg7 : memref<8xi32, #tpu.memory_space<vmem>>) semaphore(%arg9 : memref<!tpu.dma_semaphore, #tpu.memory_space<semaphore_mem>>)
    %dma_wait3A_19 = arith.constant 0 : i32
    %dma_wait3A_20 = arith.constant 0 : i32
    %dma_wait3A_21 = tpu.memref_slice %arg3[%dma_wait3A_19, %dma_wait3A_20] : memref<100000x128xf32, #tpu.memory_space<hbm>> -> memref<100000x128xf32, #tpu.memory_space<hbm>>
    tpu.wait_indirect_dma semaphore(%arg9 : memref<!tpu.dma_semaphore, #tpu.memory_space<semaphore_mem>>) src(%dma_wait3A_21 : memref<100000x128xf32, #tpu.memory_space<hbm>>) dst(%arg8 : memref<8x128xf32, #tpu.memory_space<vmem>>)
    "tpu.region"() ({
      %run_scoped3A = tpu.sem_alloc : memref<!tpu.dma_semaphore, #tpu.memory_space<semaphore_mem>>
      %dma_start3A_22 = arith.constant 0 : i32
      %dma_start3A_23 = tpu.memref_slice %arg6[%mul3A_11, %dma_start3A_22] : memref<128x128xf32, #tpu.memory_space<hbm>> -> memref<8x128xf32, #tpu.memory_space<hbm>>
      %dma_start3A_24 = arith.constant 0 : i32
      %dma_start3A_25 = tpu.memref_slice %arg6[%mul3A_11, %dma_start3A_24] : memref<128x128xf32, #tpu.memory_space<hbm>> -> memref<8x128xf32, #tpu.memory_space<hbm>>
      tpu.enqueue_dma source(%arg8 : memref<8x128xf32, #tpu.memory_space<vmem>>) target(%dma_start3A_25 : memref<8x128xf32, #tpu.memory_space<hbm>>) target_semaphore(%run_scoped3A : memref<!tpu.dma_semaphore, #tpu.memory_space<semaphore_mem>>)
      %dma_wait3A_26 = arith.constant 0 : i32
      %dma_wait3A_27 = tpu.memref_slice %arg6[%mul3A_11, %dma_wait3A_26] : memref<128x128xf32, #tpu.memory_space<hbm>> -> memref<8x128xf32, #tpu.memory_space<hbm>>
      %dma_wait3A_28 = arith.constant 0 : i32
      %dma_wait3A_29 = tpu.memref_slice %arg6[%mul3A_11, %dma_wait3A_28] : memref<128x128xf32, #tpu.memory_space<hbm>> -> memref<8x128xf32, #tpu.memory_space<hbm>>
      tpu.wait_dma2 semaphore(%run_scoped3A : memref<!tpu.dma_semaphore, #tpu.memory_space<semaphore_mem>>) src(%arg8 : memref<8x128xf32, #tpu.memory_space<vmem>>) dst(%dma_wait3A_29 : memref<8x128xf32, #tpu.memory_space<hbm>>)
      tpu.yield
    }) : () -> ()
    return
  }
}

#map = affine_map<(d0, d1) -> (0, 0)>
module attributes {stable_mosaic.version = 14 : i64} {
  func.func @_stage_c_body(%arg0: i32, %arg1: i32, %arg2: memref<256x100000xf32, #tpu.memory_space<hbm>>, %arg3: memref<128x4112xi32, #tpu.memory_space<hbm>>, %arg4: memref<256x4112xf32, #tpu.memory_space<hbm>>, %arg5: memref<100000xf32, #tpu.memory_space<vmem>>, %arg6: memref<4112xi32, #tpu.memory_space<vmem>>, %arg7: memref<4112xf32, #tpu.memory_space<vmem>>, %arg8: memref<!tpu.dma_semaphore, #tpu.memory_space<semaphore_mem>>) attributes {dimension_semantics = [#tpu.dimension_semantics<core_parallel>, #tpu.dimension_semantics<subcore_parallel>], iteration_bounds = array<i64: 2, 16>, scalar_prefetch = 0 : i64, scratch_operands = 4 : i64, tpu.core_type = #tpu.core_type<sc_vector_subcore>, window_params = [{transform_indices = #map}, {transform_indices = #map}, {transform_indices = #map}]} {
    %mul3A = arith.constant 2 : i32
    %mul3A_0 = arith.muli %arg1, %mul3A : i32
    %add3A = arith.addi %mul3A_0, %arg0 : i32
    %mul3A_1 = arith.constant 8 : i32
    %mul3A_2 = arith.muli %add3A, %mul3A_1 : i32
    %add3A_3 = arith.constant 0 : i32
    %add3A_4 = arith.addi %mul3A_2, %add3A_3 : i32
    %jit3A = arith.constant 128 : i32
    %div3A = arith.divsi %add3A_4, %jit3A : i32
    %sign3A = arith.constant 0 : i32
    %sign3A_5 = arith.cmpi sgt, %add3A_4, %sign3A : i32
    %sign3A_6 = arith.extui %sign3A_5 : i1 to i32
    %sign3A_7 = arith.constant 0 : i32
    %sign3A_8 = arith.cmpi slt, %add3A_4, %sign3A_7 : i32
    %sign3A_9 = arith.extui %sign3A_8 : i1 to i32
    %sign3A_10 = arith.subi %sign3A_6, %sign3A_9 : i32
    %sign3A_11 = arith.constant 0 : i32
    %sign3A_12 = arith.cmpi sgt, %jit3A, %sign3A_11 : i32
    %sign3A_13 = arith.extui %sign3A_12 : i1 to i32
    %sign3A_14 = arith.constant 0 : i32
    %sign3A_15 = arith.cmpi slt, %jit3A, %sign3A_14 : i32
    %sign3A_16 = arith.extui %sign3A_15 : i1 to i32
    %sign3A_17 = arith.subi %sign3A_13, %sign3A_16 : i32
    %ne3A = arith.cmpi ne, %sign3A_10, %sign3A_17 : i32
    %rem3A = arith.remsi %add3A_4, %jit3A : i32
    %ne3A_18 = arith.constant 0 : i32
    %ne3A_19 = arith.cmpi ne, %rem3A, %ne3A_18 : i32
    %and3A = arith.andi %ne3A, %ne3A_19 : i1
    %sub3A = arith.constant 1 : i32
    %sub3A_20 = arith.subi %div3A, %sub3A : i32
    %select_n3A = arith.select %and3A, %sub3A_20, %div3A : i32
    %mul3A_21 = arith.constant 128 : i32
    %mul3A_22 = arith.muli %select_n3A, %mul3A_21 : i32
    %sub3A_23 = arith.subi %add3A_4, %mul3A_22 : i32
    %dma_start3A = arith.constant 0 : i32
    %dma_start3A_24 = tpu.memref_slice %arg2[%add3A_4, %dma_start3A] : memref<256x100000xf32, #tpu.memory_space<hbm>> -> memref<1x100000xf32, #tpu.memory_space<hbm>>
    %dma_start3A_25 = tpu.memref_squeeze %dma_start3A_24 : memref<1x100000xf32, #tpu.memory_space<hbm>> -> memref<100000xf32, #tpu.memory_space<hbm>>
    %dma_start3A_26 = arith.constant 0 : i32
    %dma_start3A_27 = tpu.memref_slice %arg2[%add3A_4, %dma_start3A_26] : memref<256x100000xf32, #tpu.memory_space<hbm>> -> memref<1x100000xf32, #tpu.memory_space<hbm>>
    %dma_start3A_28 = tpu.memref_squeeze %dma_start3A_27 : memref<1x100000xf32, #tpu.memory_space<hbm>> -> memref<100000xf32, #tpu.memory_space<hbm>>
    tpu.enqueue_dma source(%dma_start3A_28 : memref<100000xf32, #tpu.memory_space<hbm>>) target(%arg5 : memref<100000xf32, #tpu.memory_space<vmem>>) target_semaphore(%arg8 : memref<!tpu.dma_semaphore, #tpu.memory_space<semaphore_mem>>)
    "tpu.region"() ({
      %run_scoped3A = tpu.sem_alloc : memref<!tpu.dma_semaphore, #tpu.memory_space<semaphore_mem>>
      %dma_start3A_453 = arith.constant 0 : i32
      %dma_start3A_454 = tpu.memref_slice %arg3[%sub3A_23, %dma_start3A_453] : memref<128x4112xi32, #tpu.memory_space<hbm>> -> memref<1x4112xi32, #tpu.memory_space<hbm>>
      %dma_start3A_455 = tpu.memref_squeeze %dma_start3A_454 : memref<1x4112xi32, #tpu.memory_space<hbm>> -> memref<4112xi32, #tpu.memory_space<hbm>>
      %dma_start3A_456 = arith.constant 0 : i32
      %dma_start3A_457 = tpu.memref_slice %arg3[%sub3A_23, %dma_start3A_456] : memref<128x4112xi32, #tpu.memory_space<hbm>> -> memref<1x4112xi32, #tpu.memory_space<hbm>>
      %dma_start3A_458 = tpu.memref_squeeze %dma_start3A_457 : memref<1x4112xi32, #tpu.memory_space<hbm>> -> memref<4112xi32, #tpu.memory_space<hbm>>
      tpu.enqueue_dma source(%dma_start3A_458 : memref<4112xi32, #tpu.memory_space<hbm>>) target(%arg6 : memref<4112xi32, #tpu.memory_space<vmem>>) target_semaphore(%run_scoped3A : memref<!tpu.dma_semaphore, #tpu.memory_space<semaphore_mem>>)
      %dma_wait3A_459 = arith.constant 0 : i32
      %dma_wait3A_460 = tpu.memref_slice %arg3[%sub3A_23, %dma_wait3A_459] : memref<128x4112xi32, #tpu.memory_space<hbm>> -> memref<1x4112xi32, #tpu.memory_space<hbm>>
      %dma_wait3A_461 = tpu.memref_squeeze %dma_wait3A_460 : memref<1x4112xi32, #tpu.memory_space<hbm>> -> memref<4112xi32, #tpu.memory_space<hbm>>
      %dma_wait3A_462 = arith.constant 0 : i32
      %dma_wait3A_463 = tpu.memref_slice %arg3[%sub3A_23, %dma_wait3A_462] : memref<128x4112xi32, #tpu.memory_space<hbm>> -> memref<1x4112xi32, #tpu.memory_space<hbm>>
      %dma_wait3A_464 = tpu.memref_squeeze %dma_wait3A_463 : memref<1x4112xi32, #tpu.memory_space<hbm>> -> memref<4112xi32, #tpu.memory_space<hbm>>
      tpu.wait_dma2 semaphore(%run_scoped3A : memref<!tpu.dma_semaphore, #tpu.memory_space<semaphore_mem>>) src(%dma_wait3A_464 : memref<4112xi32, #tpu.memory_space<hbm>>) dst(%arg6 : memref<4112xi32, #tpu.memory_space<vmem>>)
      tpu.yield
    }) : () -> ()
    %dma_wait3A = arith.constant 0 : i32
    %dma_wait3A_29 = tpu.memref_slice %arg2[%add3A_4, %dma_wait3A] : memref<256x100000xf32, #tpu.memory_space<hbm>> -> memref<1x100000xf32, #tpu.memory_space<hbm>>
    %dma_wait3A_30 = tpu.memref_squeeze %dma_wait3A_29 : memref<1x100000xf32, #tpu.memory_space<hbm>> -> memref<100000xf32, #tpu.memory_space<hbm>>
    %dma_wait3A_31 = arith.constant 0 : i32
    %dma_wait3A_32 = tpu.memref_slice %arg2[%add3A_4, %dma_wait3A_31] : memref<256x100000xf32, #tpu.memory_space<hbm>> -> memref<1x100000xf32, #tpu.memory_space<hbm>>
    %dma_wait3A_33 = tpu.memref_squeeze %dma_wait3A_32 : memref<1x100000xf32, #tpu.memory_space<hbm>> -> memref<100000xf32, #tpu.memory_space<hbm>>
    tpu.wait_dma2 semaphore(%arg8 : memref<!tpu.dma_semaphore, #tpu.memory_space<semaphore_mem>>) src(%dma_wait3A_33 : memref<100000xf32, #tpu.memory_space<hbm>>) dst(%arg5 : memref<100000xf32, #tpu.memory_space<vmem>>)
    %scan3A = arith.constant 0 : i32
    %scan3A_34 = arith.constant 0 : i32
    %scan3A_35 = arith.constant 256 : i32
    %scan3A_36 = arith.addi %scan3A_34, %scan3A_35 : i32
    %scan3A_37 = arith.constant 16 : i32
    scf.for %scan3A_453 = %scan3A_34 to %scan3A_36 step %scan3A_37  : i32 {
      %mul3A_454 = arith.constant 16 : i32
      %mul3A_455 = arith.muli %scan3A_453, %mul3A_454 : i32
      %get3A_456 = arith.index_cast %mul3A_455 : i32 to index
      %get3A_457 = tpu.vector_load %arg6[%get3A_456] {strides = array<i32>} : memref<4112xi32, #tpu.memory_space<vmem>>, vector<16xi32>,
      %gather3A_458 = tpu.vector_load_idx %arg5[%get3A_457] : memref<100000xf32, #tpu.memory_space<vmem>>[vector<16xi32>], vector<16xf32>,
      %mul3A_459 = arith.constant 16 : i32
      %mul3A_460 = arith.muli %scan3A_453, %mul3A_459 : i32
      %swap3A_461 = arith.index_cast %mul3A_460 : i32 to index
      %swap3A_462 = tpu.vector_load %arg7[%swap3A_461] {strides = array<i32>} : memref<4112xf32, #tpu.memory_space<vmem>>, vector<16xf32>,
      tpu.vector_store %arg7[%swap3A_461], %gather3A_458 {strides = array<i32>} : memref<4112xf32, #tpu.memory_space<vmem>>, vector<16xf32>,
      %scan3A_463 = arith.constant 1 : i32
      %scan3A_464 = arith.addi %scan3A_453, %scan3A_463 : i32
      %mul3A_465 = arith.constant 16 : i32
      %mul3A_466 = arith.muli %scan3A_464, %mul3A_465 : i32
      %get3A_467 = arith.index_cast %mul3A_466 : i32 to index
      %get3A_468 = tpu.vector_load %arg6[%get3A_467] {strides = array<i32>} : memref<4112xi32, #tpu.memory_space<vmem>>, vector<16xi32>,
      %gather3A_469 = tpu.vector_load_idx %arg5[%get3A_468] : memref<100000xf32, #tpu.memory_space<vmem>>[vector<16xi32>], vector<16xf32>,
      %mul3A_470 = arith.constant 16 : i32
      %mul3A_471 = arith.muli %scan3A_464, %mul3A_470 : i32
      %swap3A_472 = arith.index_cast %mul3A_471 : i32 to index
      %swap3A_473 = tpu.vector_load %arg7[%swap3A_472] {strides = array<i32>} : memref<4112xf32, #tpu.memory_space<vmem>>, vector<16xf32>,
      tpu.vector_store %arg7[%swap3A_472], %gather3A_469 {strides = array<i32>} : memref<4112xf32, #tpu.memory_space<vmem>>, vector<16xf32>,
      %scan3A_474 = arith.constant 2 : i32
      %scan3A_475 = arith.addi %scan3A_453, %scan3A_474 : i32
      %mul3A_476 = arith.constant 16 : i32
      %mul3A_477 = arith.muli %scan3A_475, %mul3A_476 : i32
      %get3A_478 = arith.index_cast %mul3A_477 : i32 to index
      %get3A_479 = tpu.vector_load %arg6[%get3A_478] {strides = array<i32>} : memref<4112xi32, #tpu.memory_space<vmem>>, vector<16xi32>,
      %gather3A_480 = tpu.vector_load_idx %arg5[%get3A_479] : memref<100000xf32, #tpu.memory_space<vmem>>[vector<16xi32>], vector<16xf32>,
      %mul3A_481 = arith.constant 16 : i32
      %mul3A_482 = arith.muli %scan3A_475, %mul3A_481 : i32
      %swap3A_483 = arith.index_cast %mul3A_482 : i32 to index
      %swap3A_484 = tpu.vector_load %arg7[%swap3A_483] {strides = array<i32>} : memref<4112xf32, #tpu.memory_space<vmem>>, vector<16xf32>,
      tpu.vector_store %arg7[%swap3A_483], %gather3A_480 {strides = array<i32>} : memref<4112xf32, #tpu.memory_space<vmem>>, vector<16xf32>,
      %scan3A_485 = arith.constant 3 : i32
      %scan3A_486 = arith.addi %scan3A_453, %scan3A_485 : i32
      %mul3A_487 = arith.constant 16 : i32
      %mul3A_488 = arith.muli %scan3A_486, %mul3A_487 : i32
      %get3A_489 = arith.index_cast %mul3A_488 : i32 to index
      %get3A_490 = tpu.vector_load %arg6[%get3A_489] {strides = array<i32>} : memref<4112xi32, #tpu.memory_space<vmem>>, vector<16xi32>,
      %gather3A_491 = tpu.vector_load_idx %arg5[%get3A_490] : memref<100000xf32, #tpu.memory_space<vmem>>[vector<16xi32>], vector<16xf32>,
      %mul3A_492 = arith.constant 16 : i32
      %mul3A_493 = arith.muli %scan3A_486, %mul3A_492 : i32
      %swap3A_494 = arith.index_cast %mul3A_493 : i32 to index
      %swap3A_495 = tpu.vector_load %arg7[%swap3A_494] {strides = array<i32>} : memref<4112xf32, #tpu.memory_space<vmem>>, vector<16xf32>,
      tpu.vector_store %arg7[%swap3A_494], %gather3A_491 {strides = array<i32>} : memref<4112xf32, #tpu.memory_space<vmem>>, vector<16xf32>,
      %scan3A_496 = arith.constant 4 : i32
      %scan3A_497 = arith.addi %scan3A_453, %scan3A_496 : i32
      %mul3A_498 = arith.constant 16 : i32
      %mul3A_499 = arith.muli %scan3A_497, %mul3A_498 : i32
      %get3A_500 = arith.index_cast %mul3A_499 : i32 to index
      %get3A_501 = tpu.vector_load %arg6[%get3A_500] {strides = array<i32>} : memref<4112xi32, #tpu.memory_space<vmem>>, vector<16xi32>,
      %gather3A_502 = tpu.vector_load_idx %arg5[%get3A_501] : memref<100000xf32, #tpu.memory_space<vmem>>[vector<16xi32>], vector<16xf32>,
      %mul3A_503 = arith.constant 16 : i32
      %mul3A_504 = arith.muli %scan3A_497, %mul3A_503 : i32
      %swap3A_505 = arith.index_cast %mul3A_504 : i32 to index
      %swap3A_506 = tpu.vector_load %arg7[%swap3A_505] {strides = array<i32>} : memref<4112xf32, #tpu.memory_space<vmem>>, vector<16xf32>,
      tpu.vector_store %arg7[%swap3A_505], %gather3A_502 {strides = array<i32>} : memref<4112xf32, #tpu.memory_space<vmem>>, vector<16xf32>,
      %scan3A_507 = arith.constant 5 : i32
      %scan3A_508 = arith.addi %scan3A_453, %scan3A_507 : i32
      %mul3A_509 = arith.constant 16 : i32
      %mul3A_510 = arith.muli %scan3A_508, %mul3A_509 : i32
      %get3A_511 = arith.index_cast %mul3A_510 : i32 to index
      %get3A_512 = tpu.vector_load %arg6[%get3A_511] {strides = array<i32>} : memref<4112xi32, #tpu.memory_space<vmem>>, vector<16xi32>,
      %gather3A_513 = tpu.vector_load_idx %arg5[%get3A_512] : memref<100000xf32, #tpu.memory_space<vmem>>[vector<16xi32>], vector<16xf32>,
      %mul3A_514 = arith.constant 16 : i32
      %mul3A_515 = arith.muli %scan3A_508, %mul3A_514 : i32
      %swap3A_516 = arith.index_cast %mul3A_515 : i32 to index
      %swap3A_517 = tpu.vector_load %arg7[%swap3A_516] {strides = array<i32>} : memref<4112xf32, #tpu.memory_space<vmem>>, vector<16xf32>,
      tpu.vector_store %arg7[%swap3A_516], %gather3A_513 {strides = array<i32>} : memref<4112xf32, #tpu.memory_space<vmem>>, vector<16xf32>,
      %scan3A_518 = arith.constant 6 : i32
      %scan3A_519 = arith.addi %scan3A_453, %scan3A_518 : i32
      %mul3A_520 = arith.constant 16 : i32
      %mul3A_521 = arith.muli %scan3A_519, %mul3A_520 : i32
      %get3A_522 = arith.index_cast %mul3A_521 : i32 to index
      %get3A_523 = tpu.vector_load %arg6[%get3A_522] {strides = array<i32>} : memref<4112xi32, #tpu.memory_space<vmem>>, vector<16xi32>,
      %gather3A_524 = tpu.vector_load_idx %arg5[%get3A_523] : memref<100000xf32, #tpu.memory_space<vmem>>[vector<16xi32>], vector<16xf32>,
      %mul3A_525 = arith.constant 16 : i32
      %mul3A_526 = arith.muli %scan3A_519, %mul3A_525 : i32
      %swap3A_527 = arith.index_cast %mul3A_526 : i32 to index
      %swap3A_528 = tpu.vector_load %arg7[%swap3A_527] {strides = array<i32>} : memref<4112xf32, #tpu.memory_space<vmem>>, vector<16xf32>,
      tpu.vector_store %arg7[%swap3A_527], %gather3A_524 {strides = array<i32>} : memref<4112xf32, #tpu.memory_space<vmem>>, vector<16xf32>,
      %scan3A_529 = arith.constant 7 : i32
      %scan3A_530 = arith.addi %scan3A_453, %scan3A_529 : i32
      %mul3A_531 = arith.constant 16 : i32
      %mul3A_532 = arith.muli %scan3A_530, %mul3A_531 : i32
      %get3A_533 = arith.index_cast %mul3A_532 : i32 to index
      %get3A_534 = tpu.vector_load %arg6[%get3A_533] {strides = array<i32>} : memref<4112xi32, #tpu.memory_space<vmem>>, vector<16xi32>,
      %gather3A_535 = tpu.vector_load_idx %arg5[%get3A_534] : memref<100000xf32, #tpu.memory_space<vmem>>[vector<16xi32>], vector<16xf32>,
      %mul3A_536 = arith.constant 16 : i32
      %mul3A_537 = arith.muli %scan3A_530, %mul3A_536 : i32
      %swap3A_538 = arith.index_cast %mul3A_537 : i32 to index
      %swap3A_539 = tpu.vector_load %arg7[%swap3A_538] {strides = array<i32>} : memref<4112xf32, #tpu.memory_space<vmem>>, vector<16xf32>,
      tpu.vector_store %arg7[%swap3A_538], %gather3A_535 {strides = array<i32>} : memref<4112xf32, #tpu.memory_space<vmem>>, vector<16xf32>,
      %scan3A_540 = arith.constant 8 : i32
      %scan3A_541 = arith.addi %scan3A_453, %scan3A_540 : i32
      %mul3A_542 = arith.constant 16 : i32
      %mul3A_543 = arith.muli %scan3A_541, %mul3A_542 : i32
      %get3A_544 = arith.index_cast %mul3A_543 : i32 to index
      %get3A_545 = tpu.vector_load %arg6[%get3A_544] {strides = array<i32>} : memref<4112xi32, #tpu.memory_space<vmem>>, vector<16xi32>,
      %gather3A_546 = tpu.vector_load_idx %arg5[%get3A_545] : memref<100000xf32, #tpu.memory_space<vmem>>[vector<16xi32>], vector<16xf32>,
      %mul3A_547 = arith.constant 16 : i32
      %mul3A_548 = arith.muli %scan3A_541, %mul3A_547 : i32
      %swap3A_549 = arith.index_cast %mul3A_548 : i32 to index
      %swap3A_550 = tpu.vector_load %arg7[%swap3A_549] {strides = array<i32>} : memref<4112xf32, #tpu.memory_space<vmem>>, vector<16xf32>,
      tpu.vector_store %arg7[%swap3A_549], %gather3A_546 {strides = array<i32>} : memref<4112xf32, #tpu.memory_space<vmem>>, vector<16xf32>,
      %scan3A_551 = arith.constant 9 : i32
      %scan3A_552 = arith.addi %scan3A_453, %scan3A_551 : i32
      %mul3A_553 = arith.constant 16 : i32
      %mul3A_554 = arith.muli %scan3A_552, %mul3A_553 : i32
      %get3A_555 = arith.index_cast %mul3A_554 : i32 to index
      %get3A_556 = tpu.vector_load %arg6[%get3A_555] {strides = array<i32>} : memref<4112xi32, #tpu.memory_space<vmem>>, vector<16xi32>,
      %gather3A_557 = tpu.vector_load_idx %arg5[%get3A_556] : memref<100000xf32, #tpu.memory_space<vmem>>[vector<16xi32>], vector<16xf32>,
      %mul3A_558 = arith.constant 16 : i32
      %mul3A_559 = arith.muli %scan3A_552, %mul3A_558 : i32
      %swap3A_560 = arith.index_cast %mul3A_559 : i32 to index
      %swap3A_561 = tpu.vector_load %arg7[%swap3A_560] {strides = array<i32>} : memref<4112xf32, #tpu.memory_space<vmem>>, vector<16xf32>,
      tpu.vector_store %arg7[%swap3A_560], %gather3A_557 {strides = array<i32>} : memref<4112xf32, #tpu.memory_space<vmem>>, vector<16xf32>,
      %scan3A_562 = arith.constant 10 : i32
      %scan3A_563 = arith.addi %scan3A_453, %scan3A_562 : i32
      %mul3A_564 = arith.constant 16 : i32
      %mul3A_565 = arith.muli %scan3A_563, %mul3A_564 : i32
      %get3A_566 = arith.index_cast %mul3A_565 : i32 to index
      %get3A_567 = tpu.vector_load %arg6[%get3A_566] {strides = array<i32>} : memref<4112xi32, #tpu.memory_space<vmem>>, vector<16xi32>,
      %gather3A_568 = tpu.vector_load_idx %arg5[%get3A_567] : memref<100000xf32, #tpu.memory_space<vmem>>[vector<16xi32>], vector<16xf32>,
      %mul3A_569 = arith.constant 16 : i32
      %mul3A_570 = arith.muli %scan3A_563, %mul3A_569 : i32
      %swap3A_571 = arith.index_cast %mul3A_570 : i32 to index
      %swap3A_572 = tpu.vector_load %arg7[%swap3A_571] {strides = array<i32>} : memref<4112xf32, #tpu.memory_space<vmem>>, vector<16xf32>,
      tpu.vector_store %arg7[%swap3A_571], %gather3A_568 {strides = array<i32>} : memref<4112xf32, #tpu.memory_space<vmem>>, vector<16xf32>,
      %scan3A_573 = arith.constant 11 : i32
      %scan3A_574 = arith.addi %scan3A_453, %scan3A_573 : i32
      %mul3A_575 = arith.constant 16 : i32
      %mul3A_576 = arith.muli %scan3A_574, %mul3A_575 : i32
      %get3A_577 = arith.index_cast %mul3A_576 : i32 to index
      %get3A_578 = tpu.vector_load %arg6[%get3A_577] {strides = array<i32>} : memref<4112xi32, #tpu.memory_space<vmem>>, vector<16xi32>,
      %gather3A_579 = tpu.vector_load_idx %arg5[%get3A_578] : memref<100000xf32, #tpu.memory_space<vmem>>[vector<16xi32>], vector<16xf32>,
      %mul3A_580 = arith.constant 16 : i32
      %mul3A_581 = arith.muli %scan3A_574, %mul3A_580 : i32
      %swap3A_582 = arith.index_cast %mul3A_581 : i32 to index
      %swap3A_583 = tpu.vector_load %arg7[%swap3A_582] {strides = array<i32>} : memref<4112xf32, #tpu.memory_space<vmem>>, vector<16xf32>,
      tpu.vector_store %arg7[%swap3A_582], %gather3A_579 {strides = array<i32>} : memref<4112xf32, #tpu.memory_space<vmem>>, vector<16xf32>,
      %scan3A_584 = arith.constant 12 : i32
      %scan3A_585 = arith.addi %scan3A_453, %scan3A_584 : i32
      %mul3A_586 = arith.constant 16 : i32
      %mul3A_587 = arith.muli %scan3A_585, %mul3A_586 : i32
      %get3A_588 = arith.index_cast %mul3A_587 : i32 to index
      %get3A_589 = tpu.vector_load %arg6[%get3A_588] {strides = array<i32>} : memref<4112xi32, #tpu.memory_space<vmem>>, vector<16xi32>,
      %gather3A_590 = tpu.vector_load_idx %arg5[%get3A_589] : memref<100000xf32, #tpu.memory_space<vmem>>[vector<16xi32>], vector<16xf32>,
      %mul3A_591 = arith.constant 16 : i32
      %mul3A_592 = arith.muli %scan3A_585, %mul3A_591 : i32
      %swap3A_593 = arith.index_cast %mul3A_592 : i32 to index
      %swap3A_594 = tpu.vector_load %arg7[%swap3A_593] {strides = array<i32>} : memref<4112xf32, #tpu.memory_space<vmem>>, vector<16xf32>,
      tpu.vector_store %arg7[%swap3A_593], %gather3A_590 {strides = array<i32>} : memref<4112xf32, #tpu.memory_space<vmem>>, vector<16xf32>,
      %scan3A_595 = arith.constant 13 : i32
      %scan3A_596 = arith.addi %scan3A_453, %scan3A_595 : i32
      %mul3A_597 = arith.constant 16 : i32
      %mul3A_598 = arith.muli %scan3A_596, %mul3A_597 : i32
      %get3A_599 = arith.index_cast %mul3A_598 : i32 to index
      %get3A_600 = tpu.vector_load %arg6[%get3A_599] {strides = array<i32>} : memref<4112xi32, #tpu.memory_space<vmem>>, vector<16xi32>,
      %gather3A_601 = tpu.vector_load_idx %arg5[%get3A_600] : memref<100000xf32, #tpu.memory_space<vmem>>[vector<16xi32>], vector<16xf32>,
      %mul3A_602 = arith.constant 16 : i32
      %mul3A_603 = arith.muli %scan3A_596, %mul3A_602 : i32
      %swap3A_604 = arith.index_cast %mul3A_603 : i32 to index
      %swap3A_605 = tpu.vector_load %arg7[%swap3A_604] {strides = array<i32>} : memref<4112xf32, #tpu.memory_space<vmem>>, vector<16xf32>,
      tpu.vector_store %arg7[%swap3A_604], %gather3A_601 {strides = array<i32>} : memref<4112xf32, #tpu.memory_space<vmem>>, vector<16xf32>,
      %scan3A_606 = arith.constant 14 : i32
      %scan3A_607 = arith.addi %scan3A_453, %scan3A_606 : i32
      %mul3A_608 = arith.constant 16 : i32
      %mul3A_609 = arith.muli %scan3A_607, %mul3A_608 : i32
      %get3A_610 = arith.index_cast %mul3A_609 : i32 to index
      %get3A_611 = tpu.vector_load %arg6[%get3A_610] {strides = array<i32>} : memref<4112xi32, #tpu.memory_space<vmem>>, vector<16xi32>,
      %gather3A_612 = tpu.vector_load_idx %arg5[%get3A_611] : memref<100000xf32, #tpu.memory_space<vmem>>[vector<16xi32>], vector<16xf32>,
      %mul3A_613 = arith.constant 16 : i32
      %mul3A_614 = arith.muli %scan3A_607, %mul3A_613 : i32
      %swap3A_615 = arith.index_cast %mul3A_614 : i32 to index
      %swap3A_616 = tpu.vector_load %arg7[%swap3A_615] {strides = array<i32>} : memref<4112xf32, #tpu.memory_space<vmem>>, vector<16xf32>,
      tpu.vector_store %arg7[%swap3A_615], %gather3A_612 {strides = array<i32>} : memref<4112xf32, #tpu.memory_space<vmem>>, vector<16xf32>,
      %scan3A_617 = arith.constant 15 : i32
      %scan3A_618 = arith.addi %scan3A_453, %scan3A_617 : i32
      %mul3A_619 = arith.constant 16 : i32
      %mul3A_620 = arith.muli %scan3A_618, %mul3A_619 : i32
      %get3A_621 = arith.index_cast %mul3A_620 : i32 to index
      %get3A_622 = tpu.vector_load %arg6[%get3A_621] {strides = array<i32>} : memref<4112xi32, #tpu.memory_space<vmem>>, vector<16xi32>,
      %gather3A_623 = tpu.vector_load_idx %arg5[%get3A_622] : memref<100000xf32, #tpu.memory_space<vmem>>[vector<16xi32>], vector<16xf32>,
      %mul3A_624 = arith.constant 16 : i32
      %mul3A_625 = arith.muli %scan3A_618, %mul3A_624 : i32
      %swap3A_626 = arith.index_cast %mul3A_625 : i32 to index
      %swap3A_627 = tpu.vector_load %arg7[%swap3A_626] {strides = array<i32>} : memref<4112xf32, #tpu.memory_space<vmem>>, vector<16xf32>,
      tpu.vector_store %arg7[%swap3A_626], %gather3A_623 {strides = array<i32>} : memref<4112xf32, #tpu.memory_space<vmem>>, vector<16xf32>,
    }
    %scan3A_38 = arith.constant 256 : i32
    %scan3A_39 = arith.addi %scan3A_34, %scan3A_38 : i32
    %mul3A_40 = arith.constant 16 : i32
    %mul3A_41 = arith.muli %scan3A_39, %mul3A_40 : i32
    %get3A = arith.index_cast %mul3A_41 : i32 to index
    %get3A_42 = tpu.vector_load %arg6[%get3A] {strides = array<i32>} : memref<4112xi32, #tpu.memory_space<vmem>>, vector<16xi32>,
    %gather3A = tpu.vector_load_idx %arg5[%get3A_42] : memref<100000xf32, #tpu.memory_space<vmem>>[vector<16xi32>], vector<16xf32>,
    %mul3A_43 = arith.constant 16 : i32
    %mul3A_44 = arith.muli %scan3A_39, %mul3A_43 : i32
    %swap3A = arith.index_cast %mul3A_44 : i32 to index
    %swap3A_45 = tpu.vector_load %arg7[%swap3A] {strides = array<i32>} : memref<4112xf32, #tpu.memory_space<vmem>>, vector<16xf32>,
    tpu.vector_store %arg7[%swap3A], %gather3A {strides = array<i32>} : memref<4112xf32, #tpu.memory_space<vmem>>, vector<16xf32>,
    %scan3A_46 = arith.constant 257 : i32
    "tpu.region"() ({
      %run_scoped3A = tpu.sem_alloc : memref<!tpu.dma_semaphore, #tpu.memory_space<semaphore_mem>>
      %dma_start3A_453 = arith.constant 0 : i32
      %dma_start3A_454 = tpu.memref_slice %arg4[%add3A_4, %dma_start3A_453] : memref<256x4112xf32, #tpu.memory_space<hbm>> -> memref<1x4112xf32, #tpu.memory_space<hbm>>
      %dma_start3A_455 = tpu.memref_squeeze %dma_start3A_454 : memref<1x4112xf32, #tpu.memory_space<hbm>> -> memref<4112xf32, #tpu.memory_space<hbm>>
      %dma_start3A_456 = arith.constant 0 : i32
      %dma_start3A_457 = tpu.memref_slice %arg4[%add3A_4, %dma_start3A_456] : memref<256x4112xf32, #tpu.memory_space<hbm>> -> memref<1x4112xf32, #tpu.memory_space<hbm>>
      %dma_start3A_458 = tpu.memref_squeeze %dma_start3A_457 : memref<1x4112xf32, #tpu.memory_space<hbm>> -> memref<4112xf32, #tpu.memory_space<hbm>>
      tpu.enqueue_dma source(%arg7 : memref<4112xf32, #tpu.memory_space<vmem>>) target(%dma_start3A_458 : memref<4112xf32, #tpu.memory_space<hbm>>) target_semaphore(%run_scoped3A : memref<!tpu.dma_semaphore, #tpu.memory_space<semaphore_mem>>)
      %dma_wait3A_459 = arith.constant 0 : i32
      %dma_wait3A_460 = tpu.memref_slice %arg4[%add3A_4, %dma_wait3A_459] : memref<256x4112xf32, #tpu.memory_space<hbm>> -> memref<1x4112xf32, #tpu.memory_space<hbm>>
      %dma_wait3A_461 = tpu.memref_squeeze %dma_wait3A_460 : memref<1x4112xf32, #tpu.memory_space<hbm>> -> memref<4112xf32, #tpu.memory_space<hbm>>
      %dma_wait3A_462 = arith.constant 0 : i32
      %dma_wait3A_463 = tpu.memref_slice %arg4[%add3A_4, %dma_wait3A_462] : memref<256x4112xf32, #tpu.memory_space<hbm>> -> memref<1x4112xf32, #tpu.memory_space<hbm>>
      %dma_wait3A_464 = tpu.memref_squeeze %dma_wait3A_463 : memref<1x4112xf32, #tpu.memory_space<hbm>> -> memref<4112xf32, #tpu.memory_space<hbm>>
      tpu.wait_dma2 semaphore(%run_scoped3A : memref<!tpu.dma_semaphore, #tpu.memory_space<semaphore_mem>>) src(%arg7 : memref<4112xf32, #tpu.memory_space<vmem>>) dst(%dma_wait3A_464 : memref<4112xf32, #tpu.memory_space<hbm>>)
      tpu.yield
    }) : () -> ()
    %add3A_47 = arith.constant 1 : i32
    %add3A_48 = arith.addi %mul3A_2, %add3A_47 : i32
    %jit3A_49 = arith.constant 128 : i32
    %div3A_50 = arith.divsi %add3A_48, %jit3A_49 : i32
    %sign3A_51 = arith.constant 0 : i32
    %sign3A_52 = arith.cmpi sgt, %add3A_48, %sign3A_51 : i32
    %sign3A_53 = arith.extui %sign3A_52 : i1 to i32
    %sign3A_54 = arith.constant 0 : i32
    %sign3A_55 = arith.cmpi slt, %add3A_48, %sign3A_54 : i32
    %sign3A_56 = arith.extui %sign3A_55 : i1 to i32
    %sign3A_57 = arith.subi %sign3A_53, %sign3A_56 : i32
    %sign3A_58 = arith.constant 0 : i32
    %sign3A_59 = arith.cmpi sgt, %jit3A_49, %sign3A_58 : i32
    %sign3A_60 = arith.extui %sign3A_59 : i1 to i32
    %sign3A_61 = arith.constant 0 : i32
    %sign3A_62 = arith.cmpi slt, %jit3A_49, %sign3A_61 : i32
    %sign3A_63 = arith.extui %sign3A_62 : i1 to i32
    %sign3A_64 = arith.subi %sign3A_60, %sign3A_63 : i32
    %ne3A_65 = arith.cmpi ne, %sign3A_57, %sign3A_64 : i32
    %rem3A_66 = arith.remsi %add3A_48, %jit3A_49 : i32
    %ne3A_67 = arith.constant 0 : i32
    %ne3A_68 = arith.cmpi ne, %rem3A_66, %ne3A_67 : i32
    %and3A_69 = arith.andi %ne3A_65, %ne3A_68 : i1
    %sub3A_70 = arith.constant 1 : i32
    %sub3A_71 = arith.subi %div3A_50, %sub3A_70 : i32
    %select_n3A_72 = arith.select %and3A_69, %sub3A_71, %div3A_50 : i32
    %mul3A_73 = arith.constant 128 : i32
    %mul3A_74 = arith.muli %select_n3A_72, %mul3A_73 : i32
    %sub3A_75 = arith.subi %add3A_48, %mul3A_74 : i32
    %dma_start3A_76 = arith.constant 0 : i32
    %dma_start3A_77 = tpu.memref_slice %arg2[%add3A_48, %dma_start3A_76] : memref<256x100000xf32, #tpu.memory_space<hbm>> -> memref<1x100000xf32, #tpu.memory_space<hbm>>
    %dma_start3A_78 = tpu.memref_squeeze %dma_start3A_77 : memref<1x100000xf32, #tpu.memory_space<hbm>> -> memref<100000xf32, #tpu.memory_space<hbm>>
    %dma_start3A_79 = arith.constant 0 : i32
    %dma_start3A_80 = tpu.memref_slice %arg2[%add3A_48, %dma_start3A_79] : memref<256x100000xf32, #tpu.memory_space<hbm>> -> memref<1x100000xf32, #tpu.memory_space<hbm>>
    %dma_start3A_81 = tpu.memref_squeeze %dma_start3A_80 : memref<1x100000xf32, #tpu.memory_space<hbm>> -> memref<100000xf32, #tpu.memory_space<hbm>>
    tpu.enqueue_dma source(%dma_start3A_81 : memref<100000xf32, #tpu.memory_space<hbm>>) target(%arg5 : memref<100000xf32, #tpu.memory_space<vmem>>) target_semaphore(%arg8 : memref<!tpu.dma_semaphore, #tpu.memory_space<semaphore_mem>>)
    "tpu.region"() ({
      %run_scoped3A = tpu.sem_alloc : memref<!tpu.dma_semaphore, #tpu.memory_space<semaphore_mem>>
      %dma_start3A_453 = arith.constant 0 : i32
      %dma_start3A_454 = tpu.memref_slice %arg3[%sub3A_75, %dma_start3A_453] : memref<128x4112xi32, #tpu.memory_space<hbm>> -> memref<1x4112xi32, #tpu.memory_space<hbm>>
      %dma_start3A_455 = tpu.memref_squeeze %dma_start3A_454 : memref<1x4112xi32, #tpu.memory_space<hbm>> -> memref<4112xi32, #tpu.memory_space<hbm>>
      %dma_start3A_456 = arith.constant 0 : i32
      %dma_start3A_457 = tpu.memref_slice %arg3[%sub3A_75, %dma_start3A_456] : memref<128x4112xi32, #tpu.memory_space<hbm>> -> memref<1x4112xi32, #tpu.memory_space<hbm>>
      %dma_start3A_458 = tpu.memref_squeeze %dma_start3A_457 : memref<1x4112xi32, #tpu.memory_space<hbm>> -> memref<4112xi32, #tpu.memory_space<hbm>>
      tpu.enqueue_dma source(%dma_start3A_458 : memref<4112xi32, #tpu.memory_space<hbm>>) target(%arg6 : memref<4112xi32, #tpu.memory_space<vmem>>) target_semaphore(%run_scoped3A : memref<!tpu.dma_semaphore, #tpu.memory_space<semaphore_mem>>)
      %dma_wait3A_459 = arith.constant 0 : i32
      %dma_wait3A_460 = tpu.memref_slice %arg3[%sub3A_75, %dma_wait3A_459] : memref<128x4112xi32, #tpu.memory_space<hbm>> -> memref<1x4112xi32, #tpu.memory_space<hbm>>
      %dma_wait3A_461 = tpu.memref_squeeze %dma_wait3A_460 : memref<1x4112xi32, #tpu.memory_space<hbm>> -> memref<4112xi32, #tpu.memory_space<hbm>>
      %dma_wait3A_462 = arith.constant 0 : i32
      %dma_wait3A_463 = tpu.memref_slice %arg3[%sub3A_75, %dma_wait3A_462] : memref<128x4112xi32, #tpu.memory_space<hbm>> -> memref<1x4112xi32, #tpu.memory_space<hbm>>
      %dma_wait3A_464 = tpu.memref_squeeze %dma_wait3A_463 : memref<1x4112xi32, #tpu.memory_space<hbm>> -> memref<4112xi32, #tpu.memory_space<hbm>>
      tpu.wait_dma2 semaphore(%run_scoped3A : memref<!tpu.dma_semaphore, #tpu.memory_space<semaphore_mem>>) src(%dma_wait3A_464 : memref<4112xi32, #tpu.memory_space<hbm>>) dst(%arg6 : memref<4112xi32, #tpu.memory_space<vmem>>)
      tpu.yield
    }) : () -> ()
    %dma_wait3A_82 = arith.constant 0 : i32
    %dma_wait3A_83 = tpu.memref_slice %arg2[%add3A_48, %dma_wait3A_82] : memref<256x100000xf32, #tpu.memory_space<hbm>> -> memref<1x100000xf32, #tpu.memory_space<hbm>>
    %dma_wait3A_84 = tpu.memref_squeeze %dma_wait3A_83 : memref<1x100000xf32, #tpu.memory_space<hbm>> -> memref<100000xf32, #tpu.memory_space<hbm>>
    %dma_wait3A_85 = arith.constant 0 : i32
    %dma_wait3A_86 = tpu.memref_slice %arg2[%add3A_48, %dma_wait3A_85] : memref<256x100000xf32, #tpu.memory_space<hbm>> -> memref<1x100000xf32, #tpu.memory_space<hbm>>
    %dma_wait3A_87 = tpu.memref_squeeze %dma_wait3A_86 : memref<1x100000xf32, #tpu.memory_space<hbm>> -> memref<100000xf32, #tpu.memory_space<hbm>>
    tpu.wait_dma2 semaphore(%arg8 : memref<!tpu.dma_semaphore, #tpu.memory_space<semaphore_mem>>) src(%dma_wait3A_87 : memref<100000xf32, #tpu.memory_space<hbm>>) dst(%arg5 : memref<100000xf32, #tpu.memory_space<vmem>>)
    %scan3A_88 = arith.constant 0 : i32
    %scan3A_89 = arith.constant 0 : i32
    %scan3A_90 = arith.constant 256 : i32
    %scan3A_91 = arith.addi %scan3A_89, %scan3A_90 : i32
    %scan3A_92 = arith.constant 16 : i32
    scf.for %scan3A_453 = %scan3A_89 to %scan3A_91 step %scan3A_92  : i32 {
      %mul3A_454 = arith.constant 16 : i32
      %mul3A_455 = arith.muli %scan3A_453, %mul3A_454 : i32
      %get3A_456 = arith.index_cast %mul3A_455 : i32 to index
      %get3A_457 = tpu.vector_load %arg6[%get3A_456] {strides = array<i32>} : memref<4112xi32, #tpu.memory_space<vmem>>, vector<16xi32>,
      %gather3A_458 = tpu.vector_load_idx %arg5[%get3A_457] : memref<100000xf32, #tpu.memory_space<vmem>>[vector<16xi32>], vector<16xf32>,
      %mul3A_459 = arith.constant 16 : i32
      %mul3A_460 = arith.muli %scan3A_453, %mul3A_459 : i32
      %swap3A_461 = arith.index_cast %mul3A_460 : i32 to index
      %swap3A_462 = tpu.vector_load %arg7[%swap3A_461] {strides = array<i32>} : memref<4112xf32, #tpu.memory_space<vmem>>, vector<16xf32>,
      tpu.vector_store %arg7[%swap3A_461], %gather3A_458 {strides = array<i32>} : memref<4112xf32, #tpu.memory_space<vmem>>, vector<16xf32>,
      %scan3A_463 = arith.constant 1 : i32
      %scan3A_464 = arith.addi %scan3A_453, %scan3A_463 : i32
      %mul3A_465 = arith.constant 16 : i32
      %mul3A_466 = arith.muli %scan3A_464, %mul3A_465 : i32
      %get3A_467 = arith.index_cast %mul3A_466 : i32 to index
      %get3A_468 = tpu.vector_load %arg6[%get3A_467] {strides = array<i32>} : memref<4112xi32, #tpu.memory_space<vmem>>, vector<16xi32>,
      %gather3A_469 = tpu.vector_load_idx %arg5[%get3A_468] : memref<100000xf32, #tpu.memory_space<vmem>>[vector<16xi32>], vector<16xf32>,
      %mul3A_470 = arith.constant 16 : i32
      %mul3A_471 = arith.muli %scan3A_464, %mul3A_470 : i32
      %swap3A_472 = arith.index_cast %mul3A_471 : i32 to index
      %swap3A_473 = tpu.vector_load %arg7[%swap3A_472] {strides = array<i32>} : memref<4112xf32, #tpu.memory_space<vmem>>, vector<16xf32>,
      tpu.vector_store %arg7[%swap3A_472], %gather3A_469 {strides = array<i32>} : memref<4112xf32, #tpu.memory_space<vmem>>, vector<16xf32>,
      %scan3A_474 = arith.constant 2 : i32
      %scan3A_475 = arith.addi %scan3A_453, %scan3A_474 : i32
      %mul3A_476 = arith.constant 16 : i32
      %mul3A_477 = arith.muli %scan3A_475, %mul3A_476 : i32
      %get3A_478 = arith.index_cast %mul3A_477 : i32 to index
      %get3A_479 = tpu.vector_load %arg6[%get3A_478] {strides = array<i32>} : memref<4112xi32, #tpu.memory_space<vmem>>, vector<16xi32>,
      %gather3A_480 = tpu.vector_load_idx %arg5[%get3A_479] : memref<100000xf32, #tpu.memory_space<vmem>>[vector<16xi32>], vector<16xf32>,
      %mul3A_481 = arith.constant 16 : i32
      %mul3A_482 = arith.muli %scan3A_475, %mul3A_481 : i32
      %swap3A_483 = arith.index_cast %mul3A_482 : i32 to index
      %swap3A_484 = tpu.vector_load %arg7[%swap3A_483] {strides = array<i32>} : memref<4112xf32, #tpu.memory_space<vmem>>, vector<16xf32>,
      tpu.vector_store %arg7[%swap3A_483], %gather3A_480 {strides = array<i32>} : memref<4112xf32, #tpu.memory_space<vmem>>, vector<16xf32>,
      %scan3A_485 = arith.constant 3 : i32
      %scan3A_486 = arith.addi %scan3A_453, %scan3A_485 : i32
      %mul3A_487 = arith.constant 16 : i32
      %mul3A_488 = arith.muli %scan3A_486, %mul3A_487 : i32
      %get3A_489 = arith.index_cast %mul3A_488 : i32 to index
      %get3A_490 = tpu.vector_load %arg6[%get3A_489] {strides = array<i32>} : memref<4112xi32, #tpu.memory_space<vmem>>, vector<16xi32>,
      %gather3A_491 = tpu.vector_load_idx %arg5[%get3A_490] : memref<100000xf32, #tpu.memory_space<vmem>>[vector<16xi32>], vector<16xf32>,
      %mul3A_492 = arith.constant 16 : i32
      %mul3A_493 = arith.muli %scan3A_486, %mul3A_492 : i32
      %swap3A_494 = arith.index_cast %mul3A_493 : i32 to index
      %swap3A_495 = tpu.vector_load %arg7[%swap3A_494] {strides = array<i32>} : memref<4112xf32, #tpu.memory_space<vmem>>, vector<16xf32>,
      tpu.vector_store %arg7[%swap3A_494], %gather3A_491 {strides = array<i32>} : memref<4112xf32, #tpu.memory_space<vmem>>, vector<16xf32>,
      %scan3A_496 = arith.constant 4 : i32
      %scan3A_497 = arith.addi %scan3A_453, %scan3A_496 : i32
      %mul3A_498 = arith.constant 16 : i32
      %mul3A_499 = arith.muli %scan3A_497, %mul3A_498 : i32
      %get3A_500 = arith.index_cast %mul3A_499 : i32 to index
      %get3A_501 = tpu.vector_load %arg6[%get3A_500] {strides = array<i32>} : memref<4112xi32, #tpu.memory_space<vmem>>, vector<16xi32>,
      %gather3A_502 = tpu.vector_load_idx %arg5[%get3A_501] : memref<100000xf32, #tpu.memory_space<vmem>>[vector<16xi32>], vector<16xf32>,
      %mul3A_503 = arith.constant 16 : i32
      %mul3A_504 = arith.muli %scan3A_497, %mul3A_503 : i32
      %swap3A_505 = arith.index_cast %mul3A_504 : i32 to index
      %swap3A_506 = tpu.vector_load %arg7[%swap3A_505] {strides = array<i32>} : memref<4112xf32, #tpu.memory_space<vmem>>, vector<16xf32>,
      tpu.vector_store %arg7[%swap3A_505], %gather3A_502 {strides = array<i32>} : memref<4112xf32, #tpu.memory_space<vmem>>, vector<16xf32>,
      %scan3A_507 = arith.constant 5 : i32
      %scan3A_508 = arith.addi %scan3A_453, %scan3A_507 : i32
      %mul3A_509 = arith.constant 16 : i32
      %mul3A_510 = arith.muli %scan3A_508, %mul3A_509 : i32
      %get3A_511 = arith.index_cast %mul3A_510 : i32 to index
      %get3A_512 = tpu.vector_load %arg6[%get3A_511] {strides = array<i32>} : memref<4112xi32, #tpu.memory_space<vmem>>, vector<16xi32>,
      %gather3A_513 = tpu.vector_load_idx %arg5[%get3A_512] : memref<100000xf32, #tpu.memory_space<vmem>>[vector<16xi32>], vector<16xf32>,
      %mul3A_514 = arith.constant 16 : i32
      %mul3A_515 = arith.muli %scan3A_508, %mul3A_514 : i32
      %swap3A_516 = arith.index_cast %mul3A_515 : i32 to index
      %swap3A_517 = tpu.vector_load %arg7[%swap3A_516] {strides = array<i32>} : memref<4112xf32, #tpu.memory_space<vmem>>, vector<16xf32>,
      tpu.vector_store %arg7[%swap3A_516], %gather3A_513 {strides = array<i32>} : memref<4112xf32, #tpu.memory_space<vmem>>, vector<16xf32>,
      %scan3A_518 = arith.constant 6 : i32
      %scan3A_519 = arith.addi %scan3A_453, %scan3A_518 : i32
      %mul3A_520 = arith.constant 16 : i32
      %mul3A_521 = arith.muli %scan3A_519, %mul3A_520 : i32
      %get3A_522 = arith.index_cast %mul3A_521 : i32 to index
      %get3A_523 = tpu.vector_load %arg6[%get3A_522] {strides = array<i32>} : memref<4112xi32, #tpu.memory_space<vmem>>, vector<16xi32>,
      %gather3A_524 = tpu.vector_load_idx %arg5[%get3A_523] : memref<100000xf32, #tpu.memory_space<vmem>>[vector<16xi32>], vector<16xf32>,
      %mul3A_525 = arith.constant 16 : i32
      %mul3A_526 = arith.muli %scan3A_519, %mul3A_525 : i32
      %swap3A_527 = arith.index_cast %mul3A_526 : i32 to index
      %swap3A_528 = tpu.vector_load %arg7[%swap3A_527] {strides = array<i32>} : memref<4112xf32, #tpu.memory_space<vmem>>, vector<16xf32>,
      tpu.vector_store %arg7[%swap3A_527], %gather3A_524 {strides = array<i32>} : memref<4112xf32, #tpu.memory_space<vmem>>, vector<16xf32>,
      %scan3A_529 = arith.constant 7 : i32
      %scan3A_530 = arith.addi %scan3A_453, %scan3A_529 : i32
      %mul3A_531 = arith.constant 16 : i32
      %mul3A_532 = arith.muli %scan3A_530, %mul3A_531 : i32
      %get3A_533 = arith.index_cast %mul3A_532 : i32 to index
      %get3A_534 = tpu.vector_load %arg6[%get3A_533] {strides = array<i32>} : memref<4112xi32, #tpu.memory_space<vmem>>, vector<16xi32>,
      %gather3A_535 = tpu.vector_load_idx %arg5[%get3A_534] : memref<100000xf32, #tpu.memory_space<vmem>>[vector<16xi32>], vector<16xf32>,
      %mul3A_536 = arith.constant 16 : i32
      %mul3A_537 = arith.muli %scan3A_530, %mul3A_536 : i32
      %swap3A_538 = arith.index_cast %mul3A_537 : i32 to index
      %swap3A_539 = tpu.vector_load %arg7[%swap3A_538] {strides = array<i32>} : memref<4112xf32, #tpu.memory_space<vmem>>, vector<16xf32>,
      tpu.vector_store %arg7[%swap3A_538], %gather3A_535 {strides = array<i32>} : memref<4112xf32, #tpu.memory_space<vmem>>, vector<16xf32>,
      %scan3A_540 = arith.constant 8 : i32
      %scan3A_541 = arith.addi %scan3A_453, %scan3A_540 : i32
      %mul3A_542 = arith.constant 16 : i32
      %mul3A_543 = arith.muli %scan3A_541, %mul3A_542 : i32
      %get3A_544 = arith.index_cast %mul3A_543 : i32 to index
      %get3A_545 = tpu.vector_load %arg6[%get3A_544] {strides = array<i32>} : memref<4112xi32, #tpu.memory_space<vmem>>, vector<16xi32>,
      %gather3A_546 = tpu.vector_load_idx %arg5[%get3A_545] : memref<100000xf32, #tpu.memory_space<vmem>>[vector<16xi32>], vector<16xf32>,
      %mul3A_547 = arith.constant 16 : i32
      %mul3A_548 = arith.muli %scan3A_541, %mul3A_547 : i32
      %swap3A_549 = arith.index_cast %mul3A_548 : i32 to index
      %swap3A_550 = tpu.vector_load %arg7[%swap3A_549] {strides = array<i32>} : memref<4112xf32, #tpu.memory_space<vmem>>, vector<16xf32>,
      tpu.vector_store %arg7[%swap3A_549], %gather3A_546 {strides = array<i32>} : memref<4112xf32, #tpu.memory_space<vmem>>, vector<16xf32>,
      %scan3A_551 = arith.constant 9 : i32
      %scan3A_552 = arith.addi %scan3A_453, %scan3A_551 : i32
      %mul3A_553 = arith.constant 16 : i32
      %mul3A_554 = arith.muli %scan3A_552, %mul3A_553 : i32
      %get3A_555 = arith.index_cast %mul3A_554 : i32 to index
      %get3A_556 = tpu.vector_load %arg6[%get3A_555] {strides = array<i32>} : memref<4112xi32, #tpu.memory_space<vmem>>, vector<16xi32>,
      %gather3A_557 = tpu.vector_load_idx %arg5[%get3A_556] : memref<100000xf32, #tpu.memory_space<vmem>>[vector<16xi32>], vector<16xf32>,
      %mul3A_558 = arith.constant 16 : i32
      %mul3A_559 = arith.muli %scan3A_552, %mul3A_558 : i32
      %swap3A_560 = arith.index_cast %mul3A_559 : i32 to index
      %swap3A_561 = tpu.vector_load %arg7[%swap3A_560] {strides = array<i32>} : memref<4112xf32, #tpu.memory_space<vmem>>, vector<16xf32>,
      tpu.vector_store %arg7[%swap3A_560], %gather3A_557 {strides = array<i32>} : memref<4112xf32, #tpu.memory_space<vmem>>, vector<16xf32>,
      %scan3A_562 = arith.constant 10 : i32
      %scan3A_563 = arith.addi %scan3A_453, %scan3A_562 : i32
      %mul3A_564 = arith.constant 16 : i32
      %mul3A_565 = arith.muli %scan3A_563, %mul3A_564 : i32
      %get3A_566 = arith.index_cast %mul3A_565 : i32 to index
      %get3A_567 = tpu.vector_load %arg6[%get3A_566] {strides = array<i32>} : memref<4112xi32, #tpu.memory_space<vmem>>, vector<16xi32>,
      %gather3A_568 = tpu.vector_load_idx %arg5[%get3A_567] : memref<100000xf32, #tpu.memory_space<vmem>>[vector<16xi32>], vector<16xf32>,
      %mul3A_569 = arith.constant 16 : i32
      %mul3A_570 = arith.muli %scan3A_563, %mul3A_569 : i32
      %swap3A_571 = arith.index_cast %mul3A_570 : i32 to index
      %swap3A_572 = tpu.vector_load %arg7[%swap3A_571] {strides = array<i32>} : memref<4112xf32, #tpu.memory_space<vmem>>, vector<16xf32>,
      tpu.vector_store %arg7[%swap3A_571], %gather3A_568 {strides = array<i32>} : memref<4112xf32, #tpu.memory_space<vmem>>, vector<16xf32>,
      %scan3A_573 = arith.constant 11 : i32
      %scan3A_574 = arith.addi %scan3A_453, %scan3A_573 : i32
      %mul3A_575 = arith.constant 16 : i32
      %mul3A_576 = arith.muli %scan3A_574, %mul3A_575 : i32
      %get3A_577 = arith.index_cast %mul3A_576 : i32 to index
      %get3A_578 = tpu.vector_load %arg6[%get3A_577] {strides = array<i32>} : memref<4112xi32, #tpu.memory_space<vmem>>, vector<16xi32>,
      %gather3A_579 = tpu.vector_load_idx %arg5[%get3A_578] : memref<100000xf32, #tpu.memory_space<vmem>>[vector<16xi32>], vector<16xf32>,
      %mul3A_580 = arith.constant 16 : i32
      %mul3A_581 = arith.muli %scan3A_574, %mul3A_580 : i32
      %swap3A_582 = arith.index_cast %mul3A_581 : i32 to index
      %swap3A_583 = tpu.vector_load %arg7[%swap3A_582] {strides = array<i32>} : memref<4112xf32, #tpu.memory_space<vmem>>, vector<16xf32>,
      tpu.vector_store %arg7[%swap3A_582], %gather3A_579 {strides = array<i32>} : memref<4112xf32, #tpu.memory_space<vmem>>, vector<16xf32>,
      %scan3A_584 = arith.constant 12 : i32
      %scan3A_585 = arith.addi %scan3A_453, %scan3A_584 : i32
      %mul3A_586 = arith.constant 16 : i32
      %mul3A_587 = arith.muli %scan3A_585, %mul3A_586 : i32
      %get3A_588 = arith.index_cast %mul3A_587 : i32 to index
      %get3A_589 = tpu.vector_load %arg6[%get3A_588] {strides = array<i32>} : memref<4112xi32, #tpu.memory_space<vmem>>, vector<16xi32>,
      %gather3A_590 = tpu.vector_load_idx %arg5[%get3A_589] : memref<100000xf32, #tpu.memory_space<vmem>>[vector<16xi32>], vector<16xf32>,
      %mul3A_591 = arith.constant 16 : i32
      %mul3A_592 = arith.muli %scan3A_585, %mul3A_591 : i32
      %swap3A_593 = arith.index_cast %mul3A_592 : i32 to index
      %swap3A_594 = tpu.vector_load %arg7[%swap3A_593] {strides = array<i32>} : memref<4112xf32, #tpu.memory_space<vmem>>, vector<16xf32>,
      tpu.vector_store %arg7[%swap3A_593], %gather3A_590 {strides = array<i32>} : memref<4112xf32, #tpu.memory_space<vmem>>, vector<16xf32>,
      %scan3A_595 = arith.constant 13 : i32
      %scan3A_596 = arith.addi %scan3A_453, %scan3A_595 : i32
      %mul3A_597 = arith.constant 16 : i32
      %mul3A_598 = arith.muli %scan3A_596, %mul3A_597 : i32
      %get3A_599 = arith.index_cast %mul3A_598 : i32 to index
      %get3A_600 = tpu.vector_load %arg6[%get3A_599] {strides = array<i32>} : memref<4112xi32, #tpu.memory_space<vmem>>, vector<16xi32>,
      %gather3A_601 = tpu.vector_load_idx %arg5[%get3A_600] : memref<100000xf32, #tpu.memory_space<vmem>>[vector<16xi32>], vector<16xf32>,
      %mul3A_602 = arith.constant 16 : i32
      %mul3A_603 = arith.muli %scan3A_596, %mul3A_602 : i32
      %swap3A_604 = arith.index_cast %mul3A_603 : i32 to index
      %swap3A_605 = tpu.vector_load %arg7[%swap3A_604] {strides = array<i32>} : memref<4112xf32, #tpu.memory_space<vmem>>, vector<16xf32>,
      tpu.vector_store %arg7[%swap3A_604], %gather3A_601 {strides = array<i32>} : memref<4112xf32, #tpu.memory_space<vmem>>, vector<16xf32>,
      %scan3A_606 = arith.constant 14 : i32
      %scan3A_607 = arith.addi %scan3A_453, %scan3A_606 : i32
      %mul3A_608 = arith.constant 16 : i32
      %mul3A_609 = arith.muli %scan3A_607, %mul3A_608 : i32
      %get3A_610 = arith.index_cast %mul3A_609 : i32 to index
      %get3A_611 = tpu.vector_load %arg6[%get3A_610] {strides = array<i32>} : memref<4112xi32, #tpu.memory_space<vmem>>, vector<16xi32>,
      %gather3A_612 = tpu.vector_load_idx %arg5[%get3A_611] : memref<100000xf32, #tpu.memory_space<vmem>>[vector<16xi32>], vector<16xf32>,
      %mul3A_613 = arith.constant 16 : i32
      %mul3A_614 = arith.muli %scan3A_607, %mul3A_613 : i32
      %swap3A_615 = arith.index_cast %mul3A_614 : i32 to index
      %swap3A_616 = tpu.vector_load %arg7[%swap3A_615] {strides = array<i32>} : memref<4112xf32, #tpu.memory_space<vmem>>, vector<16xf32>,
      tpu.vector_store %arg7[%swap3A_615], %gather3A_612 {strides = array<i32>} : memref<4112xf32, #tpu.memory_space<vmem>>, vector<16xf32>,
      %scan3A_617 = arith.constant 15 : i32
      %scan3A_618 = arith.addi %scan3A_453, %scan3A_617 : i32
      %mul3A_619 = arith.constant 16 : i32
      %mul3A_620 = arith.muli %scan3A_618, %mul3A_619 : i32
      %get3A_621 = arith.index_cast %mul3A_620 : i32 to index
      %get3A_622 = tpu.vector_load %arg6[%get3A_621] {strides = array<i32>} : memref<4112xi32, #tpu.memory_space<vmem>>, vector<16xi32>,
      %gather3A_623 = tpu.vector_load_idx %arg5[%get3A_622] : memref<100000xf32, #tpu.memory_space<vmem>>[vector<16xi32>], vector<16xf32>,
      %mul3A_624 = arith.constant 16 : i32
      %mul3A_625 = arith.muli %scan3A_618, %mul3A_624 : i32
      %swap3A_626 = arith.index_cast %mul3A_625 : i32 to index
      %swap3A_627 = tpu.vector_load %arg7[%swap3A_626] {strides = array<i32>} : memref<4112xf32, #tpu.memory_space<vmem>>, vector<16xf32>,
      tpu.vector_store %arg7[%swap3A_626], %gather3A_623 {strides = array<i32>} : memref<4112xf32, #tpu.memory_space<vmem>>, vector<16xf32>,
    }
    %scan3A_93 = arith.constant 256 : i32
    %scan3A_94 = arith.addi %scan3A_89, %scan3A_93 : i32
    %mul3A_95 = arith.constant 16 : i32
    %mul3A_96 = arith.muli %scan3A_94, %mul3A_95 : i32
    %get3A_97 = arith.index_cast %mul3A_96 : i32 to index
    %get3A_98 = tpu.vector_load %arg6[%get3A_97] {strides = array<i32>} : memref<4112xi32, #tpu.memory_space<vmem>>, vector<16xi32>,
    %gather3A_99 = tpu.vector_load_idx %arg5[%get3A_98] : memref<100000xf32, #tpu.memory_space<vmem>>[vector<16xi32>], vector<16xf32>,
    %mul3A_100 = arith.constant 16 : i32
    %mul3A_101 = arith.muli %scan3A_94, %mul3A_100 : i32
    %swap3A_102 = arith.index_cast %mul3A_101 : i32 to index
    %swap3A_103 = tpu.vector_load %arg7[%swap3A_102] {strides = array<i32>} : memref<4112xf32, #tpu.memory_space<vmem>>, vector<16xf32>,
    tpu.vector_store %arg7[%swap3A_102], %gather3A_99 {strides = array<i32>} : memref<4112xf32, #tpu.memory_space<vmem>>, vector<16xf32>,
    %scan3A_104 = arith.constant 257 : i32
    "tpu.region"() ({
      %run_scoped3A = tpu.sem_alloc : memref<!tpu.dma_semaphore, #tpu.memory_space<semaphore_mem>>
      %dma_start3A_453 = arith.constant 0 : i32
      %dma_start3A_454 = tpu.memref_slice %arg4[%add3A_48, %dma_start3A_453] : memref<256x4112xf32, #tpu.memory_space<hbm>> -> memref<1x4112xf32, #tpu.memory_space<hbm>>
      %dma_start3A_455 = tpu.memref_squeeze %dma_start3A_454 : memref<1x4112xf32, #tpu.memory_space<hbm>> -> memref<4112xf32, #tpu.memory_space<hbm>>
      %dma_start3A_456 = arith.constant 0 : i32
      %dma_start3A_457 = tpu.memref_slice %arg4[%add3A_48, %dma_start3A_456] : memref<256x4112xf32, #tpu.memory_space<hbm>> -> memref<1x4112xf32, #tpu.memory_space<hbm>>
      %dma_start3A_458 = tpu.memref_squeeze %dma_start3A_457 : memref<1x4112xf32, #tpu.memory_space<hbm>> -> memref<4112xf32, #tpu.memory_space<hbm>>
      tpu.enqueue_dma source(%arg7 : memref<4112xf32, #tpu.memory_space<vmem>>) target(%dma_start3A_458 : memref<4112xf32, #tpu.memory_space<hbm>>) target_semaphore(%run_scoped3A : memref<!tpu.dma_semaphore, #tpu.memory_space<semaphore_mem>>)
      %dma_wait3A_459 = arith.constant 0 : i32
      %dma_wait3A_460 = tpu.memref_slice %arg4[%add3A_48, %dma_wait3A_459] : memref<256x4112xf32, #tpu.memory_space<hbm>> -> memref<1x4112xf32, #tpu.memory_space<hbm>>
      %dma_wait3A_461 = tpu.memref_squeeze %dma_wait3A_460 : memref<1x4112xf32, #tpu.memory_space<hbm>> -> memref<4112xf32, #tpu.memory_space<hbm>>
      %dma_wait3A_462 = arith.constant 0 : i32
      %dma_wait3A_463 = tpu.memref_slice %arg4[%add3A_48, %dma_wait3A_462] : memref<256x4112xf32, #tpu.memory_space<hbm>> -> memref<1x4112xf32, #tpu.memory_space<hbm>>
      %dma_wait3A_464 = tpu.memref_squeeze %dma_wait3A_463 : memref<1x4112xf32, #tpu.memory_space<hbm>> -> memref<4112xf32, #tpu.memory_space<hbm>>
      tpu.wait_dma2 semaphore(%run_scoped3A : memref<!tpu.dma_semaphore, #tpu.memory_space<semaphore_mem>>) src(%arg7 : memref<4112xf32, #tpu.memory_space<vmem>>) dst(%dma_wait3A_464 : memref<4112xf32, #tpu.memory_space<hbm>>)
      tpu.yield
    }) : () -> ()
    %add3A_105 = arith.constant 2 : i32
    %add3A_106 = arith.addi %mul3A_2, %add3A_105 : i32
    %jit3A_107 = arith.constant 128 : i32
    %div3A_108 = arith.divsi %add3A_106, %jit3A_107 : i32
    %sign3A_109 = arith.constant 0 : i32
    %sign3A_110 = arith.cmpi sgt, %add3A_106, %sign3A_109 : i32
    %sign3A_111 = arith.extui %sign3A_110 : i1 to i32
    %sign3A_112 = arith.constant 0 : i32
    %sign3A_113 = arith.cmpi slt, %add3A_106, %sign3A_112 : i32
    %sign3A_114 = arith.extui %sign3A_113 : i1 to i32
    %sign3A_115 = arith.subi %sign3A_111, %sign3A_114 : i32
    %sign3A_116 = arith.constant 0 : i32
    %sign3A_117 = arith.cmpi sgt, %jit3A_107, %sign3A_116 : i32
    %sign3A_118 = arith.extui %sign3A_117 : i1 to i32
    %sign3A_119 = arith.constant 0 : i32
    %sign3A_120 = arith.cmpi slt, %jit3A_107, %sign3A_119 : i32
    %sign3A_121 = arith.extui %sign3A_120 : i1 to i32
    %sign3A_122 = arith.subi %sign3A_118, %sign3A_121 : i32
    %ne3A_123 = arith.cmpi ne, %sign3A_115, %sign3A_122 : i32
    %rem3A_124 = arith.remsi %add3A_106, %jit3A_107 : i32
    %ne3A_125 = arith.constant 0 : i32
    %ne3A_126 = arith.cmpi ne, %rem3A_124, %ne3A_125 : i32
    %and3A_127 = arith.andi %ne3A_123, %ne3A_126 : i1
    %sub3A_128 = arith.constant 1 : i32
    %sub3A_129 = arith.subi %div3A_108, %sub3A_128 : i32
    %select_n3A_130 = arith.select %and3A_127, %sub3A_129, %div3A_108 : i32
    %mul3A_131 = arith.constant 128 : i32
    %mul3A_132 = arith.muli %select_n3A_130, %mul3A_131 : i32
    %sub3A_133 = arith.subi %add3A_106, %mul3A_132 : i32
    %dma_start3A_134 = arith.constant 0 : i32
    %dma_start3A_135 = tpu.memref_slice %arg2[%add3A_106, %dma_start3A_134] : memref<256x100000xf32, #tpu.memory_space<hbm>> -> memref<1x100000xf32, #tpu.memory_space<hbm>>
    %dma_start3A_136 = tpu.memref_squeeze %dma_start3A_135 : memref<1x100000xf32, #tpu.memory_space<hbm>> -> memref<100000xf32, #tpu.memory_space<hbm>>
    %dma_start3A_137 = arith.constant 0 : i32
    %dma_start3A_138 = tpu.memref_slice %arg2[%add3A_106, %dma_start3A_137] : memref<256x100000xf32, #tpu.memory_space<hbm>> -> memref<1x100000xf32, #tpu.memory_space<hbm>>
    %dma_start3A_139 = tpu.memref_squeeze %dma_start3A_138 : memref<1x100000xf32, #tpu.memory_space<hbm>> -> memref<100000xf32, #tpu.memory_space<hbm>>
    tpu.enqueue_dma source(%dma_start3A_139 : memref<100000xf32, #tpu.memory_space<hbm>>) target(%arg5 : memref<100000xf32, #tpu.memory_space<vmem>>) target_semaphore(%arg8 : memref<!tpu.dma_semaphore, #tpu.memory_space<semaphore_mem>>)
    "tpu.region"() ({
      %run_scoped3A = tpu.sem_alloc : memref<!tpu.dma_semaphore, #tpu.memory_space<semaphore_mem>>
      %dma_start3A_453 = arith.constant 0 : i32
      %dma_start3A_454 = tpu.memref_slice %arg3[%sub3A_133, %dma_start3A_453] : memref<128x4112xi32, #tpu.memory_space<hbm>> -> memref<1x4112xi32, #tpu.memory_space<hbm>>
      %dma_start3A_455 = tpu.memref_squeeze %dma_start3A_454 : memref<1x4112xi32, #tpu.memory_space<hbm>> -> memref<4112xi32, #tpu.memory_space<hbm>>
      %dma_start3A_456 = arith.constant 0 : i32
      %dma_start3A_457 = tpu.memref_slice %arg3[%sub3A_133, %dma_start3A_456] : memref<128x4112xi32, #tpu.memory_space<hbm>> -> memref<1x4112xi32, #tpu.memory_space<hbm>>
      %dma_start3A_458 = tpu.memref_squeeze %dma_start3A_457 : memref<1x4112xi32, #tpu.memory_space<hbm>> -> memref<4112xi32, #tpu.memory_space<hbm>>
      tpu.enqueue_dma source(%dma_start3A_458 : memref<4112xi32, #tpu.memory_space<hbm>>) target(%arg6 : memref<4112xi32, #tpu.memory_space<vmem>>) target_semaphore(%run_scoped3A : memref<!tpu.dma_semaphore, #tpu.memory_space<semaphore_mem>>)
      %dma_wait3A_459 = arith.constant 0 : i32
      %dma_wait3A_460 = tpu.memref_slice %arg3[%sub3A_133, %dma_wait3A_459] : memref<128x4112xi32, #tpu.memory_space<hbm>> -> memref<1x4112xi32, #tpu.memory_space<hbm>>
      %dma_wait3A_461 = tpu.memref_squeeze %dma_wait3A_460 : memref<1x4112xi32, #tpu.memory_space<hbm>> -> memref<4112xi32, #tpu.memory_space<hbm>>
      %dma_wait3A_462 = arith.constant 0 : i32
      %dma_wait3A_463 = tpu.memref_slice %arg3[%sub3A_133, %dma_wait3A_462] : memref<128x4112xi32, #tpu.memory_space<hbm>> -> memref<1x4112xi32, #tpu.memory_space<hbm>>
      %dma_wait3A_464 = tpu.memref_squeeze %dma_wait3A_463 : memref<1x4112xi32, #tpu.memory_space<hbm>> -> memref<4112xi32, #tpu.memory_space<hbm>>
      tpu.wait_dma2 semaphore(%run_scoped3A : memref<!tpu.dma_semaphore, #tpu.memory_space<semaphore_mem>>) src(%dma_wait3A_464 : memref<4112xi32, #tpu.memory_space<hbm>>) dst(%arg6 : memref<4112xi32, #tpu.memory_space<vmem>>)
      tpu.yield
    }) : () -> ()
    %dma_wait3A_140 = arith.constant 0 : i32
    %dma_wait3A_141 = tpu.memref_slice %arg2[%add3A_106, %dma_wait3A_140] : memref<256x100000xf32, #tpu.memory_space<hbm>> -> memref<1x100000xf32, #tpu.memory_space<hbm>>
    %dma_wait3A_142 = tpu.memref_squeeze %dma_wait3A_141 : memref<1x100000xf32, #tpu.memory_space<hbm>> -> memref<100000xf32, #tpu.memory_space<hbm>>
    %dma_wait3A_143 = arith.constant 0 : i32
    %dma_wait3A_144 = tpu.memref_slice %arg2[%add3A_106, %dma_wait3A_143] : memref<256x100000xf32, #tpu.memory_space<hbm>> -> memref<1x100000xf32, #tpu.memory_space<hbm>>
    %dma_wait3A_145 = tpu.memref_squeeze %dma_wait3A_144 : memref<1x100000xf32, #tpu.memory_space<hbm>> -> memref<100000xf32, #tpu.memory_space<hbm>>
    tpu.wait_dma2 semaphore(%arg8 : memref<!tpu.dma_semaphore, #tpu.memory_space<semaphore_mem>>) src(%dma_wait3A_145 : memref<100000xf32, #tpu.memory_space<hbm>>) dst(%arg5 : memref<100000xf32, #tpu.memory_space<vmem>>)
    %scan3A_146 = arith.constant 0 : i32
    %scan3A_147 = arith.constant 0 : i32
    %scan3A_148 = arith.constant 256 : i32
    %scan3A_149 = arith.addi %scan3A_147, %scan3A_148 : i32
    %scan3A_150 = arith.constant 16 : i32
    scf.for %scan3A_453 = %scan3A_147 to %scan3A_149 step %scan3A_150  : i32 {
      %mul3A_454 = arith.constant 16 : i32
      %mul3A_455 = arith.muli %scan3A_453, %mul3A_454 : i32
      %get3A_456 = arith.index_cast %mul3A_455 : i32 to index
      %get3A_457 = tpu.vector_load %arg6[%get3A_456] {strides = array<i32>} : memref<4112xi32, #tpu.memory_space<vmem>>, vector<16xi32>,
      %gather3A_458 = tpu.vector_load_idx %arg5[%get3A_457] : memref<100000xf32, #tpu.memory_space<vmem>>[vector<16xi32>], vector<16xf32>,
      %mul3A_459 = arith.constant 16 : i32
      %mul3A_460 = arith.muli %scan3A_453, %mul3A_459 : i32
      %swap3A_461 = arith.index_cast %mul3A_460 : i32 to index
      %swap3A_462 = tpu.vector_load %arg7[%swap3A_461] {strides = array<i32>} : memref<4112xf32, #tpu.memory_space<vmem>>, vector<16xf32>,
      tpu.vector_store %arg7[%swap3A_461], %gather3A_458 {strides = array<i32>} : memref<4112xf32, #tpu.memory_space<vmem>>, vector<16xf32>,
      %scan3A_463 = arith.constant 1 : i32
      %scan3A_464 = arith.addi %scan3A_453, %scan3A_463 : i32
      %mul3A_465 = arith.constant 16 : i32
      %mul3A_466 = arith.muli %scan3A_464, %mul3A_465 : i32
      %get3A_467 = arith.index_cast %mul3A_466 : i32 to index
      %get3A_468 = tpu.vector_load %arg6[%get3A_467] {strides = array<i32>} : memref<4112xi32, #tpu.memory_space<vmem>>, vector<16xi32>,
      %gather3A_469 = tpu.vector_load_idx %arg5[%get3A_468] : memref<100000xf32, #tpu.memory_space<vmem>>[vector<16xi32>], vector<16xf32>,
      %mul3A_470 = arith.constant 16 : i32
      %mul3A_471 = arith.muli %scan3A_464, %mul3A_470 : i32
      %swap3A_472 = arith.index_cast %mul3A_471 : i32 to index
      %swap3A_473 = tpu.vector_load %arg7[%swap3A_472] {strides = array<i32>} : memref<4112xf32, #tpu.memory_space<vmem>>, vector<16xf32>,
      tpu.vector_store %arg7[%swap3A_472], %gather3A_469 {strides = array<i32>} : memref<4112xf32, #tpu.memory_space<vmem>>, vector<16xf32>,
      %scan3A_474 = arith.constant 2 : i32
      %scan3A_475 = arith.addi %scan3A_453, %scan3A_474 : i32
      %mul3A_476 = arith.constant 16 : i32
      %mul3A_477 = arith.muli %scan3A_475, %mul3A_476 : i32
      %get3A_478 = arith.index_cast %mul3A_477 : i32 to index
      %get3A_479 = tpu.vector_load %arg6[%get3A_478] {strides = array<i32>} : memref<4112xi32, #tpu.memory_space<vmem>>, vector<16xi32>,
      %gather3A_480 = tpu.vector_load_idx %arg5[%get3A_479] : memref<100000xf32, #tpu.memory_space<vmem>>[vector<16xi32>], vector<16xf32>,
      %mul3A_481 = arith.constant 16 : i32
      %mul3A_482 = arith.muli %scan3A_475, %mul3A_481 : i32
      %swap3A_483 = arith.index_cast %mul3A_482 : i32 to index
      %swap3A_484 = tpu.vector_load %arg7[%swap3A_483] {strides = array<i32>} : memref<4112xf32, #tpu.memory_space<vmem>>, vector<16xf32>,
      tpu.vector_store %arg7[%swap3A_483], %gather3A_480 {strides = array<i32>} : memref<4112xf32, #tpu.memory_space<vmem>>, vector<16xf32>,
      %scan3A_485 = arith.constant 3 : i32
      %scan3A_486 = arith.addi %scan3A_453, %scan3A_485 : i32
      %mul3A_487 = arith.constant 16 : i32
      %mul3A_488 = arith.muli %scan3A_486, %mul3A_487 : i32
      %get3A_489 = arith.index_cast %mul3A_488 : i32 to index
      %get3A_490 = tpu.vector_load %arg6[%get3A_489] {strides = array<i32>} : memref<4112xi32, #tpu.memory_space<vmem>>, vector<16xi32>,
      %gather3A_491 = tpu.vector_load_idx %arg5[%get3A_490] : memref<100000xf32, #tpu.memory_space<vmem>>[vector<16xi32>], vector<16xf32>,
      %mul3A_492 = arith.constant 16 : i32
      %mul3A_493 = arith.muli %scan3A_486, %mul3A_492 : i32
      %swap3A_494 = arith.index_cast %mul3A_493 : i32 to index
      %swap3A_495 = tpu.vector_load %arg7[%swap3A_494] {strides = array<i32>} : memref<4112xf32, #tpu.memory_space<vmem>>, vector<16xf32>,
      tpu.vector_store %arg7[%swap3A_494], %gather3A_491 {strides = array<i32>} : memref<4112xf32, #tpu.memory_space<vmem>>, vector<16xf32>,
      %scan3A_496 = arith.constant 4 : i32
      %scan3A_497 = arith.addi %scan3A_453, %scan3A_496 : i32
      %mul3A_498 = arith.constant 16 : i32
      %mul3A_499 = arith.muli %scan3A_497, %mul3A_498 : i32
      %get3A_500 = arith.index_cast %mul3A_499 : i32 to index
      %get3A_501 = tpu.vector_load %arg6[%get3A_500] {strides = array<i32>} : memref<4112xi32, #tpu.memory_space<vmem>>, vector<16xi32>,
      %gather3A_502 = tpu.vector_load_idx %arg5[%get3A_501] : memref<100000xf32, #tpu.memory_space<vmem>>[vector<16xi32>], vector<16xf32>,
      %mul3A_503 = arith.constant 16 : i32
      %mul3A_504 = arith.muli %scan3A_497, %mul3A_503 : i32
      %swap3A_505 = arith.index_cast %mul3A_504 : i32 to index
      %swap3A_506 = tpu.vector_load %arg7[%swap3A_505] {strides = array<i32>} : memref<4112xf32, #tpu.memory_space<vmem>>, vector<16xf32>,
      tpu.vector_store %arg7[%swap3A_505], %gather3A_502 {strides = array<i32>} : memref<4112xf32, #tpu.memory_space<vmem>>, vector<16xf32>,
      %scan3A_507 = arith.constant 5 : i32
      %scan3A_508 = arith.addi %scan3A_453, %scan3A_507 : i32
      %mul3A_509 = arith.constant 16 : i32
      %mul3A_510 = arith.muli %scan3A_508, %mul3A_509 : i32
      %get3A_511 = arith.index_cast %mul3A_510 : i32 to index
      %get3A_512 = tpu.vector_load %arg6[%get3A_511] {strides = array<i32>} : memref<4112xi32, #tpu.memory_space<vmem>>, vector<16xi32>,
      %gather3A_513 = tpu.vector_load_idx %arg5[%get3A_512] : memref<100000xf32, #tpu.memory_space<vmem>>[vector<16xi32>], vector<16xf32>,
      %mul3A_514 = arith.constant 16 : i32
      %mul3A_515 = arith.muli %scan3A_508, %mul3A_514 : i32
      %swap3A_516 = arith.index_cast %mul3A_515 : i32 to index
      %swap3A_517 = tpu.vector_load %arg7[%swap3A_516] {strides = array<i32>} : memref<4112xf32, #tpu.memory_space<vmem>>, vector<16xf32>,
      tpu.vector_store %arg7[%swap3A_516], %gather3A_513 {strides = array<i32>} : memref<4112xf32, #tpu.memory_space<vmem>>, vector<16xf32>,
      %scan3A_518 = arith.constant 6 : i32
      %scan3A_519 = arith.addi %scan3A_453, %scan3A_518 : i32
      %mul3A_520 = arith.constant 16 : i32
      %mul3A_521 = arith.muli %scan3A_519, %mul3A_520 : i32
      %get3A_522 = arith.index_cast %mul3A_521 : i32 to index
      %get3A_523 = tpu.vector_load %arg6[%get3A_522] {strides = array<i32>} : memref<4112xi32, #tpu.memory_space<vmem>>, vector<16xi32>,
      %gather3A_524 = tpu.vector_load_idx %arg5[%get3A_523] : memref<100000xf32, #tpu.memory_space<vmem>>[vector<16xi32>], vector<16xf32>,
      %mul3A_525 = arith.constant 16 : i32
      %mul3A_526 = arith.muli %scan3A_519, %mul3A_525 : i32
      %swap3A_527 = arith.index_cast %mul3A_526 : i32 to index
      %swap3A_528 = tpu.vector_load %arg7[%swap3A_527] {strides = array<i32>} : memref<4112xf32, #tpu.memory_space<vmem>>, vector<16xf32>,
      tpu.vector_store %arg7[%swap3A_527], %gather3A_524 {strides = array<i32>} : memref<4112xf32, #tpu.memory_space<vmem>>, vector<16xf32>,
      %scan3A_529 = arith.constant 7 : i32
      %scan3A_530 = arith.addi %scan3A_453, %scan3A_529 : i32
      %mul3A_531 = arith.constant 16 : i32
      %mul3A_532 = arith.muli %scan3A_530, %mul3A_531 : i32
      %get3A_533 = arith.index_cast %mul3A_532 : i32 to index
      %get3A_534 = tpu.vector_load %arg6[%get3A_533] {strides = array<i32>} : memref<4112xi32, #tpu.memory_space<vmem>>, vector<16xi32>,
      %gather3A_535 = tpu.vector_load_idx %arg5[%get3A_534] : memref<100000xf32, #tpu.memory_space<vmem>>[vector<16xi32>], vector<16xf32>,
      %mul3A_536 = arith.constant 16 : i32
      %mul3A_537 = arith.muli %scan3A_530, %mul3A_536 : i32
      %swap3A_538 = arith.index_cast %mul3A_537 : i32 to index
      %swap3A_539 = tpu.vector_load %arg7[%swap3A_538] {strides = array<i32>} : memref<4112xf32, #tpu.memory_space<vmem>>, vector<16xf32>,
      tpu.vector_store %arg7[%swap3A_538], %gather3A_535 {strides = array<i32>} : memref<4112xf32, #tpu.memory_space<vmem>>, vector<16xf32>,
      %scan3A_540 = arith.constant 8 : i32
      %scan3A_541 = arith.addi %scan3A_453, %scan3A_540 : i32
      %mul3A_542 = arith.constant 16 : i32
      %mul3A_543 = arith.muli %scan3A_541, %mul3A_542 : i32
      %get3A_544 = arith.index_cast %mul3A_543 : i32 to index
      %get3A_545 = tpu.vector_load %arg6[%get3A_544] {strides = array<i32>} : memref<4112xi32, #tpu.memory_space<vmem>>, vector<16xi32>,
      %gather3A_546 = tpu.vector_load_idx %arg5[%get3A_545] : memref<100000xf32, #tpu.memory_space<vmem>>[vector<16xi32>], vector<16xf32>,
      %mul3A_547 = arith.constant 16 : i32
      %mul3A_548 = arith.muli %scan3A_541, %mul3A_547 : i32
      %swap3A_549 = arith.index_cast %mul3A_548 : i32 to index
      %swap3A_550 = tpu.vector_load %arg7[%swap3A_549] {strides = array<i32>} : memref<4112xf32, #tpu.memory_space<vmem>>, vector<16xf32>,
      tpu.vector_store %arg7[%swap3A_549], %gather3A_546 {strides = array<i32>} : memref<4112xf32, #tpu.memory_space<vmem>>, vector<16xf32>,
      %scan3A_551 = arith.constant 9 : i32
      %scan3A_552 = arith.addi %scan3A_453, %scan3A_551 : i32
      %mul3A_553 = arith.constant 16 : i32
      %mul3A_554 = arith.muli %scan3A_552, %mul3A_553 : i32
      %get3A_555 = arith.index_cast %mul3A_554 : i32 to index
      %get3A_556 = tpu.vector_load %arg6[%get3A_555] {strides = array<i32>} : memref<4112xi32, #tpu.memory_space<vmem>>, vector<16xi32>,
      %gather3A_557 = tpu.vector_load_idx %arg5[%get3A_556] : memref<100000xf32, #tpu.memory_space<vmem>>[vector<16xi32>], vector<16xf32>,
      %mul3A_558 = arith.constant 16 : i32
      %mul3A_559 = arith.muli %scan3A_552, %mul3A_558 : i32
      %swap3A_560 = arith.index_cast %mul3A_559 : i32 to index
      %swap3A_561 = tpu.vector_load %arg7[%swap3A_560] {strides = array<i32>} : memref<4112xf32, #tpu.memory_space<vmem>>, vector<16xf32>,
      tpu.vector_store %arg7[%swap3A_560], %gather3A_557 {strides = array<i32>} : memref<4112xf32, #tpu.memory_space<vmem>>, vector<16xf32>,
      %scan3A_562 = arith.constant 10 : i32
      %scan3A_563 = arith.addi %scan3A_453, %scan3A_562 : i32
      %mul3A_564 = arith.constant 16 : i32
      %mul3A_565 = arith.muli %scan3A_563, %mul3A_564 : i32
      %get3A_566 = arith.index_cast %mul3A_565 : i32 to index
      %get3A_567 = tpu.vector_load %arg6[%get3A_566] {strides = array<i32>} : memref<4112xi32, #tpu.memory_space<vmem>>, vector<16xi32>,
      %gather3A_568 = tpu.vector_load_idx %arg5[%get3A_567] : memref<100000xf32, #tpu.memory_space<vmem>>[vector<16xi32>], vector<16xf32>,
      %mul3A_569 = arith.constant 16 : i32
      %mul3A_570 = arith.muli %scan3A_563, %mul3A_569 : i32
      %swap3A_571 = arith.index_cast %mul3A_570 : i32 to index
      %swap3A_572 = tpu.vector_load %arg7[%swap3A_571] {strides = array<i32>} : memref<4112xf32, #tpu.memory_space<vmem>>, vector<16xf32>,
      tpu.vector_store %arg7[%swap3A_571], %gather3A_568 {strides = array<i32>} : memref<4112xf32, #tpu.memory_space<vmem>>, vector<16xf32>,
      %scan3A_573 = arith.constant 11 : i32
      %scan3A_574 = arith.addi %scan3A_453, %scan3A_573 : i32
      %mul3A_575 = arith.constant 16 : i32
      %mul3A_576 = arith.muli %scan3A_574, %mul3A_575 : i32
      %get3A_577 = arith.index_cast %mul3A_576 : i32 to index
      %get3A_578 = tpu.vector_load %arg6[%get3A_577] {strides = array<i32>} : memref<4112xi32, #tpu.memory_space<vmem>>, vector<16xi32>,
      %gather3A_579 = tpu.vector_load_idx %arg5[%get3A_578] : memref<100000xf32, #tpu.memory_space<vmem>>[vector<16xi32>], vector<16xf32>,
      %mul3A_580 = arith.constant 16 : i32
      %mul3A_581 = arith.muli %scan3A_574, %mul3A_580 : i32
      %swap3A_582 = arith.index_cast %mul3A_581 : i32 to index
      %swap3A_583 = tpu.vector_load %arg7[%swap3A_582] {strides = array<i32>} : memref<4112xf32, #tpu.memory_space<vmem>>, vector<16xf32>,
      tpu.vector_store %arg7[%swap3A_582], %gather3A_579 {strides = array<i32>} : memref<4112xf32, #tpu.memory_space<vmem>>, vector<16xf32>,
      %scan3A_584 = arith.constant 12 : i32
      %scan3A_585 = arith.addi %scan3A_453, %scan3A_584 : i32
      %mul3A_586 = arith.constant 16 : i32
      %mul3A_587 = arith.muli %scan3A_585, %mul3A_586 : i32
      %get3A_588 = arith.index_cast %mul3A_587 : i32 to index
      %get3A_589 = tpu.vector_load %arg6[%get3A_588] {strides = array<i32>} : memref<4112xi32, #tpu.memory_space<vmem>>, vector<16xi32>,
      %gather3A_590 = tpu.vector_load_idx %arg5[%get3A_589] : memref<100000xf32, #tpu.memory_space<vmem>>[vector<16xi32>], vector<16xf32>,
      %mul3A_591 = arith.constant 16 : i32
      %mul3A_592 = arith.muli %scan3A_585, %mul3A_591 : i32
      %swap3A_593 = arith.index_cast %mul3A_592 : i32 to index
      %swap3A_594 = tpu.vector_load %arg7[%swap3A_593] {strides = array<i32>} : memref<4112xf32, #tpu.memory_space<vmem>>, vector<16xf32>,
      tpu.vector_store %arg7[%swap3A_593], %gather3A_590 {strides = array<i32>} : memref<4112xf32, #tpu.memory_space<vmem>>, vector<16xf32>,
      %scan3A_595 = arith.constant 13 : i32
      %scan3A_596 = arith.addi %scan3A_453, %scan3A_595 : i32
      %mul3A_597 = arith.constant 16 : i32
      %mul3A_598 = arith.muli %scan3A_596, %mul3A_597 : i32
      %get3A_599 = arith.index_cast %mul3A_598 : i32 to index
      %get3A_600 = tpu.vector_load %arg6[%get3A_599] {strides = array<i32>} : memref<4112xi32, #tpu.memory_space<vmem>>, vector<16xi32>,
      %gather3A_601 = tpu.vector_load_idx %arg5[%get3A_600] : memref<100000xf32, #tpu.memory_space<vmem>>[vector<16xi32>], vector<16xf32>,
      %mul3A_602 = arith.constant 16 : i32
      %mul3A_603 = arith.muli %scan3A_596, %mul3A_602 : i32
      %swap3A_604 = arith.index_cast %mul3A_603 : i32 to index
      %swap3A_605 = tpu.vector_load %arg7[%swap3A_604] {strides = array<i32>} : memref<4112xf32, #tpu.memory_space<vmem>>, vector<16xf32>,
      tpu.vector_store %arg7[%swap3A_604], %gather3A_601 {strides = array<i32>} : memref<4112xf32, #tpu.memory_space<vmem>>, vector<16xf32>,
      %scan3A_606 = arith.constant 14 : i32
      %scan3A_607 = arith.addi %scan3A_453, %scan3A_606 : i32
      %mul3A_608 = arith.constant 16 : i32
      %mul3A_609 = arith.muli %scan3A_607, %mul3A_608 : i32
      %get3A_610 = arith.index_cast %mul3A_609 : i32 to index
      %get3A_611 = tpu.vector_load %arg6[%get3A_610] {strides = array<i32>} : memref<4112xi32, #tpu.memory_space<vmem>>, vector<16xi32>,
      %gather3A_612 = tpu.vector_load_idx %arg5[%get3A_611] : memref<100000xf32, #tpu.memory_space<vmem>>[vector<16xi32>], vector<16xf32>,
      %mul3A_613 = arith.constant 16 : i32
      %mul3A_614 = arith.muli %scan3A_607, %mul3A_613 : i32
      %swap3A_615 = arith.index_cast %mul3A_614 : i32 to index
      %swap3A_616 = tpu.vector_load %arg7[%swap3A_615] {strides = array<i32>} : memref<4112xf32, #tpu.memory_space<vmem>>, vector<16xf32>,
      tpu.vector_store %arg7[%swap3A_615], %gather3A_612 {strides = array<i32>} : memref<4112xf32, #tpu.memory_space<vmem>>, vector<16xf32>,
      %scan3A_617 = arith.constant 15 : i32
      %scan3A_618 = arith.addi %scan3A_453, %scan3A_617 : i32
      %mul3A_619 = arith.constant 16 : i32
      %mul3A_620 = arith.muli %scan3A_618, %mul3A_619 : i32
      %get3A_621 = arith.index_cast %mul3A_620 : i32 to index
      %get3A_622 = tpu.vector_load %arg6[%get3A_621] {strides = array<i32>} : memref<4112xi32, #tpu.memory_space<vmem>>, vector<16xi32>,
      %gather3A_623 = tpu.vector_load_idx %arg5[%get3A_622] : memref<100000xf32, #tpu.memory_space<vmem>>[vector<16xi32>], vector<16xf32>,
      %mul3A_624 = arith.constant 16 : i32
      %mul3A_625 = arith.muli %scan3A_618, %mul3A_624 : i32
      %swap3A_626 = arith.index_cast %mul3A_625 : i32 to index
      %swap3A_627 = tpu.vector_load %arg7[%swap3A_626] {strides = array<i32>} : memref<4112xf32, #tpu.memory_space<vmem>>, vector<16xf32>,
      tpu.vector_store %arg7[%swap3A_626], %gather3A_623 {strides = array<i32>} : memref<4112xf32, #tpu.memory_space<vmem>>, vector<16xf32>,
    }
    %scan3A_151 = arith.constant 256 : i32
    %scan3A_152 = arith.addi %scan3A_147, %scan3A_151 : i32
    %mul3A_153 = arith.constant 16 : i32
    %mul3A_154 = arith.muli %scan3A_152, %mul3A_153 : i32
    %get3A_155 = arith.index_cast %mul3A_154 : i32 to index
    %get3A_156 = tpu.vector_load %arg6[%get3A_155] {strides = array<i32>} : memref<4112xi32, #tpu.memory_space<vmem>>, vector<16xi32>,
    %gather3A_157 = tpu.vector_load_idx %arg5[%get3A_156] : memref<100000xf32, #tpu.memory_space<vmem>>[vector<16xi32>], vector<16xf32>,
    %mul3A_158 = arith.constant 16 : i32
    %mul3A_159 = arith.muli %scan3A_152, %mul3A_158 : i32
    %swap3A_160 = arith.index_cast %mul3A_159 : i32 to index
    %swap3A_161 = tpu.vector_load %arg7[%swap3A_160] {strides = array<i32>} : memref<4112xf32, #tpu.memory_space<vmem>>, vector<16xf32>,
    tpu.vector_store %arg7[%swap3A_160], %gather3A_157 {strides = array<i32>} : memref<4112xf32, #tpu.memory_space<vmem>>, vector<16xf32>,
    %scan3A_162 = arith.constant 257 : i32
    "tpu.region"() ({
      %run_scoped3A = tpu.sem_alloc : memref<!tpu.dma_semaphore, #tpu.memory_space<semaphore_mem>>
      %dma_start3A_453 = arith.constant 0 : i32
      %dma_start3A_454 = tpu.memref_slice %arg4[%add3A_106, %dma_start3A_453] : memref<256x4112xf32, #tpu.memory_space<hbm>> -> memref<1x4112xf32, #tpu.memory_space<hbm>>
      %dma_start3A_455 = tpu.memref_squeeze %dma_start3A_454 : memref<1x4112xf32, #tpu.memory_space<hbm>> -> memref<4112xf32, #tpu.memory_space<hbm>>
      %dma_start3A_456 = arith.constant 0 : i32
      %dma_start3A_457 = tpu.memref_slice %arg4[%add3A_106, %dma_start3A_456] : memref<256x4112xf32, #tpu.memory_space<hbm>> -> memref<1x4112xf32, #tpu.memory_space<hbm>>
      %dma_start3A_458 = tpu.memref_squeeze %dma_start3A_457 : memref<1x4112xf32, #tpu.memory_space<hbm>> -> memref<4112xf32, #tpu.memory_space<hbm>>
      tpu.enqueue_dma source(%arg7 : memref<4112xf32, #tpu.memory_space<vmem>>) target(%dma_start3A_458 : memref<4112xf32, #tpu.memory_space<hbm>>) target_semaphore(%run_scoped3A : memref<!tpu.dma_semaphore, #tpu.memory_space<semaphore_mem>>)
      %dma_wait3A_459 = arith.constant 0 : i32
      %dma_wait3A_460 = tpu.memref_slice %arg4[%add3A_106, %dma_wait3A_459] : memref<256x4112xf32, #tpu.memory_space<hbm>> -> memref<1x4112xf32, #tpu.memory_space<hbm>>
      %dma_wait3A_461 = tpu.memref_squeeze %dma_wait3A_460 : memref<1x4112xf32, #tpu.memory_space<hbm>> -> memref<4112xf32, #tpu.memory_space<hbm>>
      %dma_wait3A_462 = arith.constant 0 : i32
      %dma_wait3A_463 = tpu.memref_slice %arg4[%add3A_106, %dma_wait3A_462] : memref<256x4112xf32, #tpu.memory_space<hbm>> -> memref<1x4112xf32, #tpu.memory_space<hbm>>
      %dma_wait3A_464 = tpu.memref_squeeze %dma_wait3A_463 : memref<1x4112xf32, #tpu.memory_space<hbm>> -> memref<4112xf32, #tpu.memory_space<hbm>>
      tpu.wait_dma2 semaphore(%run_scoped3A : memref<!tpu.dma_semaphore, #tpu.memory_space<semaphore_mem>>) src(%arg7 : memref<4112xf32, #tpu.memory_space<vmem>>) dst(%dma_wait3A_464 : memref<4112xf32, #tpu.memory_space<hbm>>)
      tpu.yield
    }) : () -> ()
    %add3A_163 = arith.constant 3 : i32
    %add3A_164 = arith.addi %mul3A_2, %add3A_163 : i32
    %jit3A_165 = arith.constant 128 : i32
    %div3A_166 = arith.divsi %add3A_164, %jit3A_165 : i32
    %sign3A_167 = arith.constant 0 : i32
    %sign3A_168 = arith.cmpi sgt, %add3A_164, %sign3A_167 : i32
    %sign3A_169 = arith.extui %sign3A_168 : i1 to i32
    %sign3A_170 = arith.constant 0 : i32
    %sign3A_171 = arith.cmpi slt, %add3A_164, %sign3A_170 : i32
    %sign3A_172 = arith.extui %sign3A_171 : i1 to i32
    %sign3A_173 = arith.subi %sign3A_169, %sign3A_172 : i32
    %sign3A_174 = arith.constant 0 : i32
    %sign3A_175 = arith.cmpi sgt, %jit3A_165, %sign3A_174 : i32
    %sign3A_176 = arith.extui %sign3A_175 : i1 to i32
    %sign3A_177 = arith.constant 0 : i32
    %sign3A_178 = arith.cmpi slt, %jit3A_165, %sign3A_177 : i32
    %sign3A_179 = arith.extui %sign3A_178 : i1 to i32
    %sign3A_180 = arith.subi %sign3A_176, %sign3A_179 : i32
    %ne3A_181 = arith.cmpi ne, %sign3A_173, %sign3A_180 : i32
    %rem3A_182 = arith.remsi %add3A_164, %jit3A_165 : i32
    %ne3A_183 = arith.constant 0 : i32
    %ne3A_184 = arith.cmpi ne, %rem3A_182, %ne3A_183 : i32
    %and3A_185 = arith.andi %ne3A_181, %ne3A_184 : i1
    %sub3A_186 = arith.constant 1 : i32
    %sub3A_187 = arith.subi %div3A_166, %sub3A_186 : i32
    %select_n3A_188 = arith.select %and3A_185, %sub3A_187, %div3A_166 : i32
    %mul3A_189 = arith.constant 128 : i32
    %mul3A_190 = arith.muli %select_n3A_188, %mul3A_189 : i32
    %sub3A_191 = arith.subi %add3A_164, %mul3A_190 : i32
    %dma_start3A_192 = arith.constant 0 : i32
    %dma_start3A_193 = tpu.memref_slice %arg2[%add3A_164, %dma_start3A_192] : memref<256x100000xf32, #tpu.memory_space<hbm>> -> memref<1x100000xf32, #tpu.memory_space<hbm>>
    %dma_start3A_194 = tpu.memref_squeeze %dma_start3A_193 : memref<1x100000xf32, #tpu.memory_space<hbm>> -> memref<100000xf32, #tpu.memory_space<hbm>>
    %dma_start3A_195 = arith.constant 0 : i32
    %dma_start3A_196 = tpu.memref_slice %arg2[%add3A_164, %dma_start3A_195] : memref<256x100000xf32, #tpu.memory_space<hbm>> -> memref<1x100000xf32, #tpu.memory_space<hbm>>
    %dma_start3A_197 = tpu.memref_squeeze %dma_start3A_196 : memref<1x100000xf32, #tpu.memory_space<hbm>> -> memref<100000xf32, #tpu.memory_space<hbm>>
    tpu.enqueue_dma source(%dma_start3A_197 : memref<100000xf32, #tpu.memory_space<hbm>>) target(%arg5 : memref<100000xf32, #tpu.memory_space<vmem>>) target_semaphore(%arg8 : memref<!tpu.dma_semaphore, #tpu.memory_space<semaphore_mem>>)
    "tpu.region"() ({
      %run_scoped3A = tpu.sem_alloc : memref<!tpu.dma_semaphore, #tpu.memory_space<semaphore_mem>>
      %dma_start3A_453 = arith.constant 0 : i32
      %dma_start3A_454 = tpu.memref_slice %arg3[%sub3A_191, %dma_start3A_453] : memref<128x4112xi32, #tpu.memory_space<hbm>> -> memref<1x4112xi32, #tpu.memory_space<hbm>>
      %dma_start3A_455 = tpu.memref_squeeze %dma_start3A_454 : memref<1x4112xi32, #tpu.memory_space<hbm>> -> memref<4112xi32, #tpu.memory_space<hbm>>
      %dma_start3A_456 = arith.constant 0 : i32
      %dma_start3A_457 = tpu.memref_slice %arg3[%sub3A_191, %dma_start3A_456] : memref<128x4112xi32, #tpu.memory_space<hbm>> -> memref<1x4112xi32, #tpu.memory_space<hbm>>
      %dma_start3A_458 = tpu.memref_squeeze %dma_start3A_457 : memref<1x4112xi32, #tpu.memory_space<hbm>> -> memref<4112xi32, #tpu.memory_space<hbm>>
      tpu.enqueue_dma source(%dma_start3A_458 : memref<4112xi32, #tpu.memory_space<hbm>>) target(%arg6 : memref<4112xi32, #tpu.memory_space<vmem>>) target_semaphore(%run_scoped3A : memref<!tpu.dma_semaphore, #tpu.memory_space<semaphore_mem>>)
      %dma_wait3A_459 = arith.constant 0 : i32
      %dma_wait3A_460 = tpu.memref_slice %arg3[%sub3A_191, %dma_wait3A_459] : memref<128x4112xi32, #tpu.memory_space<hbm>> -> memref<1x4112xi32, #tpu.memory_space<hbm>>
      %dma_wait3A_461 = tpu.memref_squeeze %dma_wait3A_460 : memref<1x4112xi32, #tpu.memory_space<hbm>> -> memref<4112xi32, #tpu.memory_space<hbm>>
      %dma_wait3A_462 = arith.constant 0 : i32
      %dma_wait3A_463 = tpu.memref_slice %arg3[%sub3A_191, %dma_wait3A_462] : memref<128x4112xi32, #tpu.memory_space<hbm>> -> memref<1x4112xi32, #tpu.memory_space<hbm>>
      %dma_wait3A_464 = tpu.memref_squeeze %dma_wait3A_463 : memref<1x4112xi32, #tpu.memory_space<hbm>> -> memref<4112xi32, #tpu.memory_space<hbm>>
      tpu.wait_dma2 semaphore(%run_scoped3A : memref<!tpu.dma_semaphore, #tpu.memory_space<semaphore_mem>>) src(%dma_wait3A_464 : memref<4112xi32, #tpu.memory_space<hbm>>) dst(%arg6 : memref<4112xi32, #tpu.memory_space<vmem>>)
      tpu.yield
    }) : () -> ()
    %dma_wait3A_198 = arith.constant 0 : i32
    %dma_wait3A_199 = tpu.memref_slice %arg2[%add3A_164, %dma_wait3A_198] : memref<256x100000xf32, #tpu.memory_space<hbm>> -> memref<1x100000xf32, #tpu.memory_space<hbm>>
    %dma_wait3A_200 = tpu.memref_squeeze %dma_wait3A_199 : memref<1x100000xf32, #tpu.memory_space<hbm>> -> memref<100000xf32, #tpu.memory_space<hbm>>
    %dma_wait3A_201 = arith.constant 0 : i32
    %dma_wait3A_202 = tpu.memref_slice %arg2[%add3A_164, %dma_wait3A_201] : memref<256x100000xf32, #tpu.memory_space<hbm>> -> memref<1x100000xf32, #tpu.memory_space<hbm>>
    %dma_wait3A_203 = tpu.memref_squeeze %dma_wait3A_202 : memref<1x100000xf32, #tpu.memory_space<hbm>> -> memref<100000xf32, #tpu.memory_space<hbm>>
    tpu.wait_dma2 semaphore(%arg8 : memref<!tpu.dma_semaphore, #tpu.memory_space<semaphore_mem>>) src(%dma_wait3A_203 : memref<100000xf32, #tpu.memory_space<hbm>>) dst(%arg5 : memref<100000xf32, #tpu.memory_space<vmem>>)
    %scan3A_204 = arith.constant 0 : i32
    %scan3A_205 = arith.constant 0 : i32
    %scan3A_206 = arith.constant 256 : i32
    %scan3A_207 = arith.addi %scan3A_205, %scan3A_206 : i32
    %scan3A_208 = arith.constant 16 : i32
    scf.for %scan3A_453 = %scan3A_205 to %scan3A_207 step %scan3A_208  : i32 {
      %mul3A_454 = arith.constant 16 : i32
      %mul3A_455 = arith.muli %scan3A_453, %mul3A_454 : i32
      %get3A_456 = arith.index_cast %mul3A_455 : i32 to index
      %get3A_457 = tpu.vector_load %arg6[%get3A_456] {strides = array<i32>} : memref<4112xi32, #tpu.memory_space<vmem>>, vector<16xi32>,
      %gather3A_458 = tpu.vector_load_idx %arg5[%get3A_457] : memref<100000xf32, #tpu.memory_space<vmem>>[vector<16xi32>], vector<16xf32>,
      %mul3A_459 = arith.constant 16 : i32
      %mul3A_460 = arith.muli %scan3A_453, %mul3A_459 : i32
      %swap3A_461 = arith.index_cast %mul3A_460 : i32 to index
      %swap3A_462 = tpu.vector_load %arg7[%swap3A_461] {strides = array<i32>} : memref<4112xf32, #tpu.memory_space<vmem>>, vector<16xf32>,
      tpu.vector_store %arg7[%swap3A_461], %gather3A_458 {strides = array<i32>} : memref<4112xf32, #tpu.memory_space<vmem>>, vector<16xf32>,
      %scan3A_463 = arith.constant 1 : i32
      %scan3A_464 = arith.addi %scan3A_453, %scan3A_463 : i32
      %mul3A_465 = arith.constant 16 : i32
      %mul3A_466 = arith.muli %scan3A_464, %mul3A_465 : i32
      %get3A_467 = arith.index_cast %mul3A_466 : i32 to index
      %get3A_468 = tpu.vector_load %arg6[%get3A_467] {strides = array<i32>} : memref<4112xi32, #tpu.memory_space<vmem>>, vector<16xi32>,
      %gather3A_469 = tpu.vector_load_idx %arg5[%get3A_468] : memref<100000xf32, #tpu.memory_space<vmem>>[vector<16xi32>], vector<16xf32>,
      %mul3A_470 = arith.constant 16 : i32
      %mul3A_471 = arith.muli %scan3A_464, %mul3A_470 : i32
      %swap3A_472 = arith.index_cast %mul3A_471 : i32 to index
      %swap3A_473 = tpu.vector_load %arg7[%swap3A_472] {strides = array<i32>} : memref<4112xf32, #tpu.memory_space<vmem>>, vector<16xf32>,
      tpu.vector_store %arg7[%swap3A_472], %gather3A_469 {strides = array<i32>} : memref<4112xf32, #tpu.memory_space<vmem>>, vector<16xf32>,
      %scan3A_474 = arith.constant 2 : i32
      %scan3A_475 = arith.addi %scan3A_453, %scan3A_474 : i32
      %mul3A_476 = arith.constant 16 : i32
      %mul3A_477 = arith.muli %scan3A_475, %mul3A_476 : i32
      %get3A_478 = arith.index_cast %mul3A_477 : i32 to index
      %get3A_479 = tpu.vector_load %arg6[%get3A_478] {strides = array<i32>} : memref<4112xi32, #tpu.memory_space<vmem>>, vector<16xi32>,
      %gather3A_480 = tpu.vector_load_idx %arg5[%get3A_479] : memref<100000xf32, #tpu.memory_space<vmem>>[vector<16xi32>], vector<16xf32>,
      %mul3A_481 = arith.constant 16 : i32
      %mul3A_482 = arith.muli %scan3A_475, %mul3A_481 : i32
      %swap3A_483 = arith.index_cast %mul3A_482 : i32 to index
      %swap3A_484 = tpu.vector_load %arg7[%swap3A_483] {strides = array<i32>} : memref<4112xf32, #tpu.memory_space<vmem>>, vector<16xf32>,
      tpu.vector_store %arg7[%swap3A_483], %gather3A_480 {strides = array<i32>} : memref<4112xf32, #tpu.memory_space<vmem>>, vector<16xf32>,
      %scan3A_485 = arith.constant 3 : i32
      %scan3A_486 = arith.addi %scan3A_453, %scan3A_485 : i32
      %mul3A_487 = arith.constant 16 : i32
      %mul3A_488 = arith.muli %scan3A_486, %mul3A_487 : i32
      %get3A_489 = arith.index_cast %mul3A_488 : i32 to index
      %get3A_490 = tpu.vector_load %arg6[%get3A_489] {strides = array<i32>} : memref<4112xi32, #tpu.memory_space<vmem>>, vector<16xi32>,
      %gather3A_491 = tpu.vector_load_idx %arg5[%get3A_490] : memref<100000xf32, #tpu.memory_space<vmem>>[vector<16xi32>], vector<16xf32>,
      %mul3A_492 = arith.constant 16 : i32
      %mul3A_493 = arith.muli %scan3A_486, %mul3A_492 : i32
      %swap3A_494 = arith.index_cast %mul3A_493 : i32 to index
      %swap3A_495 = tpu.vector_load %arg7[%swap3A_494] {strides = array<i32>} : memref<4112xf32, #tpu.memory_space<vmem>>, vector<16xf32>,
      tpu.vector_store %arg7[%swap3A_494], %gather3A_491 {strides = array<i32>} : memref<4112xf32, #tpu.memory_space<vmem>>, vector<16xf32>,
      %scan3A_496 = arith.constant 4 : i32
      %scan3A_497 = arith.addi %scan3A_453, %scan3A_496 : i32
      %mul3A_498 = arith.constant 16 : i32
      %mul3A_499 = arith.muli %scan3A_497, %mul3A_498 : i32
      %get3A_500 = arith.index_cast %mul3A_499 : i32 to index
      %get3A_501 = tpu.vector_load %arg6[%get3A_500] {strides = array<i32>} : memref<4112xi32, #tpu.memory_space<vmem>>, vector<16xi32>,
      %gather3A_502 = tpu.vector_load_idx %arg5[%get3A_501] : memref<100000xf32, #tpu.memory_space<vmem>>[vector<16xi32>], vector<16xf32>,
      %mul3A_503 = arith.constant 16 : i32
      %mul3A_504 = arith.muli %scan3A_497, %mul3A_503 : i32
      %swap3A_505 = arith.index_cast %mul3A_504 : i32 to index
      %swap3A_506 = tpu.vector_load %arg7[%swap3A_505] {strides = array<i32>} : memref<4112xf32, #tpu.memory_space<vmem>>, vector<16xf32>,
      tpu.vector_store %arg7[%swap3A_505], %gather3A_502 {strides = array<i32>} : memref<4112xf32, #tpu.memory_space<vmem>>, vector<16xf32>,
      %scan3A_507 = arith.constant 5 : i32
      %scan3A_508 = arith.addi %scan3A_453, %scan3A_507 : i32
      %mul3A_509 = arith.constant 16 : i32
      %mul3A_510 = arith.muli %scan3A_508, %mul3A_509 : i32
      %get3A_511 = arith.index_cast %mul3A_510 : i32 to index
      %get3A_512 = tpu.vector_load %arg6[%get3A_511] {strides = array<i32>} : memref<4112xi32, #tpu.memory_space<vmem>>, vector<16xi32>,
      %gather3A_513 = tpu.vector_load_idx %arg5[%get3A_512] : memref<100000xf32, #tpu.memory_space<vmem>>[vector<16xi32>], vector<16xf32>,
      %mul3A_514 = arith.constant 16 : i32
      %mul3A_515 = arith.muli %scan3A_508, %mul3A_514 : i32
      %swap3A_516 = arith.index_cast %mul3A_515 : i32 to index
      %swap3A_517 = tpu.vector_load %arg7[%swap3A_516] {strides = array<i32>} : memref<4112xf32, #tpu.memory_space<vmem>>, vector<16xf32>,
      tpu.vector_store %arg7[%swap3A_516], %gather3A_513 {strides = array<i32>} : memref<4112xf32, #tpu.memory_space<vmem>>, vector<16xf32>,
      %scan3A_518 = arith.constant 6 : i32
      %scan3A_519 = arith.addi %scan3A_453, %scan3A_518 : i32
      %mul3A_520 = arith.constant 16 : i32
      %mul3A_521 = arith.muli %scan3A_519, %mul3A_520 : i32
      %get3A_522 = arith.index_cast %mul3A_521 : i32 to index
      %get3A_523 = tpu.vector_load %arg6[%get3A_522] {strides = array<i32>} : memref<4112xi32, #tpu.memory_space<vmem>>, vector<16xi32>,
      %gather3A_524 = tpu.vector_load_idx %arg5[%get3A_523] : memref<100000xf32, #tpu.memory_space<vmem>>[vector<16xi32>], vector<16xf32>,
      %mul3A_525 = arith.constant 16 : i32
      %mul3A_526 = arith.muli %scan3A_519, %mul3A_525 : i32
      %swap3A_527 = arith.index_cast %mul3A_526 : i32 to index
      %swap3A_528 = tpu.vector_load %arg7[%swap3A_527] {strides = array<i32>} : memref<4112xf32, #tpu.memory_space<vmem>>, vector<16xf32>,
      tpu.vector_store %arg7[%swap3A_527], %gather3A_524 {strides = array<i32>} : memref<4112xf32, #tpu.memory_space<vmem>>, vector<16xf32>,
      %scan3A_529 = arith.constant 7 : i32
      %scan3A_530 = arith.addi %scan3A_453, %scan3A_529 : i32
      %mul3A_531 = arith.constant 16 : i32
      %mul3A_532 = arith.muli %scan3A_530, %mul3A_531 : i32
      %get3A_533 = arith.index_cast %mul3A_532 : i32 to index
      %get3A_534 = tpu.vector_load %arg6[%get3A_533] {strides = array<i32>} : memref<4112xi32, #tpu.memory_space<vmem>>, vector<16xi32>,
      %gather3A_535 = tpu.vector_load_idx %arg5[%get3A_534] : memref<100000xf32, #tpu.memory_space<vmem>>[vector<16xi32>], vector<16xf32>,
      %mul3A_536 = arith.constant 16 : i32
      %mul3A_537 = arith.muli %scan3A_530, %mul3A_536 : i32
      %swap3A_538 = arith.index_cast %mul3A_537 : i32 to index
      %swap3A_539 = tpu.vector_load %arg7[%swap3A_538] {strides = array<i32>} : memref<4112xf32, #tpu.memory_space<vmem>>, vector<16xf32>,
      tpu.vector_store %arg7[%swap3A_538], %gather3A_535 {strides = array<i32>} : memref<4112xf32, #tpu.memory_space<vmem>>, vector<16xf32>,
      %scan3A_540 = arith.constant 8 : i32
      %scan3A_541 = arith.addi %scan3A_453, %scan3A_540 : i32
      %mul3A_542 = arith.constant 16 : i32
      %mul3A_543 = arith.muli %scan3A_541, %mul3A_542 : i32
      %get3A_544 = arith.index_cast %mul3A_543 : i32 to index
      %get3A_545 = tpu.vector_load %arg6[%get3A_544] {strides = array<i32>} : memref<4112xi32, #tpu.memory_space<vmem>>, vector<16xi32>,
      %gather3A_546 = tpu.vector_load_idx %arg5[%get3A_545] : memref<100000xf32, #tpu.memory_space<vmem>>[vector<16xi32>], vector<16xf32>,
      %mul3A_547 = arith.constant 16 : i32
      %mul3A_548 = arith.muli %scan3A_541, %mul3A_547 : i32
      %swap3A_549 = arith.index_cast %mul3A_548 : i32 to index
      %swap3A_550 = tpu.vector_load %arg7[%swap3A_549] {strides = array<i32>} : memref<4112xf32, #tpu.memory_space<vmem>>, vector<16xf32>,
      tpu.vector_store %arg7[%swap3A_549], %gather3A_546 {strides = array<i32>} : memref<4112xf32, #tpu.memory_space<vmem>>, vector<16xf32>,
      %scan3A_551 = arith.constant 9 : i32
      %scan3A_552 = arith.addi %scan3A_453, %scan3A_551 : i32
      %mul3A_553 = arith.constant 16 : i32
      %mul3A_554 = arith.muli %scan3A_552, %mul3A_553 : i32
      %get3A_555 = arith.index_cast %mul3A_554 : i32 to index
      %get3A_556 = tpu.vector_load %arg6[%get3A_555] {strides = array<i32>} : memref<4112xi32, #tpu.memory_space<vmem>>, vector<16xi32>,
      %gather3A_557 = tpu.vector_load_idx %arg5[%get3A_556] : memref<100000xf32, #tpu.memory_space<vmem>>[vector<16xi32>], vector<16xf32>,
      %mul3A_558 = arith.constant 16 : i32
      %mul3A_559 = arith.muli %scan3A_552, %mul3A_558 : i32
      %swap3A_560 = arith.index_cast %mul3A_559 : i32 to index
      %swap3A_561 = tpu.vector_load %arg7[%swap3A_560] {strides = array<i32>} : memref<4112xf32, #tpu.memory_space<vmem>>, vector<16xf32>,
      tpu.vector_store %arg7[%swap3A_560], %gather3A_557 {strides = array<i32>} : memref<4112xf32, #tpu.memory_space<vmem>>, vector<16xf32>,
      %scan3A_562 = arith.constant 10 : i32
      %scan3A_563 = arith.addi %scan3A_453, %scan3A_562 : i32
      %mul3A_564 = arith.constant 16 : i32
      %mul3A_565 = arith.muli %scan3A_563, %mul3A_564 : i32
      %get3A_566 = arith.index_cast %mul3A_565 : i32 to index
      %get3A_567 = tpu.vector_load %arg6[%get3A_566] {strides = array<i32>} : memref<4112xi32, #tpu.memory_space<vmem>>, vector<16xi32>,
      %gather3A_568 = tpu.vector_load_idx %arg5[%get3A_567] : memref<100000xf32, #tpu.memory_space<vmem>>[vector<16xi32>], vector<16xf32>,
      %mul3A_569 = arith.constant 16 : i32
      %mul3A_570 = arith.muli %scan3A_563, %mul3A_569 : i32
      %swap3A_571 = arith.index_cast %mul3A_570 : i32 to index
      %swap3A_572 = tpu.vector_load %arg7[%swap3A_571] {strides = array<i32>} : memref<4112xf32, #tpu.memory_space<vmem>>, vector<16xf32>,
      tpu.vector_store %arg7[%swap3A_571], %gather3A_568 {strides = array<i32>} : memref<4112xf32, #tpu.memory_space<vmem>>, vector<16xf32>,
      %scan3A_573 = arith.constant 11 : i32
      %scan3A_574 = arith.addi %scan3A_453, %scan3A_573 : i32
      %mul3A_575 = arith.constant 16 : i32
      %mul3A_576 = arith.muli %scan3A_574, %mul3A_575 : i32
      %get3A_577 = arith.index_cast %mul3A_576 : i32 to index
      %get3A_578 = tpu.vector_load %arg6[%get3A_577] {strides = array<i32>} : memref<4112xi32, #tpu.memory_space<vmem>>, vector<16xi32>,
      %gather3A_579 = tpu.vector_load_idx %arg5[%get3A_578] : memref<100000xf32, #tpu.memory_space<vmem>>[vector<16xi32>], vector<16xf32>,
      %mul3A_580 = arith.constant 16 : i32
      %mul3A_581 = arith.muli %scan3A_574, %mul3A_580 : i32
      %swap3A_582 = arith.index_cast %mul3A_581 : i32 to index
      %swap3A_583 = tpu.vector_load %arg7[%swap3A_582] {strides = array<i32>} : memref<4112xf32, #tpu.memory_space<vmem>>, vector<16xf32>,
      tpu.vector_store %arg7[%swap3A_582], %gather3A_579 {strides = array<i32>} : memref<4112xf32, #tpu.memory_space<vmem>>, vector<16xf32>,
      %scan3A_584 = arith.constant 12 : i32
      %scan3A_585 = arith.addi %scan3A_453, %scan3A_584 : i32
      %mul3A_586 = arith.constant 16 : i32
      %mul3A_587 = arith.muli %scan3A_585, %mul3A_586 : i32
      %get3A_588 = arith.index_cast %mul3A_587 : i32 to index
      %get3A_589 = tpu.vector_load %arg6[%get3A_588] {strides = array<i32>} : memref<4112xi32, #tpu.memory_space<vmem>>, vector<16xi32>,
      %gather3A_590 = tpu.vector_load_idx %arg5[%get3A_589] : memref<100000xf32, #tpu.memory_space<vmem>>[vector<16xi32>], vector<16xf32>,
      %mul3A_591 = arith.constant 16 : i32
      %mul3A_592 = arith.muli %scan3A_585, %mul3A_591 : i32
      %swap3A_593 = arith.index_cast %mul3A_592 : i32 to index
      %swap3A_594 = tpu.vector_load %arg7[%swap3A_593] {strides = array<i32>} : memref<4112xf32, #tpu.memory_space<vmem>>, vector<16xf32>,
      tpu.vector_store %arg7[%swap3A_593], %gather3A_590 {strides = array<i32>} : memref<4112xf32, #tpu.memory_space<vmem>>, vector<16xf32>,
      %scan3A_595 = arith.constant 13 : i32
      %scan3A_596 = arith.addi %scan3A_453, %scan3A_595 : i32
      %mul3A_597 = arith.constant 16 : i32
      %mul3A_598 = arith.muli %scan3A_596, %mul3A_597 : i32
      %get3A_599 = arith.index_cast %mul3A_598 : i32 to index
      %get3A_600 = tpu.vector_load %arg6[%get3A_599] {strides = array<i32>} : memref<4112xi32, #tpu.memory_space<vmem>>, vector<16xi32>,
      %gather3A_601 = tpu.vector_load_idx %arg5[%get3A_600] : memref<100000xf32, #tpu.memory_space<vmem>>[vector<16xi32>], vector<16xf32>,
      %mul3A_602 = arith.constant 16 : i32
      %mul3A_603 = arith.muli %scan3A_596, %mul3A_602 : i32
      %swap3A_604 = arith.index_cast %mul3A_603 : i32 to index
      %swap3A_605 = tpu.vector_load %arg7[%swap3A_604] {strides = array<i32>} : memref<4112xf32, #tpu.memory_space<vmem>>, vector<16xf32>,
      tpu.vector_store %arg7[%swap3A_604], %gather3A_601 {strides = array<i32>} : memref<4112xf32, #tpu.memory_space<vmem>>, vector<16xf32>,
      %scan3A_606 = arith.constant 14 : i32
      %scan3A_607 = arith.addi %scan3A_453, %scan3A_606 : i32
      %mul3A_608 = arith.constant 16 : i32
      %mul3A_609 = arith.muli %scan3A_607, %mul3A_608 : i32
      %get3A_610 = arith.index_cast %mul3A_609 : i32 to index
      %get3A_611 = tpu.vector_load %arg6[%get3A_610] {strides = array<i32>} : memref<4112xi32, #tpu.memory_space<vmem>>, vector<16xi32>,
      %gather3A_612 = tpu.vector_load_idx %arg5[%get3A_611] : memref<100000xf32, #tpu.memory_space<vmem>>[vector<16xi32>], vector<16xf32>,
      %mul3A_613 = arith.constant 16 : i32
      %mul3A_614 = arith.muli %scan3A_607, %mul3A_613 : i32
      %swap3A_615 = arith.index_cast %mul3A_614 : i32 to index
      %swap3A_616 = tpu.vector_load %arg7[%swap3A_615] {strides = array<i32>} : memref<4112xf32, #tpu.memory_space<vmem>>, vector<16xf32>,
      tpu.vector_store %arg7[%swap3A_615], %gather3A_612 {strides = array<i32>} : memref<4112xf32, #tpu.memory_space<vmem>>, vector<16xf32>,
      %scan3A_617 = arith.constant 15 : i32
      %scan3A_618 = arith.addi %scan3A_453, %scan3A_617 : i32
      %mul3A_619 = arith.constant 16 : i32
      %mul3A_620 = arith.muli %scan3A_618, %mul3A_619 : i32
      %get3A_621 = arith.index_cast %mul3A_620 : i32 to index
      %get3A_622 = tpu.vector_load %arg6[%get3A_621] {strides = array<i32>} : memref<4112xi32, #tpu.memory_space<vmem>>, vector<16xi32>,
      %gather3A_623 = tpu.vector_load_idx %arg5[%get3A_622] : memref<100000xf32, #tpu.memory_space<vmem>>[vector<16xi32>], vector<16xf32>,
      %mul3A_624 = arith.constant 16 : i32
      %mul3A_625 = arith.muli %scan3A_618, %mul3A_624 : i32
      %swap3A_626 = arith.index_cast %mul3A_625 : i32 to index
      %swap3A_627 = tpu.vector_load %arg7[%swap3A_626] {strides = array<i32>} : memref<4112xf32, #tpu.memory_space<vmem>>, vector<16xf32>,
      tpu.vector_store %arg7[%swap3A_626], %gather3A_623 {strides = array<i32>} : memref<4112xf32, #tpu.memory_space<vmem>>, vector<16xf32>,
    }
    %scan3A_209 = arith.constant 256 : i32
    %scan3A_210 = arith.addi %scan3A_205, %scan3A_209 : i32
    %mul3A_211 = arith.constant 16 : i32
    %mul3A_212 = arith.muli %scan3A_210, %mul3A_211 : i32
    %get3A_213 = arith.index_cast %mul3A_212 : i32 to index
    %get3A_214 = tpu.vector_load %arg6[%get3A_213] {strides = array<i32>} : memref<4112xi32, #tpu.memory_space<vmem>>, vector<16xi32>,
    %gather3A_215 = tpu.vector_load_idx %arg5[%get3A_214] : memref<100000xf32, #tpu.memory_space<vmem>>[vector<16xi32>], vector<16xf32>,
    %mul3A_216 = arith.constant 16 : i32
    %mul3A_217 = arith.muli %scan3A_210, %mul3A_216 : i32
    %swap3A_218 = arith.index_cast %mul3A_217 : i32 to index
    %swap3A_219 = tpu.vector_load %arg7[%swap3A_218] {strides = array<i32>} : memref<4112xf32, #tpu.memory_space<vmem>>, vector<16xf32>,
    tpu.vector_store %arg7[%swap3A_218], %gather3A_215 {strides = array<i32>} : memref<4112xf32, #tpu.memory_space<vmem>>, vector<16xf32>,
    %scan3A_220 = arith.constant 257 : i32
    "tpu.region"() ({
      %run_scoped3A = tpu.sem_alloc : memref<!tpu.dma_semaphore, #tpu.memory_space<semaphore_mem>>
      %dma_start3A_453 = arith.constant 0 : i32
      %dma_start3A_454 = tpu.memref_slice %arg4[%add3A_164, %dma_start3A_453] : memref<256x4112xf32, #tpu.memory_space<hbm>> -> memref<1x4112xf32, #tpu.memory_space<hbm>>
      %dma_start3A_455 = tpu.memref_squeeze %dma_start3A_454 : memref<1x4112xf32, #tpu.memory_space<hbm>> -> memref<4112xf32, #tpu.memory_space<hbm>>
      %dma_start3A_456 = arith.constant 0 : i32
      %dma_start3A_457 = tpu.memref_slice %arg4[%add3A_164, %dma_start3A_456] : memref<256x4112xf32, #tpu.memory_space<hbm>> -> memref<1x4112xf32, #tpu.memory_space<hbm>>
      %dma_start3A_458 = tpu.memref_squeeze %dma_start3A_457 : memref<1x4112xf32, #tpu.memory_space<hbm>> -> memref<4112xf32, #tpu.memory_space<hbm>>
      tpu.enqueue_dma source(%arg7 : memref<4112xf32, #tpu.memory_space<vmem>>) target(%dma_start3A_458 : memref<4112xf32, #tpu.memory_space<hbm>>) target_semaphore(%run_scoped3A : memref<!tpu.dma_semaphore, #tpu.memory_space<semaphore_mem>>)
      %dma_wait3A_459 = arith.constant 0 : i32
      %dma_wait3A_460 = tpu.memref_slice %arg4[%add3A_164, %dma_wait3A_459] : memref<256x4112xf32, #tpu.memory_space<hbm>> -> memref<1x4112xf32, #tpu.memory_space<hbm>>
      %dma_wait3A_461 = tpu.memref_squeeze %dma_wait3A_460 : memref<1x4112xf32, #tpu.memory_space<hbm>> -> memref<4112xf32, #tpu.memory_space<hbm>>
      %dma_wait3A_462 = arith.constant 0 : i32
      %dma_wait3A_463 = tpu.memref_slice %arg4[%add3A_164, %dma_wait3A_462] : memref<256x4112xf32, #tpu.memory_space<hbm>> -> memref<1x4112xf32, #tpu.memory_space<hbm>>
      %dma_wait3A_464 = tpu.memref_squeeze %dma_wait3A_463 : memref<1x4112xf32, #tpu.memory_space<hbm>> -> memref<4112xf32, #tpu.memory_space<hbm>>
      tpu.wait_dma2 semaphore(%run_scoped3A : memref<!tpu.dma_semaphore, #tpu.memory_space<semaphore_mem>>) src(%arg7 : memref<4112xf32, #tpu.memory_space<vmem>>) dst(%dma_wait3A_464 : memref<4112xf32, #tpu.memory_space<hbm>>)
      tpu.yield
    }) : () -> ()
    %add3A_221 = arith.constant 4 : i32
    %add3A_222 = arith.addi %mul3A_2, %add3A_221 : i32
    %jit3A_223 = arith.constant 128 : i32
    %div3A_224 = arith.divsi %add3A_222, %jit3A_223 : i32
    %sign3A_225 = arith.constant 0 : i32
    %sign3A_226 = arith.cmpi sgt, %add3A_222, %sign3A_225 : i32
    %sign3A_227 = arith.extui %sign3A_226 : i1 to i32
    %sign3A_228 = arith.constant 0 : i32
    %sign3A_229 = arith.cmpi slt, %add3A_222, %sign3A_228 : i32
    %sign3A_230 = arith.extui %sign3A_229 : i1 to i32
    %sign3A_231 = arith.subi %sign3A_227, %sign3A_230 : i32
    %sign3A_232 = arith.constant 0 : i32
    %sign3A_233 = arith.cmpi sgt, %jit3A_223, %sign3A_232 : i32
    %sign3A_234 = arith.extui %sign3A_233 : i1 to i32
    %sign3A_235 = arith.constant 0 : i32
    %sign3A_236 = arith.cmpi slt, %jit3A_223, %sign3A_235 : i32
    %sign3A_237 = arith.extui %sign3A_236 : i1 to i32
    %sign3A_238 = arith.subi %sign3A_234, %sign3A_237 : i32
    %ne3A_239 = arith.cmpi ne, %sign3A_231, %sign3A_238 : i32
    %rem3A_240 = arith.remsi %add3A_222, %jit3A_223 : i32
    %ne3A_241 = arith.constant 0 : i32
    %ne3A_242 = arith.cmpi ne, %rem3A_240, %ne3A_241 : i32
    %and3A_243 = arith.andi %ne3A_239, %ne3A_242 : i1
    %sub3A_244 = arith.constant 1 : i32
    %sub3A_245 = arith.subi %div3A_224, %sub3A_244 : i32
    %select_n3A_246 = arith.select %and3A_243, %sub3A_245, %div3A_224 : i32
    %mul3A_247 = arith.constant 128 : i32
    %mul3A_248 = arith.muli %select_n3A_246, %mul3A_247 : i32
    %sub3A_249 = arith.subi %add3A_222, %mul3A_248 : i32
    %dma_start3A_250 = arith.constant 0 : i32
    %dma_start3A_251 = tpu.memref_slice %arg2[%add3A_222, %dma_start3A_250] : memref<256x100000xf32, #tpu.memory_space<hbm>> -> memref<1x100000xf32, #tpu.memory_space<hbm>>
    %dma_start3A_252 = tpu.memref_squeeze %dma_start3A_251 : memref<1x100000xf32, #tpu.memory_space<hbm>> -> memref<100000xf32, #tpu.memory_space<hbm>>
    %dma_start3A_253 = arith.constant 0 : i32
    %dma_start3A_254 = tpu.memref_slice %arg2[%add3A_222, %dma_start3A_253] : memref<256x100000xf32, #tpu.memory_space<hbm>> -> memref<1x100000xf32, #tpu.memory_space<hbm>>
    %dma_start3A_255 = tpu.memref_squeeze %dma_start3A_254 : memref<1x100000xf32, #tpu.memory_space<hbm>> -> memref<100000xf32, #tpu.memory_space<hbm>>
    tpu.enqueue_dma source(%dma_start3A_255 : memref<100000xf32, #tpu.memory_space<hbm>>) target(%arg5 : memref<100000xf32, #tpu.memory_space<vmem>>) target_semaphore(%arg8 : memref<!tpu.dma_semaphore, #tpu.memory_space<semaphore_mem>>)
    "tpu.region"() ({
      %run_scoped3A = tpu.sem_alloc : memref<!tpu.dma_semaphore, #tpu.memory_space<semaphore_mem>>
      %dma_start3A_453 = arith.constant 0 : i32
      %dma_start3A_454 = tpu.memref_slice %arg3[%sub3A_249, %dma_start3A_453] : memref<128x4112xi32, #tpu.memory_space<hbm>> -> memref<1x4112xi32, #tpu.memory_space<hbm>>
      %dma_start3A_455 = tpu.memref_squeeze %dma_start3A_454 : memref<1x4112xi32, #tpu.memory_space<hbm>> -> memref<4112xi32, #tpu.memory_space<hbm>>
      %dma_start3A_456 = arith.constant 0 : i32
      %dma_start3A_457 = tpu.memref_slice %arg3[%sub3A_249, %dma_start3A_456] : memref<128x4112xi32, #tpu.memory_space<hbm>> -> memref<1x4112xi32, #tpu.memory_space<hbm>>
      %dma_start3A_458 = tpu.memref_squeeze %dma_start3A_457 : memref<1x4112xi32, #tpu.memory_space<hbm>> -> memref<4112xi32, #tpu.memory_space<hbm>>
      tpu.enqueue_dma source(%dma_start3A_458 : memref<4112xi32, #tpu.memory_space<hbm>>) target(%arg6 : memref<4112xi32, #tpu.memory_space<vmem>>) target_semaphore(%run_scoped3A : memref<!tpu.dma_semaphore, #tpu.memory_space<semaphore_mem>>)
      %dma_wait3A_459 = arith.constant 0 : i32
      %dma_wait3A_460 = tpu.memref_slice %arg3[%sub3A_249, %dma_wait3A_459] : memref<128x4112xi32, #tpu.memory_space<hbm>> -> memref<1x4112xi32, #tpu.memory_space<hbm>>
      %dma_wait3A_461 = tpu.memref_squeeze %dma_wait3A_460 : memref<1x4112xi32, #tpu.memory_space<hbm>> -> memref<4112xi32, #tpu.memory_space<hbm>>
      %dma_wait3A_462 = arith.constant 0 : i32
      %dma_wait3A_463 = tpu.memref_slice %arg3[%sub3A_249, %dma_wait3A_462] : memref<128x4112xi32, #tpu.memory_space<hbm>> -> memref<1x4112xi32, #tpu.memory_space<hbm>>
      %dma_wait3A_464 = tpu.memref_squeeze %dma_wait3A_463 : memref<1x4112xi32, #tpu.memory_space<hbm>> -> memref<4112xi32, #tpu.memory_space<hbm>>
      tpu.wait_dma2 semaphore(%run_scoped3A : memref<!tpu.dma_semaphore, #tpu.memory_space<semaphore_mem>>) src(%dma_wait3A_464 : memref<4112xi32, #tpu.memory_space<hbm>>) dst(%arg6 : memref<4112xi32, #tpu.memory_space<vmem>>)
      tpu.yield
    }) : () -> ()
    %dma_wait3A_256 = arith.constant 0 : i32
    %dma_wait3A_257 = tpu.memref_slice %arg2[%add3A_222, %dma_wait3A_256] : memref<256x100000xf32, #tpu.memory_space<hbm>> -> memref<1x100000xf32, #tpu.memory_space<hbm>>
    %dma_wait3A_258 = tpu.memref_squeeze %dma_wait3A_257 : memref<1x100000xf32, #tpu.memory_space<hbm>> -> memref<100000xf32, #tpu.memory_space<hbm>>
    %dma_wait3A_259 = arith.constant 0 : i32
    %dma_wait3A_260 = tpu.memref_slice %arg2[%add3A_222, %dma_wait3A_259] : memref<256x100000xf32, #tpu.memory_space<hbm>> -> memref<1x100000xf32, #tpu.memory_space<hbm>>
    %dma_wait3A_261 = tpu.memref_squeeze %dma_wait3A_260 : memref<1x100000xf32, #tpu.memory_space<hbm>> -> memref<100000xf32, #tpu.memory_space<hbm>>
    tpu.wait_dma2 semaphore(%arg8 : memref<!tpu.dma_semaphore, #tpu.memory_space<semaphore_mem>>) src(%dma_wait3A_261 : memref<100000xf32, #tpu.memory_space<hbm>>) dst(%arg5 : memref<100000xf32, #tpu.memory_space<vmem>>)
    %scan3A_262 = arith.constant 0 : i32
    %scan3A_263 = arith.constant 0 : i32
    %scan3A_264 = arith.constant 256 : i32
    %scan3A_265 = arith.addi %scan3A_263, %scan3A_264 : i32
    %scan3A_266 = arith.constant 16 : i32
    scf.for %scan3A_453 = %scan3A_263 to %scan3A_265 step %scan3A_266  : i32 {
      %mul3A_454 = arith.constant 16 : i32
      %mul3A_455 = arith.muli %scan3A_453, %mul3A_454 : i32
      %get3A_456 = arith.index_cast %mul3A_455 : i32 to index
      %get3A_457 = tpu.vector_load %arg6[%get3A_456] {strides = array<i32>} : memref<4112xi32, #tpu.memory_space<vmem>>, vector<16xi32>,
      %gather3A_458 = tpu.vector_load_idx %arg5[%get3A_457] : memref<100000xf32, #tpu.memory_space<vmem>>[vector<16xi32>], vector<16xf32>,
      %mul3A_459 = arith.constant 16 : i32
      %mul3A_460 = arith.muli %scan3A_453, %mul3A_459 : i32
      %swap3A_461 = arith.index_cast %mul3A_460 : i32 to index
      %swap3A_462 = tpu.vector_load %arg7[%swap3A_461] {strides = array<i32>} : memref<4112xf32, #tpu.memory_space<vmem>>, vector<16xf32>,
      tpu.vector_store %arg7[%swap3A_461], %gather3A_458 {strides = array<i32>} : memref<4112xf32, #tpu.memory_space<vmem>>, vector<16xf32>,
      %scan3A_463 = arith.constant 1 : i32
      %scan3A_464 = arith.addi %scan3A_453, %scan3A_463 : i32
      %mul3A_465 = arith.constant 16 : i32
      %mul3A_466 = arith.muli %scan3A_464, %mul3A_465 : i32
      %get3A_467 = arith.index_cast %mul3A_466 : i32 to index
      %get3A_468 = tpu.vector_load %arg6[%get3A_467] {strides = array<i32>} : memref<4112xi32, #tpu.memory_space<vmem>>, vector<16xi32>,
      %gather3A_469 = tpu.vector_load_idx %arg5[%get3A_468] : memref<100000xf32, #tpu.memory_space<vmem>>[vector<16xi32>], vector<16xf32>,
      %mul3A_470 = arith.constant 16 : i32
      %mul3A_471 = arith.muli %scan3A_464, %mul3A_470 : i32
      %swap3A_472 = arith.index_cast %mul3A_471 : i32 to index
      %swap3A_473 = tpu.vector_load %arg7[%swap3A_472] {strides = array<i32>} : memref<4112xf32, #tpu.memory_space<vmem>>, vector<16xf32>,
      tpu.vector_store %arg7[%swap3A_472], %gather3A_469 {strides = array<i32>} : memref<4112xf32, #tpu.memory_space<vmem>>, vector<16xf32>,
      %scan3A_474 = arith.constant 2 : i32
      %scan3A_475 = arith.addi %scan3A_453, %scan3A_474 : i32
      %mul3A_476 = arith.constant 16 : i32
      %mul3A_477 = arith.muli %scan3A_475, %mul3A_476 : i32
      %get3A_478 = arith.index_cast %mul3A_477 : i32 to index
      %get3A_479 = tpu.vector_load %arg6[%get3A_478] {strides = array<i32>} : memref<4112xi32, #tpu.memory_space<vmem>>, vector<16xi32>,
      %gather3A_480 = tpu.vector_load_idx %arg5[%get3A_479] : memref<100000xf32, #tpu.memory_space<vmem>>[vector<16xi32>], vector<16xf32>,
      %mul3A_481 = arith.constant 16 : i32
      %mul3A_482 = arith.muli %scan3A_475, %mul3A_481 : i32
      %swap3A_483 = arith.index_cast %mul3A_482 : i32 to index
      %swap3A_484 = tpu.vector_load %arg7[%swap3A_483] {strides = array<i32>} : memref<4112xf32, #tpu.memory_space<vmem>>, vector<16xf32>,
      tpu.vector_store %arg7[%swap3A_483], %gather3A_480 {strides = array<i32>} : memref<4112xf32, #tpu.memory_space<vmem>>, vector<16xf32>,
      %scan3A_485 = arith.constant 3 : i32
      %scan3A_486 = arith.addi %scan3A_453, %scan3A_485 : i32
      %mul3A_487 = arith.constant 16 : i32
      %mul3A_488 = arith.muli %scan3A_486, %mul3A_487 : i32
      %get3A_489 = arith.index_cast %mul3A_488 : i32 to index
      %get3A_490 = tpu.vector_load %arg6[%get3A_489] {strides = array<i32>} : memref<4112xi32, #tpu.memory_space<vmem>>, vector<16xi32>,
      %gather3A_491 = tpu.vector_load_idx %arg5[%get3A_490] : memref<100000xf32, #tpu.memory_space<vmem>>[vector<16xi32>], vector<16xf32>,
      %mul3A_492 = arith.constant 16 : i32
      %mul3A_493 = arith.muli %scan3A_486, %mul3A_492 : i32
      %swap3A_494 = arith.index_cast %mul3A_493 : i32 to index
      %swap3A_495 = tpu.vector_load %arg7[%swap3A_494] {strides = array<i32>} : memref<4112xf32, #tpu.memory_space<vmem>>, vector<16xf32>,
      tpu.vector_store %arg7[%swap3A_494], %gather3A_491 {strides = array<i32>} : memref<4112xf32, #tpu.memory_space<vmem>>, vector<16xf32>,
      %scan3A_496 = arith.constant 4 : i32
      %scan3A_497 = arith.addi %scan3A_453, %scan3A_496 : i32
      %mul3A_498 = arith.constant 16 : i32
      %mul3A_499 = arith.muli %scan3A_497, %mul3A_498 : i32
      %get3A_500 = arith.index_cast %mul3A_499 : i32 to index
      %get3A_501 = tpu.vector_load %arg6[%get3A_500] {strides = array<i32>} : memref<4112xi32, #tpu.memory_space<vmem>>, vector<16xi32>,
      %gather3A_502 = tpu.vector_load_idx %arg5[%get3A_501] : memref<100000xf32, #tpu.memory_space<vmem>>[vector<16xi32>], vector<16xf32>,
      %mul3A_503 = arith.constant 16 : i32
      %mul3A_504 = arith.muli %scan3A_497, %mul3A_503 : i32
      %swap3A_505 = arith.index_cast %mul3A_504 : i32 to index
      %swap3A_506 = tpu.vector_load %arg7[%swap3A_505] {strides = array<i32>} : memref<4112xf32, #tpu.memory_space<vmem>>, vector<16xf32>,
      tpu.vector_store %arg7[%swap3A_505], %gather3A_502 {strides = array<i32>} : memref<4112xf32, #tpu.memory_space<vmem>>, vector<16xf32>,
      %scan3A_507 = arith.constant 5 : i32
      %scan3A_508 = arith.addi %scan3A_453, %scan3A_507 : i32
      %mul3A_509 = arith.constant 16 : i32
      %mul3A_510 = arith.muli %scan3A_508, %mul3A_509 : i32
      %get3A_511 = arith.index_cast %mul3A_510 : i32 to index
      %get3A_512 = tpu.vector_load %arg6[%get3A_511] {strides = array<i32>} : memref<4112xi32, #tpu.memory_space<vmem>>, vector<16xi32>,
      %gather3A_513 = tpu.vector_load_idx %arg5[%get3A_512] : memref<100000xf32, #tpu.memory_space<vmem>>[vector<16xi32>], vector<16xf32>,
      %mul3A_514 = arith.constant 16 : i32
      %mul3A_515 = arith.muli %scan3A_508, %mul3A_514 : i32
      %swap3A_516 = arith.index_cast %mul3A_515 : i32 to index
      %swap3A_517 = tpu.vector_load %arg7[%swap3A_516] {strides = array<i32>} : memref<4112xf32, #tpu.memory_space<vmem>>, vector<16xf32>,
      tpu.vector_store %arg7[%swap3A_516], %gather3A_513 {strides = array<i32>} : memref<4112xf32, #tpu.memory_space<vmem>>, vector<16xf32>,
      %scan3A_518 = arith.constant 6 : i32
      %scan3A_519 = arith.addi %scan3A_453, %scan3A_518 : i32
      %mul3A_520 = arith.constant 16 : i32
      %mul3A_521 = arith.muli %scan3A_519, %mul3A_520 : i32
      %get3A_522 = arith.index_cast %mul3A_521 : i32 to index
      %get3A_523 = tpu.vector_load %arg6[%get3A_522] {strides = array<i32>} : memref<4112xi32, #tpu.memory_space<vmem>>, vector<16xi32>,
      %gather3A_524 = tpu.vector_load_idx %arg5[%get3A_523] : memref<100000xf32, #tpu.memory_space<vmem>>[vector<16xi32>], vector<16xf32>,
      %mul3A_525 = arith.constant 16 : i32
      %mul3A_526 = arith.muli %scan3A_519, %mul3A_525 : i32
      %swap3A_527 = arith.index_cast %mul3A_526 : i32 to index
      %swap3A_528 = tpu.vector_load %arg7[%swap3A_527] {strides = array<i32>} : memref<4112xf32, #tpu.memory_space<vmem>>, vector<16xf32>,
      tpu.vector_store %arg7[%swap3A_527], %gather3A_524 {strides = array<i32>} : memref<4112xf32, #tpu.memory_space<vmem>>, vector<16xf32>,
      %scan3A_529 = arith.constant 7 : i32
      %scan3A_530 = arith.addi %scan3A_453, %scan3A_529 : i32
      %mul3A_531 = arith.constant 16 : i32
      %mul3A_532 = arith.muli %scan3A_530, %mul3A_531 : i32
      %get3A_533 = arith.index_cast %mul3A_532 : i32 to index
      %get3A_534 = tpu.vector_load %arg6[%get3A_533] {strides = array<i32>} : memref<4112xi32, #tpu.memory_space<vmem>>, vector<16xi32>,
      %gather3A_535 = tpu.vector_load_idx %arg5[%get3A_534] : memref<100000xf32, #tpu.memory_space<vmem>>[vector<16xi32>], vector<16xf32>,
      %mul3A_536 = arith.constant 16 : i32
      %mul3A_537 = arith.muli %scan3A_530, %mul3A_536 : i32
      %swap3A_538 = arith.index_cast %mul3A_537 : i32 to index
      %swap3A_539 = tpu.vector_load %arg7[%swap3A_538] {strides = array<i32>} : memref<4112xf32, #tpu.memory_space<vmem>>, vector<16xf32>,
      tpu.vector_store %arg7[%swap3A_538], %gather3A_535 {strides = array<i32>} : memref<4112xf32, #tpu.memory_space<vmem>>, vector<16xf32>,
      %scan3A_540 = arith.constant 8 : i32
      %scan3A_541 = arith.addi %scan3A_453, %scan3A_540 : i32
      %mul3A_542 = arith.constant 16 : i32
      %mul3A_543 = arith.muli %scan3A_541, %mul3A_542 : i32
      %get3A_544 = arith.index_cast %mul3A_543 : i32 to index
      %get3A_545 = tpu.vector_load %arg6[%get3A_544] {strides = array<i32>} : memref<4112xi32, #tpu.memory_space<vmem>>, vector<16xi32>,
      %gather3A_546 = tpu.vector_load_idx %arg5[%get3A_545] : memref<100000xf32, #tpu.memory_space<vmem>>[vector<16xi32>], vector<16xf32>,
      %mul3A_547 = arith.constant 16 : i32
      %mul3A_548 = arith.muli %scan3A_541, %mul3A_547 : i32
      %swap3A_549 = arith.index_cast %mul3A_548 : i32 to index
      %swap3A_550 = tpu.vector_load %arg7[%swap3A_549] {strides = array<i32>} : memref<4112xf32, #tpu.memory_space<vmem>>, vector<16xf32>,
      tpu.vector_store %arg7[%swap3A_549], %gather3A_546 {strides = array<i32>} : memref<4112xf32, #tpu.memory_space<vmem>>, vector<16xf32>,
      %scan3A_551 = arith.constant 9 : i32
      %scan3A_552 = arith.addi %scan3A_453, %scan3A_551 : i32
      %mul3A_553 = arith.constant 16 : i32
      %mul3A_554 = arith.muli %scan3A_552, %mul3A_553 : i32
      %get3A_555 = arith.index_cast %mul3A_554 : i32 to index
      %get3A_556 = tpu.vector_load %arg6[%get3A_555] {strides = array<i32>} : memref<4112xi32, #tpu.memory_space<vmem>>, vector<16xi32>,
      %gather3A_557 = tpu.vector_load_idx %arg5[%get3A_556] : memref<100000xf32, #tpu.memory_space<vmem>>[vector<16xi32>], vector<16xf32>,
      %mul3A_558 = arith.constant 16 : i32
      %mul3A_559 = arith.muli %scan3A_552, %mul3A_558 : i32
      %swap3A_560 = arith.index_cast %mul3A_559 : i32 to index
      %swap3A_561 = tpu.vector_load %arg7[%swap3A_560] {strides = array<i32>} : memref<4112xf32, #tpu.memory_space<vmem>>, vector<16xf32>,
      tpu.vector_store %arg7[%swap3A_560], %gather3A_557 {strides = array<i32>} : memref<4112xf32, #tpu.memory_space<vmem>>, vector<16xf32>,
      %scan3A_562 = arith.constant 10 : i32
      %scan3A_563 = arith.addi %scan3A_453, %scan3A_562 : i32
      %mul3A_564 = arith.constant 16 : i32
      %mul3A_565 = arith.muli %scan3A_563, %mul3A_564 : i32
      %get3A_566 = arith.index_cast %mul3A_565 : i32 to index
      %get3A_567 = tpu.vector_load %arg6[%get3A_566] {strides = array<i32>} : memref<4112xi32, #tpu.memory_space<vmem>>, vector<16xi32>,
      %gather3A_568 = tpu.vector_load_idx %arg5[%get3A_567] : memref<100000xf32, #tpu.memory_space<vmem>>[vector<16xi32>], vector<16xf32>,
      %mul3A_569 = arith.constant 16 : i32
      %mul3A_570 = arith.muli %scan3A_563, %mul3A_569 : i32
      %swap3A_571 = arith.index_cast %mul3A_570 : i32 to index
      %swap3A_572 = tpu.vector_load %arg7[%swap3A_571] {strides = array<i32>} : memref<4112xf32, #tpu.memory_space<vmem>>, vector<16xf32>,
      tpu.vector_store %arg7[%swap3A_571], %gather3A_568 {strides = array<i32>} : memref<4112xf32, #tpu.memory_space<vmem>>, vector<16xf32>,
      %scan3A_573 = arith.constant 11 : i32
      %scan3A_574 = arith.addi %scan3A_453, %scan3A_573 : i32
      %mul3A_575 = arith.constant 16 : i32
      %mul3A_576 = arith.muli %scan3A_574, %mul3A_575 : i32
      %get3A_577 = arith.index_cast %mul3A_576 : i32 to index
      %get3A_578 = tpu.vector_load %arg6[%get3A_577] {strides = array<i32>} : memref<4112xi32, #tpu.memory_space<vmem>>, vector<16xi32>,
      %gather3A_579 = tpu.vector_load_idx %arg5[%get3A_578] : memref<100000xf32, #tpu.memory_space<vmem>>[vector<16xi32>], vector<16xf32>,
      %mul3A_580 = arith.constant 16 : i32
      %mul3A_581 = arith.muli %scan3A_574, %mul3A_580 : i32
      %swap3A_582 = arith.index_cast %mul3A_581 : i32 to index
      %swap3A_583 = tpu.vector_load %arg7[%swap3A_582] {strides = array<i32>} : memref<4112xf32, #tpu.memory_space<vmem>>, vector<16xf32>,
      tpu.vector_store %arg7[%swap3A_582], %gather3A_579 {strides = array<i32>} : memref<4112xf32, #tpu.memory_space<vmem>>, vector<16xf32>,
      %scan3A_584 = arith.constant 12 : i32
      %scan3A_585 = arith.addi %scan3A_453, %scan3A_584 : i32
      %mul3A_586 = arith.constant 16 : i32
      %mul3A_587 = arith.muli %scan3A_585, %mul3A_586 : i32
      %get3A_588 = arith.index_cast %mul3A_587 : i32 to index
      %get3A_589 = tpu.vector_load %arg6[%get3A_588] {strides = array<i32>} : memref<4112xi32, #tpu.memory_space<vmem>>, vector<16xi32>,
      %gather3A_590 = tpu.vector_load_idx %arg5[%get3A_589] : memref<100000xf32, #tpu.memory_space<vmem>>[vector<16xi32>], vector<16xf32>,
      %mul3A_591 = arith.constant 16 : i32
      %mul3A_592 = arith.muli %scan3A_585, %mul3A_591 : i32
      %swap3A_593 = arith.index_cast %mul3A_592 : i32 to index
      %swap3A_594 = tpu.vector_load %arg7[%swap3A_593] {strides = array<i32>} : memref<4112xf32, #tpu.memory_space<vmem>>, vector<16xf32>,
      tpu.vector_store %arg7[%swap3A_593], %gather3A_590 {strides = array<i32>} : memref<4112xf32, #tpu.memory_space<vmem>>, vector<16xf32>,
      %scan3A_595 = arith.constant 13 : i32
      %scan3A_596 = arith.addi %scan3A_453, %scan3A_595 : i32
      %mul3A_597 = arith.constant 16 : i32
      %mul3A_598 = arith.muli %scan3A_596, %mul3A_597 : i32
      %get3A_599 = arith.index_cast %mul3A_598 : i32 to index
      %get3A_600 = tpu.vector_load %arg6[%get3A_599] {strides = array<i32>} : memref<4112xi32, #tpu.memory_space<vmem>>, vector<16xi32>,
      %gather3A_601 = tpu.vector_load_idx %arg5[%get3A_600] : memref<100000xf32, #tpu.memory_space<vmem>>[vector<16xi32>], vector<16xf32>,
      %mul3A_602 = arith.constant 16 : i32
      %mul3A_603 = arith.muli %scan3A_596, %mul3A_602 : i32
      %swap3A_604 = arith.index_cast %mul3A_603 : i32 to index
      %swap3A_605 = tpu.vector_load %arg7[%swap3A_604] {strides = array<i32>} : memref<4112xf32, #tpu.memory_space<vmem>>, vector<16xf32>,
      tpu.vector_store %arg7[%swap3A_604], %gather3A_601 {strides = array<i32>} : memref<4112xf32, #tpu.memory_space<vmem>>, vector<16xf32>,
      %scan3A_606 = arith.constant 14 : i32
      %scan3A_607 = arith.addi %scan3A_453, %scan3A_606 : i32
      %mul3A_608 = arith.constant 16 : i32
      %mul3A_609 = arith.muli %scan3A_607, %mul3A_608 : i32
      %get3A_610 = arith.index_cast %mul3A_609 : i32 to index
      %get3A_611 = tpu.vector_load %arg6[%get3A_610] {strides = array<i32>} : memref<4112xi32, #tpu.memory_space<vmem>>, vector<16xi32>,
      %gather3A_612 = tpu.vector_load_idx %arg5[%get3A_611] : memref<100000xf32, #tpu.memory_space<vmem>>[vector<16xi32>], vector<16xf32>,
      %mul3A_613 = arith.constant 16 : i32
      %mul3A_614 = arith.muli %scan3A_607, %mul3A_613 : i32
      %swap3A_615 = arith.index_cast %mul3A_614 : i32 to index
      %swap3A_616 = tpu.vector_load %arg7[%swap3A_615] {strides = array<i32>} : memref<4112xf32, #tpu.memory_space<vmem>>, vector<16xf32>,
      tpu.vector_store %arg7[%swap3A_615], %gather3A_612 {strides = array<i32>} : memref<4112xf32, #tpu.memory_space<vmem>>, vector<16xf32>,
      %scan3A_617 = arith.constant 15 : i32
      %scan3A_618 = arith.addi %scan3A_453, %scan3A_617 : i32
      %mul3A_619 = arith.constant 16 : i32
      %mul3A_620 = arith.muli %scan3A_618, %mul3A_619 : i32
      %get3A_621 = arith.index_cast %mul3A_620 : i32 to index
      %get3A_622 = tpu.vector_load %arg6[%get3A_621] {strides = array<i32>} : memref<4112xi32, #tpu.memory_space<vmem>>, vector<16xi32>,
      %gather3A_623 = tpu.vector_load_idx %arg5[%get3A_622] : memref<100000xf32, #tpu.memory_space<vmem>>[vector<16xi32>], vector<16xf32>,
      %mul3A_624 = arith.constant 16 : i32
      %mul3A_625 = arith.muli %scan3A_618, %mul3A_624 : i32
      %swap3A_626 = arith.index_cast %mul3A_625 : i32 to index
      %swap3A_627 = tpu.vector_load %arg7[%swap3A_626] {strides = array<i32>} : memref<4112xf32, #tpu.memory_space<vmem>>, vector<16xf32>,
      tpu.vector_store %arg7[%swap3A_626], %gather3A_623 {strides = array<i32>} : memref<4112xf32, #tpu.memory_space<vmem>>, vector<16xf32>,
    }
    %scan3A_267 = arith.constant 256 : i32
    %scan3A_268 = arith.addi %scan3A_263, %scan3A_267 : i32
    %mul3A_269 = arith.constant 16 : i32
    %mul3A_270 = arith.muli %scan3A_268, %mul3A_269 : i32
    %get3A_271 = arith.index_cast %mul3A_270 : i32 to index
    %get3A_272 = tpu.vector_load %arg6[%get3A_271] {strides = array<i32>} : memref<4112xi32, #tpu.memory_space<vmem>>, vector<16xi32>,
    %gather3A_273 = tpu.vector_load_idx %arg5[%get3A_272] : memref<100000xf32, #tpu.memory_space<vmem>>[vector<16xi32>], vector<16xf32>,
    %mul3A_274 = arith.constant 16 : i32
    %mul3A_275 = arith.muli %scan3A_268, %mul3A_274 : i32
    %swap3A_276 = arith.index_cast %mul3A_275 : i32 to index
    %swap3A_277 = tpu.vector_load %arg7[%swap3A_276] {strides = array<i32>} : memref<4112xf32, #tpu.memory_space<vmem>>, vector<16xf32>,
    tpu.vector_store %arg7[%swap3A_276], %gather3A_273 {strides = array<i32>} : memref<4112xf32, #tpu.memory_space<vmem>>, vector<16xf32>,
    %scan3A_278 = arith.constant 257 : i32
    "tpu.region"() ({
      %run_scoped3A = tpu.sem_alloc : memref<!tpu.dma_semaphore, #tpu.memory_space<semaphore_mem>>
      %dma_start3A_453 = arith.constant 0 : i32
      %dma_start3A_454 = tpu.memref_slice %arg4[%add3A_222, %dma_start3A_453] : memref<256x4112xf32, #tpu.memory_space<hbm>> -> memref<1x4112xf32, #tpu.memory_space<hbm>>
      %dma_start3A_455 = tpu.memref_squeeze %dma_start3A_454 : memref<1x4112xf32, #tpu.memory_space<hbm>> -> memref<4112xf32, #tpu.memory_space<hbm>>
      %dma_start3A_456 = arith.constant 0 : i32
      %dma_start3A_457 = tpu.memref_slice %arg4[%add3A_222, %dma_start3A_456] : memref<256x4112xf32, #tpu.memory_space<hbm>> -> memref<1x4112xf32, #tpu.memory_space<hbm>>
      %dma_start3A_458 = tpu.memref_squeeze %dma_start3A_457 : memref<1x4112xf32, #tpu.memory_space<hbm>> -> memref<4112xf32, #tpu.memory_space<hbm>>
      tpu.enqueue_dma source(%arg7 : memref<4112xf32, #tpu.memory_space<vmem>>) target(%dma_start3A_458 : memref<4112xf32, #tpu.memory_space<hbm>>) target_semaphore(%run_scoped3A : memref<!tpu.dma_semaphore, #tpu.memory_space<semaphore_mem>>)
      %dma_wait3A_459 = arith.constant 0 : i32
      %dma_wait3A_460 = tpu.memref_slice %arg4[%add3A_222, %dma_wait3A_459] : memref<256x4112xf32, #tpu.memory_space<hbm>> -> memref<1x4112xf32, #tpu.memory_space<hbm>>
      %dma_wait3A_461 = tpu.memref_squeeze %dma_wait3A_460 : memref<1x4112xf32, #tpu.memory_space<hbm>> -> memref<4112xf32, #tpu.memory_space<hbm>>
      %dma_wait3A_462 = arith.constant 0 : i32
      %dma_wait3A_463 = tpu.memref_slice %arg4[%add3A_222, %dma_wait3A_462] : memref<256x4112xf32, #tpu.memory_space<hbm>> -> memref<1x4112xf32, #tpu.memory_space<hbm>>
      %dma_wait3A_464 = tpu.memref_squeeze %dma_wait3A_463 : memref<1x4112xf32, #tpu.memory_space<hbm>> -> memref<4112xf32, #tpu.memory_space<hbm>>
      tpu.wait_dma2 semaphore(%run_scoped3A : memref<!tpu.dma_semaphore, #tpu.memory_space<semaphore_mem>>) src(%arg7 : memref<4112xf32, #tpu.memory_space<vmem>>) dst(%dma_wait3A_464 : memref<4112xf32, #tpu.memory_space<hbm>>)
      tpu.yield
    }) : () -> ()
    %add3A_279 = arith.constant 5 : i32
    %add3A_280 = arith.addi %mul3A_2, %add3A_279 : i32
    %jit3A_281 = arith.constant 128 : i32
    %div3A_282 = arith.divsi %add3A_280, %jit3A_281 : i32
    %sign3A_283 = arith.constant 0 : i32
    %sign3A_284 = arith.cmpi sgt, %add3A_280, %sign3A_283 : i32
    %sign3A_285 = arith.extui %sign3A_284 : i1 to i32
    %sign3A_286 = arith.constant 0 : i32
    %sign3A_287 = arith.cmpi slt, %add3A_280, %sign3A_286 : i32
    %sign3A_288 = arith.extui %sign3A_287 : i1 to i32
    %sign3A_289 = arith.subi %sign3A_285, %sign3A_288 : i32
    %sign3A_290 = arith.constant 0 : i32
    %sign3A_291 = arith.cmpi sgt, %jit3A_281, %sign3A_290 : i32
    %sign3A_292 = arith.extui %sign3A_291 : i1 to i32
    %sign3A_293 = arith.constant 0 : i32
    %sign3A_294 = arith.cmpi slt, %jit3A_281, %sign3A_293 : i32
    %sign3A_295 = arith.extui %sign3A_294 : i1 to i32
    %sign3A_296 = arith.subi %sign3A_292, %sign3A_295 : i32
    %ne3A_297 = arith.cmpi ne, %sign3A_289, %sign3A_296 : i32
    %rem3A_298 = arith.remsi %add3A_280, %jit3A_281 : i32
    %ne3A_299 = arith.constant 0 : i32
    %ne3A_300 = arith.cmpi ne, %rem3A_298, %ne3A_299 : i32
    %and3A_301 = arith.andi %ne3A_297, %ne3A_300 : i1
    %sub3A_302 = arith.constant 1 : i32
    %sub3A_303 = arith.subi %div3A_282, %sub3A_302 : i32
    %select_n3A_304 = arith.select %and3A_301, %sub3A_303, %div3A_282 : i32
    %mul3A_305 = arith.constant 128 : i32
    %mul3A_306 = arith.muli %select_n3A_304, %mul3A_305 : i32
    %sub3A_307 = arith.subi %add3A_280, %mul3A_306 : i32
    %dma_start3A_308 = arith.constant 0 : i32
    %dma_start3A_309 = tpu.memref_slice %arg2[%add3A_280, %dma_start3A_308] : memref<256x100000xf32, #tpu.memory_space<hbm>> -> memref<1x100000xf32, #tpu.memory_space<hbm>>
    %dma_start3A_310 = tpu.memref_squeeze %dma_start3A_309 : memref<1x100000xf32, #tpu.memory_space<hbm>> -> memref<100000xf32, #tpu.memory_space<hbm>>
    %dma_start3A_311 = arith.constant 0 : i32
    %dma_start3A_312 = tpu.memref_slice %arg2[%add3A_280, %dma_start3A_311] : memref<256x100000xf32, #tpu.memory_space<hbm>> -> memref<1x100000xf32, #tpu.memory_space<hbm>>
    %dma_start3A_313 = tpu.memref_squeeze %dma_start3A_312 : memref<1x100000xf32, #tpu.memory_space<hbm>> -> memref<100000xf32, #tpu.memory_space<hbm>>
    tpu.enqueue_dma source(%dma_start3A_313 : memref<100000xf32, #tpu.memory_space<hbm>>) target(%arg5 : memref<100000xf32, #tpu.memory_space<vmem>>) target_semaphore(%arg8 : memref<!tpu.dma_semaphore, #tpu.memory_space<semaphore_mem>>)
    "tpu.region"() ({
      %run_scoped3A = tpu.sem_alloc : memref<!tpu.dma_semaphore, #tpu.memory_space<semaphore_mem>>
      %dma_start3A_453 = arith.constant 0 : i32
      %dma_start3A_454 = tpu.memref_slice %arg3[%sub3A_307, %dma_start3A_453] : memref<128x4112xi32, #tpu.memory_space<hbm>> -> memref<1x4112xi32, #tpu.memory_space<hbm>>
      %dma_start3A_455 = tpu.memref_squeeze %dma_start3A_454 : memref<1x4112xi32, #tpu.memory_space<hbm>> -> memref<4112xi32, #tpu.memory_space<hbm>>
      %dma_start3A_456 = arith.constant 0 : i32
      %dma_start3A_457 = tpu.memref_slice %arg3[%sub3A_307, %dma_start3A_456] : memref<128x4112xi32, #tpu.memory_space<hbm>> -> memref<1x4112xi32, #tpu.memory_space<hbm>>
      %dma_start3A_458 = tpu.memref_squeeze %dma_start3A_457 : memref<1x4112xi32, #tpu.memory_space<hbm>> -> memref<4112xi32, #tpu.memory_space<hbm>>
      tpu.enqueue_dma source(%dma_start3A_458 : memref<4112xi32, #tpu.memory_space<hbm>>) target(%arg6 : memref<4112xi32, #tpu.memory_space<vmem>>) target_semaphore(%run_scoped3A : memref<!tpu.dma_semaphore, #tpu.memory_space<semaphore_mem>>)
      %dma_wait3A_459 = arith.constant 0 : i32
      %dma_wait3A_460 = tpu.memref_slice %arg3[%sub3A_307, %dma_wait3A_459] : memref<128x4112xi32, #tpu.memory_space<hbm>> -> memref<1x4112xi32, #tpu.memory_space<hbm>>
      %dma_wait3A_461 = tpu.memref_squeeze %dma_wait3A_460 : memref<1x4112xi32, #tpu.memory_space<hbm>> -> memref<4112xi32, #tpu.memory_space<hbm>>
      %dma_wait3A_462 = arith.constant 0 : i32
      %dma_wait3A_463 = tpu.memref_slice %arg3[%sub3A_307, %dma_wait3A_462] : memref<128x4112xi32, #tpu.memory_space<hbm>> -> memref<1x4112xi32, #tpu.memory_space<hbm>>
      %dma_wait3A_464 = tpu.memref_squeeze %dma_wait3A_463 : memref<1x4112xi32, #tpu.memory_space<hbm>> -> memref<4112xi32, #tpu.memory_space<hbm>>
      tpu.wait_dma2 semaphore(%run_scoped3A : memref<!tpu.dma_semaphore, #tpu.memory_space<semaphore_mem>>) src(%dma_wait3A_464 : memref<4112xi32, #tpu.memory_space<hbm>>) dst(%arg6 : memref<4112xi32, #tpu.memory_space<vmem>>)
      tpu.yield
    }) : () -> ()
    %dma_wait3A_314 = arith.constant 0 : i32
    %dma_wait3A_315 = tpu.memref_slice %arg2[%add3A_280, %dma_wait3A_314] : memref<256x100000xf32, #tpu.memory_space<hbm>> -> memref<1x100000xf32, #tpu.memory_space<hbm>>
    %dma_wait3A_316 = tpu.memref_squeeze %dma_wait3A_315 : memref<1x100000xf32, #tpu.memory_space<hbm>> -> memref<100000xf32, #tpu.memory_space<hbm>>
    %dma_wait3A_317 = arith.constant 0 : i32
    %dma_wait3A_318 = tpu.memref_slice %arg2[%add3A_280, %dma_wait3A_317] : memref<256x100000xf32, #tpu.memory_space<hbm>> -> memref<1x100000xf32, #tpu.memory_space<hbm>>
    %dma_wait3A_319 = tpu.memref_squeeze %dma_wait3A_318 : memref<1x100000xf32, #tpu.memory_space<hbm>> -> memref<100000xf32, #tpu.memory_space<hbm>>
    tpu.wait_dma2 semaphore(%arg8 : memref<!tpu.dma_semaphore, #tpu.memory_space<semaphore_mem>>) src(%dma_wait3A_319 : memref<100000xf32, #tpu.memory_space<hbm>>) dst(%arg5 : memref<100000xf32, #tpu.memory_space<vmem>>)
    %scan3A_320 = arith.constant 0 : i32
    %scan3A_321 = arith.constant 0 : i32
    %scan3A_322 = arith.constant 256 : i32
    %scan3A_323 = arith.addi %scan3A_321, %scan3A_322 : i32
    %scan3A_324 = arith.constant 16 : i32
    scf.for %scan3A_453 = %scan3A_321 to %scan3A_323 step %scan3A_324  : i32 {
      %mul3A_454 = arith.constant 16 : i32
      %mul3A_455 = arith.muli %scan3A_453, %mul3A_454 : i32
      %get3A_456 = arith.index_cast %mul3A_455 : i32 to index
      %get3A_457 = tpu.vector_load %arg6[%get3A_456] {strides = array<i32>} : memref<4112xi32, #tpu.memory_space<vmem>>, vector<16xi32>,
      %gather3A_458 = tpu.vector_load_idx %arg5[%get3A_457] : memref<100000xf32, #tpu.memory_space<vmem>>[vector<16xi32>], vector<16xf32>,
      %mul3A_459 = arith.constant 16 : i32
      %mul3A_460 = arith.muli %scan3A_453, %mul3A_459 : i32
      %swap3A_461 = arith.index_cast %mul3A_460 : i32 to index
      %swap3A_462 = tpu.vector_load %arg7[%swap3A_461] {strides = array<i32>} : memref<4112xf32, #tpu.memory_space<vmem>>, vector<16xf32>,
      tpu.vector_store %arg7[%swap3A_461], %gather3A_458 {strides = array<i32>} : memref<4112xf32, #tpu.memory_space<vmem>>, vector<16xf32>,
      %scan3A_463 = arith.constant 1 : i32
      %scan3A_464 = arith.addi %scan3A_453, %scan3A_463 : i32
      %mul3A_465 = arith.constant 16 : i32
      %mul3A_466 = arith.muli %scan3A_464, %mul3A_465 : i32
      %get3A_467 = arith.index_cast %mul3A_466 : i32 to index
      %get3A_468 = tpu.vector_load %arg6[%get3A_467] {strides = array<i32>} : memref<4112xi32, #tpu.memory_space<vmem>>, vector<16xi32>,
      %gather3A_469 = tpu.vector_load_idx %arg5[%get3A_468] : memref<100000xf32, #tpu.memory_space<vmem>>[vector<16xi32>], vector<16xf32>,
      %mul3A_470 = arith.constant 16 : i32
      %mul3A_471 = arith.muli %scan3A_464, %mul3A_470 : i32
      %swap3A_472 = arith.index_cast %mul3A_471 : i32 to index
      %swap3A_473 = tpu.vector_load %arg7[%swap3A_472] {strides = array<i32>} : memref<4112xf32, #tpu.memory_space<vmem>>, vector<16xf32>,
      tpu.vector_store %arg7[%swap3A_472], %gather3A_469 {strides = array<i32>} : memref<4112xf32, #tpu.memory_space<vmem>>, vector<16xf32>,
      %scan3A_474 = arith.constant 2 : i32
      %scan3A_475 = arith.addi %scan3A_453, %scan3A_474 : i32
      %mul3A_476 = arith.constant 16 : i32
      %mul3A_477 = arith.muli %scan3A_475, %mul3A_476 : i32
      %get3A_478 = arith.index_cast %mul3A_477 : i32 to index
      %get3A_479 = tpu.vector_load %arg6[%get3A_478] {strides = array<i32>} : memref<4112xi32, #tpu.memory_space<vmem>>, vector<16xi32>,
      %gather3A_480 = tpu.vector_load_idx %arg5[%get3A_479] : memref<100000xf32, #tpu.memory_space<vmem>>[vector<16xi32>], vector<16xf32>,
      %mul3A_481 = arith.constant 16 : i32
      %mul3A_482 = arith.muli %scan3A_475, %mul3A_481 : i32
      %swap3A_483 = arith.index_cast %mul3A_482 : i32 to index
      %swap3A_484 = tpu.vector_load %arg7[%swap3A_483] {strides = array<i32>} : memref<4112xf32, #tpu.memory_space<vmem>>, vector<16xf32>,
      tpu.vector_store %arg7[%swap3A_483], %gather3A_480 {strides = array<i32>} : memref<4112xf32, #tpu.memory_space<vmem>>, vector<16xf32>,
      %scan3A_485 = arith.constant 3 : i32
      %scan3A_486 = arith.addi %scan3A_453, %scan3A_485 : i32
      %mul3A_487 = arith.constant 16 : i32
      %mul3A_488 = arith.muli %scan3A_486, %mul3A_487 : i32
      %get3A_489 = arith.index_cast %mul3A_488 : i32 to index
      %get3A_490 = tpu.vector_load %arg6[%get3A_489] {strides = array<i32>} : memref<4112xi32, #tpu.memory_space<vmem>>, vector<16xi32>,
      %gather3A_491 = tpu.vector_load_idx %arg5[%get3A_490] : memref<100000xf32, #tpu.memory_space<vmem>>[vector<16xi32>], vector<16xf32>,
      %mul3A_492 = arith.constant 16 : i32
      %mul3A_493 = arith.muli %scan3A_486, %mul3A_492 : i32
      %swap3A_494 = arith.index_cast %mul3A_493 : i32 to index
      %swap3A_495 = tpu.vector_load %arg7[%swap3A_494] {strides = array<i32>} : memref<4112xf32, #tpu.memory_space<vmem>>, vector<16xf32>,
      tpu.vector_store %arg7[%swap3A_494], %gather3A_491 {strides = array<i32>} : memref<4112xf32, #tpu.memory_space<vmem>>, vector<16xf32>,
      %scan3A_496 = arith.constant 4 : i32
      %scan3A_497 = arith.addi %scan3A_453, %scan3A_496 : i32
      %mul3A_498 = arith.constant 16 : i32
      %mul3A_499 = arith.muli %scan3A_497, %mul3A_498 : i32
      %get3A_500 = arith.index_cast %mul3A_499 : i32 to index
      %get3A_501 = tpu.vector_load %arg6[%get3A_500] {strides = array<i32>} : memref<4112xi32, #tpu.memory_space<vmem>>, vector<16xi32>,
      %gather3A_502 = tpu.vector_load_idx %arg5[%get3A_501] : memref<100000xf32, #tpu.memory_space<vmem>>[vector<16xi32>], vector<16xf32>,
      %mul3A_503 = arith.constant 16 : i32
      %mul3A_504 = arith.muli %scan3A_497, %mul3A_503 : i32
      %swap3A_505 = arith.index_cast %mul3A_504 : i32 to index
      %swap3A_506 = tpu.vector_load %arg7[%swap3A_505] {strides = array<i32>} : memref<4112xf32, #tpu.memory_space<vmem>>, vector<16xf32>,
      tpu.vector_store %arg7[%swap3A_505], %gather3A_502 {strides = array<i32>} : memref<4112xf32, #tpu.memory_space<vmem>>, vector<16xf32>,
      %scan3A_507 = arith.constant 5 : i32
      %scan3A_508 = arith.addi %scan3A_453, %scan3A_507 : i32
      %mul3A_509 = arith.constant 16 : i32
      %mul3A_510 = arith.muli %scan3A_508, %mul3A_509 : i32
      %get3A_511 = arith.index_cast %mul3A_510 : i32 to index
      %get3A_512 = tpu.vector_load %arg6[%get3A_511] {strides = array<i32>} : memref<4112xi32, #tpu.memory_space<vmem>>, vector<16xi32>,
      %gather3A_513 = tpu.vector_load_idx %arg5[%get3A_512] : memref<100000xf32, #tpu.memory_space<vmem>>[vector<16xi32>], vector<16xf32>,
      %mul3A_514 = arith.constant 16 : i32
      %mul3A_515 = arith.muli %scan3A_508, %mul3A_514 : i32
      %swap3A_516 = arith.index_cast %mul3A_515 : i32 to index
      %swap3A_517 = tpu.vector_load %arg7[%swap3A_516] {strides = array<i32>} : memref<4112xf32, #tpu.memory_space<vmem>>, vector<16xf32>,
      tpu.vector_store %arg7[%swap3A_516], %gather3A_513 {strides = array<i32>} : memref<4112xf32, #tpu.memory_space<vmem>>, vector<16xf32>,
      %scan3A_518 = arith.constant 6 : i32
      %scan3A_519 = arith.addi %scan3A_453, %scan3A_518 : i32
      %mul3A_520 = arith.constant 16 : i32
      %mul3A_521 = arith.muli %scan3A_519, %mul3A_520 : i32
      %get3A_522 = arith.index_cast %mul3A_521 : i32 to index
      %get3A_523 = tpu.vector_load %arg6[%get3A_522] {strides = array<i32>} : memref<4112xi32, #tpu.memory_space<vmem>>, vector<16xi32>,
      %gather3A_524 = tpu.vector_load_idx %arg5[%get3A_523] : memref<100000xf32, #tpu.memory_space<vmem>>[vector<16xi32>], vector<16xf32>,
      %mul3A_525 = arith.constant 16 : i32
      %mul3A_526 = arith.muli %scan3A_519, %mul3A_525 : i32
      %swap3A_527 = arith.index_cast %mul3A_526 : i32 to index
      %swap3A_528 = tpu.vector_load %arg7[%swap3A_527] {strides = array<i32>} : memref<4112xf32, #tpu.memory_space<vmem>>, vector<16xf32>,
      tpu.vector_store %arg7[%swap3A_527], %gather3A_524 {strides = array<i32>} : memref<4112xf32, #tpu.memory_space<vmem>>, vector<16xf32>,
      %scan3A_529 = arith.constant 7 : i32
      %scan3A_530 = arith.addi %scan3A_453, %scan3A_529 : i32
      %mul3A_531 = arith.constant 16 : i32
      %mul3A_532 = arith.muli %scan3A_530, %mul3A_531 : i32
      %get3A_533 = arith.index_cast %mul3A_532 : i32 to index
      %get3A_534 = tpu.vector_load %arg6[%get3A_533] {strides = array<i32>} : memref<4112xi32, #tpu.memory_space<vmem>>, vector<16xi32>,
      %gather3A_535 = tpu.vector_load_idx %arg5[%get3A_534] : memref<100000xf32, #tpu.memory_space<vmem>>[vector<16xi32>], vector<16xf32>,
      %mul3A_536 = arith.constant 16 : i32
      %mul3A_537 = arith.muli %scan3A_530, %mul3A_536 : i32
      %swap3A_538 = arith.index_cast %mul3A_537 : i32 to index
      %swap3A_539 = tpu.vector_load %arg7[%swap3A_538] {strides = array<i32>} : memref<4112xf32, #tpu.memory_space<vmem>>, vector<16xf32>,
      tpu.vector_store %arg7[%swap3A_538], %gather3A_535 {strides = array<i32>} : memref<4112xf32, #tpu.memory_space<vmem>>, vector<16xf32>,
      %scan3A_540 = arith.constant 8 : i32
      %scan3A_541 = arith.addi %scan3A_453, %scan3A_540 : i32
      %mul3A_542 = arith.constant 16 : i32
      %mul3A_543 = arith.muli %scan3A_541, %mul3A_542 : i32
      %get3A_544 = arith.index_cast %mul3A_543 : i32 to index
      %get3A_545 = tpu.vector_load %arg6[%get3A_544] {strides = array<i32>} : memref<4112xi32, #tpu.memory_space<vmem>>, vector<16xi32>,
      %gather3A_546 = tpu.vector_load_idx %arg5[%get3A_545] : memref<100000xf32, #tpu.memory_space<vmem>>[vector<16xi32>], vector<16xf32>,
      %mul3A_547 = arith.constant 16 : i32
      %mul3A_548 = arith.muli %scan3A_541, %mul3A_547 : i32
      %swap3A_549 = arith.index_cast %mul3A_548 : i32 to index
      %swap3A_550 = tpu.vector_load %arg7[%swap3A_549] {strides = array<i32>} : memref<4112xf32, #tpu.memory_space<vmem>>, vector<16xf32>,
      tpu.vector_store %arg7[%swap3A_549], %gather3A_546 {strides = array<i32>} : memref<4112xf32, #tpu.memory_space<vmem>>, vector<16xf32>,
      %scan3A_551 = arith.constant 9 : i32
      %scan3A_552 = arith.addi %scan3A_453, %scan3A_551 : i32
      %mul3A_553 = arith.constant 16 : i32
      %mul3A_554 = arith.muli %scan3A_552, %mul3A_553 : i32
      %get3A_555 = arith.index_cast %mul3A_554 : i32 to index
      %get3A_556 = tpu.vector_load %arg6[%get3A_555] {strides = array<i32>} : memref<4112xi32, #tpu.memory_space<vmem>>, vector<16xi32>,
      %gather3A_557 = tpu.vector_load_idx %arg5[%get3A_556] : memref<100000xf32, #tpu.memory_space<vmem>>[vector<16xi32>], vector<16xf32>,
      %mul3A_558 = arith.constant 16 : i32
      %mul3A_559 = arith.muli %scan3A_552, %mul3A_558 : i32
      %swap3A_560 = arith.index_cast %mul3A_559 : i32 to index
      %swap3A_561 = tpu.vector_load %arg7[%swap3A_560] {strides = array<i32>} : memref<4112xf32, #tpu.memory_space<vmem>>, vector<16xf32>,
      tpu.vector_store %arg7[%swap3A_560], %gather3A_557 {strides = array<i32>} : memref<4112xf32, #tpu.memory_space<vmem>>, vector<16xf32>,
      %scan3A_562 = arith.constant 10 : i32
      %scan3A_563 = arith.addi %scan3A_453, %scan3A_562 : i32
      %mul3A_564 = arith.constant 16 : i32
      %mul3A_565 = arith.muli %scan3A_563, %mul3A_564 : i32
      %get3A_566 = arith.index_cast %mul3A_565 : i32 to index
      %get3A_567 = tpu.vector_load %arg6[%get3A_566] {strides = array<i32>} : memref<4112xi32, #tpu.memory_space<vmem>>, vector<16xi32>,
      %gather3A_568 = tpu.vector_load_idx %arg5[%get3A_567] : memref<100000xf32, #tpu.memory_space<vmem>>[vector<16xi32>], vector<16xf32>,
      %mul3A_569 = arith.constant 16 : i32
      %mul3A_570 = arith.muli %scan3A_563, %mul3A_569 : i32
      %swap3A_571 = arith.index_cast %mul3A_570 : i32 to index
      %swap3A_572 = tpu.vector_load %arg7[%swap3A_571] {strides = array<i32>} : memref<4112xf32, #tpu.memory_space<vmem>>, vector<16xf32>,
      tpu.vector_store %arg7[%swap3A_571], %gather3A_568 {strides = array<i32>} : memref<4112xf32, #tpu.memory_space<vmem>>, vector<16xf32>,
      %scan3A_573 = arith.constant 11 : i32
      %scan3A_574 = arith.addi %scan3A_453, %scan3A_573 : i32
      %mul3A_575 = arith.constant 16 : i32
      %mul3A_576 = arith.muli %scan3A_574, %mul3A_575 : i32
      %get3A_577 = arith.index_cast %mul3A_576 : i32 to index
      %get3A_578 = tpu.vector_load %arg6[%get3A_577] {strides = array<i32>} : memref<4112xi32, #tpu.memory_space<vmem>>, vector<16xi32>,
      %gather3A_579 = tpu.vector_load_idx %arg5[%get3A_578] : memref<100000xf32, #tpu.memory_space<vmem>>[vector<16xi32>], vector<16xf32>,
      %mul3A_580 = arith.constant 16 : i32
      %mul3A_581 = arith.muli %scan3A_574, %mul3A_580 : i32
      %swap3A_582 = arith.index_cast %mul3A_581 : i32 to index
      %swap3A_583 = tpu.vector_load %arg7[%swap3A_582] {strides = array<i32>} : memref<4112xf32, #tpu.memory_space<vmem>>, vector<16xf32>,
      tpu.vector_store %arg7[%swap3A_582], %gather3A_579 {strides = array<i32>} : memref<4112xf32, #tpu.memory_space<vmem>>, vector<16xf32>,
      %scan3A_584 = arith.constant 12 : i32
      %scan3A_585 = arith.addi %scan3A_453, %scan3A_584 : i32
      %mul3A_586 = arith.constant 16 : i32
      %mul3A_587 = arith.muli %scan3A_585, %mul3A_586 : i32
      %get3A_588 = arith.index_cast %mul3A_587 : i32 to index
      %get3A_589 = tpu.vector_load %arg6[%get3A_588] {strides = array<i32>} : memref<4112xi32, #tpu.memory_space<vmem>>, vector<16xi32>,
      %gather3A_590 = tpu.vector_load_idx %arg5[%get3A_589] : memref<100000xf32, #tpu.memory_space<vmem>>[vector<16xi32>], vector<16xf32>,
      %mul3A_591 = arith.constant 16 : i32
      %mul3A_592 = arith.muli %scan3A_585, %mul3A_591 : i32
      %swap3A_593 = arith.index_cast %mul3A_592 : i32 to index
      %swap3A_594 = tpu.vector_load %arg7[%swap3A_593] {strides = array<i32>} : memref<4112xf32, #tpu.memory_space<vmem>>, vector<16xf32>,
      tpu.vector_store %arg7[%swap3A_593], %gather3A_590 {strides = array<i32>} : memref<4112xf32, #tpu.memory_space<vmem>>, vector<16xf32>,
      %scan3A_595 = arith.constant 13 : i32
      %scan3A_596 = arith.addi %scan3A_453, %scan3A_595 : i32
      %mul3A_597 = arith.constant 16 : i32
      %mul3A_598 = arith.muli %scan3A_596, %mul3A_597 : i32
      %get3A_599 = arith.index_cast %mul3A_598 : i32 to index
      %get3A_600 = tpu.vector_load %arg6[%get3A_599] {strides = array<i32>} : memref<4112xi32, #tpu.memory_space<vmem>>, vector<16xi32>,
      %gather3A_601 = tpu.vector_load_idx %arg5[%get3A_600] : memref<100000xf32, #tpu.memory_space<vmem>>[vector<16xi32>], vector<16xf32>,
      %mul3A_602 = arith.constant 16 : i32
      %mul3A_603 = arith.muli %scan3A_596, %mul3A_602 : i32
      %swap3A_604 = arith.index_cast %mul3A_603 : i32 to index
      %swap3A_605 = tpu.vector_load %arg7[%swap3A_604] {strides = array<i32>} : memref<4112xf32, #tpu.memory_space<vmem>>, vector<16xf32>,
      tpu.vector_store %arg7[%swap3A_604], %gather3A_601 {strides = array<i32>} : memref<4112xf32, #tpu.memory_space<vmem>>, vector<16xf32>,
      %scan3A_606 = arith.constant 14 : i32
      %scan3A_607 = arith.addi %scan3A_453, %scan3A_606 : i32
      %mul3A_608 = arith.constant 16 : i32
      %mul3A_609 = arith.muli %scan3A_607, %mul3A_608 : i32
      %get3A_610 = arith.index_cast %mul3A_609 : i32 to index
      %get3A_611 = tpu.vector_load %arg6[%get3A_610] {strides = array<i32>} : memref<4112xi32, #tpu.memory_space<vmem>>, vector<16xi32>,
      %gather3A_612 = tpu.vector_load_idx %arg5[%get3A_611] : memref<100000xf32, #tpu.memory_space<vmem>>[vector<16xi32>], vector<16xf32>,
      %mul3A_613 = arith.constant 16 : i32
      %mul3A_614 = arith.muli %scan3A_607, %mul3A_613 : i32
      %swap3A_615 = arith.index_cast %mul3A_614 : i32 to index
      %swap3A_616 = tpu.vector_load %arg7[%swap3A_615] {strides = array<i32>} : memref<4112xf32, #tpu.memory_space<vmem>>, vector<16xf32>,
      tpu.vector_store %arg7[%swap3A_615], %gather3A_612 {strides = array<i32>} : memref<4112xf32, #tpu.memory_space<vmem>>, vector<16xf32>,
      %scan3A_617 = arith.constant 15 : i32
      %scan3A_618 = arith.addi %scan3A_453, %scan3A_617 : i32
      %mul3A_619 = arith.constant 16 : i32
      %mul3A_620 = arith.muli %scan3A_618, %mul3A_619 : i32
      %get3A_621 = arith.index_cast %mul3A_620 : i32 to index
      %get3A_622 = tpu.vector_load %arg6[%get3A_621] {strides = array<i32>} : memref<4112xi32, #tpu.memory_space<vmem>>, vector<16xi32>,
      %gather3A_623 = tpu.vector_load_idx %arg5[%get3A_622] : memref<100000xf32, #tpu.memory_space<vmem>>[vector<16xi32>], vector<16xf32>,
      %mul3A_624 = arith.constant 16 : i32
      %mul3A_625 = arith.muli %scan3A_618, %mul3A_624 : i32
      %swap3A_626 = arith.index_cast %mul3A_625 : i32 to index
      %swap3A_627 = tpu.vector_load %arg7[%swap3A_626] {strides = array<i32>} : memref<4112xf32, #tpu.memory_space<vmem>>, vector<16xf32>,
      tpu.vector_store %arg7[%swap3A_626], %gather3A_623 {strides = array<i32>} : memref<4112xf32, #tpu.memory_space<vmem>>, vector<16xf32>,
    }
    %scan3A_325 = arith.constant 256 : i32
    %scan3A_326 = arith.addi %scan3A_321, %scan3A_325 : i32
    %mul3A_327 = arith.constant 16 : i32
    %mul3A_328 = arith.muli %scan3A_326, %mul3A_327 : i32
    %get3A_329 = arith.index_cast %mul3A_328 : i32 to index
    %get3A_330 = tpu.vector_load %arg6[%get3A_329] {strides = array<i32>} : memref<4112xi32, #tpu.memory_space<vmem>>, vector<16xi32>,
    %gather3A_331 = tpu.vector_load_idx %arg5[%get3A_330] : memref<100000xf32, #tpu.memory_space<vmem>>[vector<16xi32>], vector<16xf32>,
    %mul3A_332 = arith.constant 16 : i32
    %mul3A_333 = arith.muli %scan3A_326, %mul3A_332 : i32
    %swap3A_334 = arith.index_cast %mul3A_333 : i32 to index
    %swap3A_335 = tpu.vector_load %arg7[%swap3A_334] {strides = array<i32>} : memref<4112xf32, #tpu.memory_space<vmem>>, vector<16xf32>,
    tpu.vector_store %arg7[%swap3A_334], %gather3A_331 {strides = array<i32>} : memref<4112xf32, #tpu.memory_space<vmem>>, vector<16xf32>,
    %scan3A_336 = arith.constant 257 : i32
    "tpu.region"() ({
      %run_scoped3A = tpu.sem_alloc : memref<!tpu.dma_semaphore, #tpu.memory_space<semaphore_mem>>
      %dma_start3A_453 = arith.constant 0 : i32
      %dma_start3A_454 = tpu.memref_slice %arg4[%add3A_280, %dma_start3A_453] : memref<256x4112xf32, #tpu.memory_space<hbm>> -> memref<1x4112xf32, #tpu.memory_space<hbm>>
      %dma_start3A_455 = tpu.memref_squeeze %dma_start3A_454 : memref<1x4112xf32, #tpu.memory_space<hbm>> -> memref<4112xf32, #tpu.memory_space<hbm>>
      %dma_start3A_456 = arith.constant 0 : i32
      %dma_start3A_457 = tpu.memref_slice %arg4[%add3A_280, %dma_start3A_456] : memref<256x4112xf32, #tpu.memory_space<hbm>> -> memref<1x4112xf32, #tpu.memory_space<hbm>>
      %dma_start3A_458 = tpu.memref_squeeze %dma_start3A_457 : memref<1x4112xf32, #tpu.memory_space<hbm>> -> memref<4112xf32, #tpu.memory_space<hbm>>
      tpu.enqueue_dma source(%arg7 : memref<4112xf32, #tpu.memory_space<vmem>>) target(%dma_start3A_458 : memref<4112xf32, #tpu.memory_space<hbm>>) target_semaphore(%run_scoped3A : memref<!tpu.dma_semaphore, #tpu.memory_space<semaphore_mem>>)
      %dma_wait3A_459 = arith.constant 0 : i32
      %dma_wait3A_460 = tpu.memref_slice %arg4[%add3A_280, %dma_wait3A_459] : memref<256x4112xf32, #tpu.memory_space<hbm>> -> memref<1x4112xf32, #tpu.memory_space<hbm>>
      %dma_wait3A_461 = tpu.memref_squeeze %dma_wait3A_460 : memref<1x4112xf32, #tpu.memory_space<hbm>> -> memref<4112xf32, #tpu.memory_space<hbm>>
      %dma_wait3A_462 = arith.constant 0 : i32
      %dma_wait3A_463 = tpu.memref_slice %arg4[%add3A_280, %dma_wait3A_462] : memref<256x4112xf32, #tpu.memory_space<hbm>> -> memref<1x4112xf32, #tpu.memory_space<hbm>>
      %dma_wait3A_464 = tpu.memref_squeeze %dma_wait3A_463 : memref<1x4112xf32, #tpu.memory_space<hbm>> -> memref<4112xf32, #tpu.memory_space<hbm>>
      tpu.wait_dma2 semaphore(%run_scoped3A : memref<!tpu.dma_semaphore, #tpu.memory_space<semaphore_mem>>) src(%arg7 : memref<4112xf32, #tpu.memory_space<vmem>>) dst(%dma_wait3A_464 : memref<4112xf32, #tpu.memory_space<hbm>>)
      tpu.yield
    }) : () -> ()
    %add3A_337 = arith.constant 6 : i32
    %add3A_338 = arith.addi %mul3A_2, %add3A_337 : i32
    %jit3A_339 = arith.constant 128 : i32
    %div3A_340 = arith.divsi %add3A_338, %jit3A_339 : i32
    %sign3A_341 = arith.constant 0 : i32
    %sign3A_342 = arith.cmpi sgt, %add3A_338, %sign3A_341 : i32
    %sign3A_343 = arith.extui %sign3A_342 : i1 to i32
    %sign3A_344 = arith.constant 0 : i32
    %sign3A_345 = arith.cmpi slt, %add3A_338, %sign3A_344 : i32
    %sign3A_346 = arith.extui %sign3A_345 : i1 to i32
    %sign3A_347 = arith.subi %sign3A_343, %sign3A_346 : i32
    %sign3A_348 = arith.constant 0 : i32
    %sign3A_349 = arith.cmpi sgt, %jit3A_339, %sign3A_348 : i32
    %sign3A_350 = arith.extui %sign3A_349 : i1 to i32
    %sign3A_351 = arith.constant 0 : i32
    %sign3A_352 = arith.cmpi slt, %jit3A_339, %sign3A_351 : i32
    %sign3A_353 = arith.extui %sign3A_352 : i1 to i32
    %sign3A_354 = arith.subi %sign3A_350, %sign3A_353 : i32
    %ne3A_355 = arith.cmpi ne, %sign3A_347, %sign3A_354 : i32
    %rem3A_356 = arith.remsi %add3A_338, %jit3A_339 : i32
    %ne3A_357 = arith.constant 0 : i32
    %ne3A_358 = arith.cmpi ne, %rem3A_356, %ne3A_357 : i32
    %and3A_359 = arith.andi %ne3A_355, %ne3A_358 : i1
    %sub3A_360 = arith.constant 1 : i32
    %sub3A_361 = arith.subi %div3A_340, %sub3A_360 : i32
    %select_n3A_362 = arith.select %and3A_359, %sub3A_361, %div3A_340 : i32
    %mul3A_363 = arith.constant 128 : i32
    %mul3A_364 = arith.muli %select_n3A_362, %mul3A_363 : i32
    %sub3A_365 = arith.subi %add3A_338, %mul3A_364 : i32
    %dma_start3A_366 = arith.constant 0 : i32
    %dma_start3A_367 = tpu.memref_slice %arg2[%add3A_338, %dma_start3A_366] : memref<256x100000xf32, #tpu.memory_space<hbm>> -> memref<1x100000xf32, #tpu.memory_space<hbm>>
    %dma_start3A_368 = tpu.memref_squeeze %dma_start3A_367 : memref<1x100000xf32, #tpu.memory_space<hbm>> -> memref<100000xf32, #tpu.memory_space<hbm>>
    %dma_start3A_369 = arith.constant 0 : i32
    %dma_start3A_370 = tpu.memref_slice %arg2[%add3A_338, %dma_start3A_369] : memref<256x100000xf32, #tpu.memory_space<hbm>> -> memref<1x100000xf32, #tpu.memory_space<hbm>>
    %dma_start3A_371 = tpu.memref_squeeze %dma_start3A_370 : memref<1x100000xf32, #tpu.memory_space<hbm>> -> memref<100000xf32, #tpu.memory_space<hbm>>
    tpu.enqueue_dma source(%dma_start3A_371 : memref<100000xf32, #tpu.memory_space<hbm>>) target(%arg5 : memref<100000xf32, #tpu.memory_space<vmem>>) target_semaphore(%arg8 : memref<!tpu.dma_semaphore, #tpu.memory_space<semaphore_mem>>)
    "tpu.region"() ({
      %run_scoped3A = tpu.sem_alloc : memref<!tpu.dma_semaphore, #tpu.memory_space<semaphore_mem>>
      %dma_start3A_453 = arith.constant 0 : i32
      %dma_start3A_454 = tpu.memref_slice %arg3[%sub3A_365, %dma_start3A_453] : memref<128x4112xi32, #tpu.memory_space<hbm>> -> memref<1x4112xi32, #tpu.memory_space<hbm>>
      %dma_start3A_455 = tpu.memref_squeeze %dma_start3A_454 : memref<1x4112xi32, #tpu.memory_space<hbm>> -> memref<4112xi32, #tpu.memory_space<hbm>>
      %dma_start3A_456 = arith.constant 0 : i32
      %dma_start3A_457 = tpu.memref_slice %arg3[%sub3A_365, %dma_start3A_456] : memref<128x4112xi32, #tpu.memory_space<hbm>> -> memref<1x4112xi32, #tpu.memory_space<hbm>>
      %dma_start3A_458 = tpu.memref_squeeze %dma_start3A_457 : memref<1x4112xi32, #tpu.memory_space<hbm>> -> memref<4112xi32, #tpu.memory_space<hbm>>
      tpu.enqueue_dma source(%dma_start3A_458 : memref<4112xi32, #tpu.memory_space<hbm>>) target(%arg6 : memref<4112xi32, #tpu.memory_space<vmem>>) target_semaphore(%run_scoped3A : memref<!tpu.dma_semaphore, #tpu.memory_space<semaphore_mem>>)
      %dma_wait3A_459 = arith.constant 0 : i32
      %dma_wait3A_460 = tpu.memref_slice %arg3[%sub3A_365, %dma_wait3A_459] : memref<128x4112xi32, #tpu.memory_space<hbm>> -> memref<1x4112xi32, #tpu.memory_space<hbm>>
      %dma_wait3A_461 = tpu.memref_squeeze %dma_wait3A_460 : memref<1x4112xi32, #tpu.memory_space<hbm>> -> memref<4112xi32, #tpu.memory_space<hbm>>
      %dma_wait3A_462 = arith.constant 0 : i32
      %dma_wait3A_463 = tpu.memref_slice %arg3[%sub3A_365, %dma_wait3A_462] : memref<128x4112xi32, #tpu.memory_space<hbm>> -> memref<1x4112xi32, #tpu.memory_space<hbm>>
      %dma_wait3A_464 = tpu.memref_squeeze %dma_wait3A_463 : memref<1x4112xi32, #tpu.memory_space<hbm>> -> memref<4112xi32, #tpu.memory_space<hbm>>
      tpu.wait_dma2 semaphore(%run_scoped3A : memref<!tpu.dma_semaphore, #tpu.memory_space<semaphore_mem>>) src(%dma_wait3A_464 : memref<4112xi32, #tpu.memory_space<hbm>>) dst(%arg6 : memref<4112xi32, #tpu.memory_space<vmem>>)
      tpu.yield
    }) : () -> ()
    %dma_wait3A_372 = arith.constant 0 : i32
    %dma_wait3A_373 = tpu.memref_slice %arg2[%add3A_338, %dma_wait3A_372] : memref<256x100000xf32, #tpu.memory_space<hbm>> -> memref<1x100000xf32, #tpu.memory_space<hbm>>
    %dma_wait3A_374 = tpu.memref_squeeze %dma_wait3A_373 : memref<1x100000xf32, #tpu.memory_space<hbm>> -> memref<100000xf32, #tpu.memory_space<hbm>>
    %dma_wait3A_375 = arith.constant 0 : i32
    %dma_wait3A_376 = tpu.memref_slice %arg2[%add3A_338, %dma_wait3A_375] : memref<256x100000xf32, #tpu.memory_space<hbm>> -> memref<1x100000xf32, #tpu.memory_space<hbm>>
    %dma_wait3A_377 = tpu.memref_squeeze %dma_wait3A_376 : memref<1x100000xf32, #tpu.memory_space<hbm>> -> memref<100000xf32, #tpu.memory_space<hbm>>
    tpu.wait_dma2 semaphore(%arg8 : memref<!tpu.dma_semaphore, #tpu.memory_space<semaphore_mem>>) src(%dma_wait3A_377 : memref<100000xf32, #tpu.memory_space<hbm>>) dst(%arg5 : memref<100000xf32, #tpu.memory_space<vmem>>)
    %scan3A_378 = arith.constant 0 : i32
    %scan3A_379 = arith.constant 0 : i32
    %scan3A_380 = arith.constant 256 : i32
    %scan3A_381 = arith.addi %scan3A_379, %scan3A_380 : i32
    %scan3A_382 = arith.constant 16 : i32
    scf.for %scan3A_453 = %scan3A_379 to %scan3A_381 step %scan3A_382  : i32 {
      %mul3A_454 = arith.constant 16 : i32
      %mul3A_455 = arith.muli %scan3A_453, %mul3A_454 : i32
      %get3A_456 = arith.index_cast %mul3A_455 : i32 to index
      %get3A_457 = tpu.vector_load %arg6[%get3A_456] {strides = array<i32>} : memref<4112xi32, #tpu.memory_space<vmem>>, vector<16xi32>,
      %gather3A_458 = tpu.vector_load_idx %arg5[%get3A_457] : memref<100000xf32, #tpu.memory_space<vmem>>[vector<16xi32>], vector<16xf32>,
      %mul3A_459 = arith.constant 16 : i32
      %mul3A_460 = arith.muli %scan3A_453, %mul3A_459 : i32
      %swap3A_461 = arith.index_cast %mul3A_460 : i32 to index
      %swap3A_462 = tpu.vector_load %arg7[%swap3A_461] {strides = array<i32>} : memref<4112xf32, #tpu.memory_space<vmem>>, vector<16xf32>,
      tpu.vector_store %arg7[%swap3A_461], %gather3A_458 {strides = array<i32>} : memref<4112xf32, #tpu.memory_space<vmem>>, vector<16xf32>,
      %scan3A_463 = arith.constant 1 : i32
      %scan3A_464 = arith.addi %scan3A_453, %scan3A_463 : i32
      %mul3A_465 = arith.constant 16 : i32
      %mul3A_466 = arith.muli %scan3A_464, %mul3A_465 : i32
      %get3A_467 = arith.index_cast %mul3A_466 : i32 to index
      %get3A_468 = tpu.vector_load %arg6[%get3A_467] {strides = array<i32>} : memref<4112xi32, #tpu.memory_space<vmem>>, vector<16xi32>,
      %gather3A_469 = tpu.vector_load_idx %arg5[%get3A_468] : memref<100000xf32, #tpu.memory_space<vmem>>[vector<16xi32>], vector<16xf32>,
      %mul3A_470 = arith.constant 16 : i32
      %mul3A_471 = arith.muli %scan3A_464, %mul3A_470 : i32
      %swap3A_472 = arith.index_cast %mul3A_471 : i32 to index
      %swap3A_473 = tpu.vector_load %arg7[%swap3A_472] {strides = array<i32>} : memref<4112xf32, #tpu.memory_space<vmem>>, vector<16xf32>,
      tpu.vector_store %arg7[%swap3A_472], %gather3A_469 {strides = array<i32>} : memref<4112xf32, #tpu.memory_space<vmem>>, vector<16xf32>,
      %scan3A_474 = arith.constant 2 : i32
      %scan3A_475 = arith.addi %scan3A_453, %scan3A_474 : i32
      %mul3A_476 = arith.constant 16 : i32
      %mul3A_477 = arith.muli %scan3A_475, %mul3A_476 : i32
      %get3A_478 = arith.index_cast %mul3A_477 : i32 to index
      %get3A_479 = tpu.vector_load %arg6[%get3A_478] {strides = array<i32>} : memref<4112xi32, #tpu.memory_space<vmem>>, vector<16xi32>,
      %gather3A_480 = tpu.vector_load_idx %arg5[%get3A_479] : memref<100000xf32, #tpu.memory_space<vmem>>[vector<16xi32>], vector<16xf32>,
      %mul3A_481 = arith.constant 16 : i32
      %mul3A_482 = arith.muli %scan3A_475, %mul3A_481 : i32
      %swap3A_483 = arith.index_cast %mul3A_482 : i32 to index
      %swap3A_484 = tpu.vector_load %arg7[%swap3A_483] {strides = array<i32>} : memref<4112xf32, #tpu.memory_space<vmem>>, vector<16xf32>,
      tpu.vector_store %arg7[%swap3A_483], %gather3A_480 {strides = array<i32>} : memref<4112xf32, #tpu.memory_space<vmem>>, vector<16xf32>,
      %scan3A_485 = arith.constant 3 : i32
      %scan3A_486 = arith.addi %scan3A_453, %scan3A_485 : i32
      %mul3A_487 = arith.constant 16 : i32
      %mul3A_488 = arith.muli %scan3A_486, %mul3A_487 : i32
      %get3A_489 = arith.index_cast %mul3A_488 : i32 to index
      %get3A_490 = tpu.vector_load %arg6[%get3A_489] {strides = array<i32>} : memref<4112xi32, #tpu.memory_space<vmem>>, vector<16xi32>,
      %gather3A_491 = tpu.vector_load_idx %arg5[%get3A_490] : memref<100000xf32, #tpu.memory_space<vmem>>[vector<16xi32>], vector<16xf32>,
      %mul3A_492 = arith.constant 16 : i32
      %mul3A_493 = arith.muli %scan3A_486, %mul3A_492 : i32
      %swap3A_494 = arith.index_cast %mul3A_493 : i32 to index
      %swap3A_495 = tpu.vector_load %arg7[%swap3A_494] {strides = array<i32>} : memref<4112xf32, #tpu.memory_space<vmem>>, vector<16xf32>,
      tpu.vector_store %arg7[%swap3A_494], %gather3A_491 {strides = array<i32>} : memref<4112xf32, #tpu.memory_space<vmem>>, vector<16xf32>,
      %scan3A_496 = arith.constant 4 : i32
      %scan3A_497 = arith.addi %scan3A_453, %scan3A_496 : i32
      %mul3A_498 = arith.constant 16 : i32
      %mul3A_499 = arith.muli %scan3A_497, %mul3A_498 : i32
      %get3A_500 = arith.index_cast %mul3A_499 : i32 to index
      %get3A_501 = tpu.vector_load %arg6[%get3A_500] {strides = array<i32>} : memref<4112xi32, #tpu.memory_space<vmem>>, vector<16xi32>,
      %gather3A_502 = tpu.vector_load_idx %arg5[%get3A_501] : memref<100000xf32, #tpu.memory_space<vmem>>[vector<16xi32>], vector<16xf32>,
      %mul3A_503 = arith.constant 16 : i32
      %mul3A_504 = arith.muli %scan3A_497, %mul3A_503 : i32
      %swap3A_505 = arith.index_cast %mul3A_504 : i32 to index
      %swap3A_506 = tpu.vector_load %arg7[%swap3A_505] {strides = array<i32>} : memref<4112xf32, #tpu.memory_space<vmem>>, vector<16xf32>,
      tpu.vector_store %arg7[%swap3A_505], %gather3A_502 {strides = array<i32>} : memref<4112xf32, #tpu.memory_space<vmem>>, vector<16xf32>,
      %scan3A_507 = arith.constant 5 : i32
      %scan3A_508 = arith.addi %scan3A_453, %scan3A_507 : i32
      %mul3A_509 = arith.constant 16 : i32
      %mul3A_510 = arith.muli %scan3A_508, %mul3A_509 : i32
      %get3A_511 = arith.index_cast %mul3A_510 : i32 to index
      %get3A_512 = tpu.vector_load %arg6[%get3A_511] {strides = array<i32>} : memref<4112xi32, #tpu.memory_space<vmem>>, vector<16xi32>,
      %gather3A_513 = tpu.vector_load_idx %arg5[%get3A_512] : memref<100000xf32, #tpu.memory_space<vmem>>[vector<16xi32>], vector<16xf32>,
      %mul3A_514 = arith.constant 16 : i32
      %mul3A_515 = arith.muli %scan3A_508, %mul3A_514 : i32
      %swap3A_516 = arith.index_cast %mul3A_515 : i32 to index
      %swap3A_517 = tpu.vector_load %arg7[%swap3A_516] {strides = array<i32>} : memref<4112xf32, #tpu.memory_space<vmem>>, vector<16xf32>,
      tpu.vector_store %arg7[%swap3A_516], %gather3A_513 {strides = array<i32>} : memref<4112xf32, #tpu.memory_space<vmem>>, vector<16xf32>,
      %scan3A_518 = arith.constant 6 : i32
      %scan3A_519 = arith.addi %scan3A_453, %scan3A_518 : i32
      %mul3A_520 = arith.constant 16 : i32
      %mul3A_521 = arith.muli %scan3A_519, %mul3A_520 : i32
      %get3A_522 = arith.index_cast %mul3A_521 : i32 to index
      %get3A_523 = tpu.vector_load %arg6[%get3A_522] {strides = array<i32>} : memref<4112xi32, #tpu.memory_space<vmem>>, vector<16xi32>,
      %gather3A_524 = tpu.vector_load_idx %arg5[%get3A_523] : memref<100000xf32, #tpu.memory_space<vmem>>[vector<16xi32>], vector<16xf32>,
      %mul3A_525 = arith.constant 16 : i32
      %mul3A_526 = arith.muli %scan3A_519, %mul3A_525 : i32
      %swap3A_527 = arith.index_cast %mul3A_526 : i32 to index
      %swap3A_528 = tpu.vector_load %arg7[%swap3A_527] {strides = array<i32>} : memref<4112xf32, #tpu.memory_space<vmem>>, vector<16xf32>,
      tpu.vector_store %arg7[%swap3A_527], %gather3A_524 {strides = array<i32>} : memref<4112xf32, #tpu.memory_space<vmem>>, vector<16xf32>,
      %scan3A_529 = arith.constant 7 : i32
      %scan3A_530 = arith.addi %scan3A_453, %scan3A_529 : i32
      %mul3A_531 = arith.constant 16 : i32
      %mul3A_532 = arith.muli %scan3A_530, %mul3A_531 : i32
      %get3A_533 = arith.index_cast %mul3A_532 : i32 to index
      %get3A_534 = tpu.vector_load %arg6[%get3A_533] {strides = array<i32>} : memref<4112xi32, #tpu.memory_space<vmem>>, vector<16xi32>,
      %gather3A_535 = tpu.vector_load_idx %arg5[%get3A_534] : memref<100000xf32, #tpu.memory_space<vmem>>[vector<16xi32>], vector<16xf32>,
      %mul3A_536 = arith.constant 16 : i32
      %mul3A_537 = arith.muli %scan3A_530, %mul3A_536 : i32
      %swap3A_538 = arith.index_cast %mul3A_537 : i32 to index
      %swap3A_539 = tpu.vector_load %arg7[%swap3A_538] {strides = array<i32>} : memref<4112xf32, #tpu.memory_space<vmem>>, vector<16xf32>,
      tpu.vector_store %arg7[%swap3A_538], %gather3A_535 {strides = array<i32>} : memref<4112xf32, #tpu.memory_space<vmem>>, vector<16xf32>,
      %scan3A_540 = arith.constant 8 : i32
      %scan3A_541 = arith.addi %scan3A_453, %scan3A_540 : i32
      %mul3A_542 = arith.constant 16 : i32
      %mul3A_543 = arith.muli %scan3A_541, %mul3A_542 : i32
      %get3A_544 = arith.index_cast %mul3A_543 : i32 to index
      %get3A_545 = tpu.vector_load %arg6[%get3A_544] {strides = array<i32>} : memref<4112xi32, #tpu.memory_space<vmem>>, vector<16xi32>,
      %gather3A_546 = tpu.vector_load_idx %arg5[%get3A_545] : memref<100000xf32, #tpu.memory_space<vmem>>[vector<16xi32>], vector<16xf32>,
      %mul3A_547 = arith.constant 16 : i32
      %mul3A_548 = arith.muli %scan3A_541, %mul3A_547 : i32
      %swap3A_549 = arith.index_cast %mul3A_548 : i32 to index
      %swap3A_550 = tpu.vector_load %arg7[%swap3A_549] {strides = array<i32>} : memref<4112xf32, #tpu.memory_space<vmem>>, vector<16xf32>,
      tpu.vector_store %arg7[%swap3A_549], %gather3A_546 {strides = array<i32>} : memref<4112xf32, #tpu.memory_space<vmem>>, vector<16xf32>,
      %scan3A_551 = arith.constant 9 : i32
      %scan3A_552 = arith.addi %scan3A_453, %scan3A_551 : i32
      %mul3A_553 = arith.constant 16 : i32
      %mul3A_554 = arith.muli %scan3A_552, %mul3A_553 : i32
      %get3A_555 = arith.index_cast %mul3A_554 : i32 to index
      %get3A_556 = tpu.vector_load %arg6[%get3A_555] {strides = array<i32>} : memref<4112xi32, #tpu.memory_space<vmem>>, vector<16xi32>,
      %gather3A_557 = tpu.vector_load_idx %arg5[%get3A_556] : memref<100000xf32, #tpu.memory_space<vmem>>[vector<16xi32>], vector<16xf32>,
      %mul3A_558 = arith.constant 16 : i32
      %mul3A_559 = arith.muli %scan3A_552, %mul3A_558 : i32
      %swap3A_560 = arith.index_cast %mul3A_559 : i32 to index
      %swap3A_561 = tpu.vector_load %arg7[%swap3A_560] {strides = array<i32>} : memref<4112xf32, #tpu.memory_space<vmem>>, vector<16xf32>,
      tpu.vector_store %arg7[%swap3A_560], %gather3A_557 {strides = array<i32>} : memref<4112xf32, #tpu.memory_space<vmem>>, vector<16xf32>,
      %scan3A_562 = arith.constant 10 : i32
      %scan3A_563 = arith.addi %scan3A_453, %scan3A_562 : i32
      %mul3A_564 = arith.constant 16 : i32
      %mul3A_565 = arith.muli %scan3A_563, %mul3A_564 : i32
      %get3A_566 = arith.index_cast %mul3A_565 : i32 to index
      %get3A_567 = tpu.vector_load %arg6[%get3A_566] {strides = array<i32>} : memref<4112xi32, #tpu.memory_space<vmem>>, vector<16xi32>,
      %gather3A_568 = tpu.vector_load_idx %arg5[%get3A_567] : memref<100000xf32, #tpu.memory_space<vmem>>[vector<16xi32>], vector<16xf32>,
      %mul3A_569 = arith.constant 16 : i32
      %mul3A_570 = arith.muli %scan3A_563, %mul3A_569 : i32
      %swap3A_571 = arith.index_cast %mul3A_570 : i32 to index
      %swap3A_572 = tpu.vector_load %arg7[%swap3A_571] {strides = array<i32>} : memref<4112xf32, #tpu.memory_space<vmem>>, vector<16xf32>,
      tpu.vector_store %arg7[%swap3A_571], %gather3A_568 {strides = array<i32>} : memref<4112xf32, #tpu.memory_space<vmem>>, vector<16xf32>,
      %scan3A_573 = arith.constant 11 : i32
      %scan3A_574 = arith.addi %scan3A_453, %scan3A_573 : i32
      %mul3A_575 = arith.constant 16 : i32
      %mul3A_576 = arith.muli %scan3A_574, %mul3A_575 : i32
      %get3A_577 = arith.index_cast %mul3A_576 : i32 to index
      %get3A_578 = tpu.vector_load %arg6[%get3A_577] {strides = array<i32>} : memref<4112xi32, #tpu.memory_space<vmem>>, vector<16xi32>,
      %gather3A_579 = tpu.vector_load_idx %arg5[%get3A_578] : memref<100000xf32, #tpu.memory_space<vmem>>[vector<16xi32>], vector<16xf32>,
      %mul3A_580 = arith.constant 16 : i32
      %mul3A_581 = arith.muli %scan3A_574, %mul3A_580 : i32
      %swap3A_582 = arith.index_cast %mul3A_581 : i32 to index
      %swap3A_583 = tpu.vector_load %arg7[%swap3A_582] {strides = array<i32>} : memref<4112xf32, #tpu.memory_space<vmem>>, vector<16xf32>,
      tpu.vector_store %arg7[%swap3A_582], %gather3A_579 {strides = array<i32>} : memref<4112xf32, #tpu.memory_space<vmem>>, vector<16xf32>,
      %scan3A_584 = arith.constant 12 : i32
      %scan3A_585 = arith.addi %scan3A_453, %scan3A_584 : i32
      %mul3A_586 = arith.constant 16 : i32
      %mul3A_587 = arith.muli %scan3A_585, %mul3A_586 : i32
      %get3A_588 = arith.index_cast %mul3A_587 : i32 to index
      %get3A_589 = tpu.vector_load %arg6[%get3A_588] {strides = array<i32>} : memref<4112xi32, #tpu.memory_space<vmem>>, vector<16xi32>,
      %gather3A_590 = tpu.vector_load_idx %arg5[%get3A_589] : memref<100000xf32, #tpu.memory_space<vmem>>[vector<16xi32>], vector<16xf32>,
      %mul3A_591 = arith.constant 16 : i32
      %mul3A_592 = arith.muli %scan3A_585, %mul3A_591 : i32
      %swap3A_593 = arith.index_cast %mul3A_592 : i32 to index
      %swap3A_594 = tpu.vector_load %arg7[%swap3A_593] {strides = array<i32>} : memref<4112xf32, #tpu.memory_space<vmem>>, vector<16xf32>,
      tpu.vector_store %arg7[%swap3A_593], %gather3A_590 {strides = array<i32>} : memref<4112xf32, #tpu.memory_space<vmem>>, vector<16xf32>,
      %scan3A_595 = arith.constant 13 : i32
      %scan3A_596 = arith.addi %scan3A_453, %scan3A_595 : i32
      %mul3A_597 = arith.constant 16 : i32
      %mul3A_598 = arith.muli %scan3A_596, %mul3A_597 : i32
      %get3A_599 = arith.index_cast %mul3A_598 : i32 to index
      %get3A_600 = tpu.vector_load %arg6[%get3A_599] {strides = array<i32>} : memref<4112xi32, #tpu.memory_space<vmem>>, vector<16xi32>,
      %gather3A_601 = tpu.vector_load_idx %arg5[%get3A_600] : memref<100000xf32, #tpu.memory_space<vmem>>[vector<16xi32>], vector<16xf32>,
      %mul3A_602 = arith.constant 16 : i32
      %mul3A_603 = arith.muli %scan3A_596, %mul3A_602 : i32
      %swap3A_604 = arith.index_cast %mul3A_603 : i32 to index
      %swap3A_605 = tpu.vector_load %arg7[%swap3A_604] {strides = array<i32>} : memref<4112xf32, #tpu.memory_space<vmem>>, vector<16xf32>,
      tpu.vector_store %arg7[%swap3A_604], %gather3A_601 {strides = array<i32>} : memref<4112xf32, #tpu.memory_space<vmem>>, vector<16xf32>,
      %scan3A_606 = arith.constant 14 : i32
      %scan3A_607 = arith.addi %scan3A_453, %scan3A_606 : i32
      %mul3A_608 = arith.constant 16 : i32
      %mul3A_609 = arith.muli %scan3A_607, %mul3A_608 : i32
      %get3A_610 = arith.index_cast %mul3A_609 : i32 to index
      %get3A_611 = tpu.vector_load %arg6[%get3A_610] {strides = array<i32>} : memref<4112xi32, #tpu.memory_space<vmem>>, vector<16xi32>,
      %gather3A_612 = tpu.vector_load_idx %arg5[%get3A_611] : memref<100000xf32, #tpu.memory_space<vmem>>[vector<16xi32>], vector<16xf32>,
      %mul3A_613 = arith.constant 16 : i32
      %mul3A_614 = arith.muli %scan3A_607, %mul3A_613 : i32
      %swap3A_615 = arith.index_cast %mul3A_614 : i32 to index
      %swap3A_616 = tpu.vector_load %arg7[%swap3A_615] {strides = array<i32>} : memref<4112xf32, #tpu.memory_space<vmem>>, vector<16xf32>,
      tpu.vector_store %arg7[%swap3A_615], %gather3A_612 {strides = array<i32>} : memref<4112xf32, #tpu.memory_space<vmem>>, vector<16xf32>,
      %scan3A_617 = arith.constant 15 : i32
      %scan3A_618 = arith.addi %scan3A_453, %scan3A_617 : i32
      %mul3A_619 = arith.constant 16 : i32
      %mul3A_620 = arith.muli %scan3A_618, %mul3A_619 : i32
      %get3A_621 = arith.index_cast %mul3A_620 : i32 to index
      %get3A_622 = tpu.vector_load %arg6[%get3A_621] {strides = array<i32>} : memref<4112xi32, #tpu.memory_space<vmem>>, vector<16xi32>,
      %gather3A_623 = tpu.vector_load_idx %arg5[%get3A_622] : memref<100000xf32, #tpu.memory_space<vmem>>[vector<16xi32>], vector<16xf32>,
      %mul3A_624 = arith.constant 16 : i32
      %mul3A_625 = arith.muli %scan3A_618, %mul3A_624 : i32
      %swap3A_626 = arith.index_cast %mul3A_625 : i32 to index
      %swap3A_627 = tpu.vector_load %arg7[%swap3A_626] {strides = array<i32>} : memref<4112xf32, #tpu.memory_space<vmem>>, vector<16xf32>,
      tpu.vector_store %arg7[%swap3A_626], %gather3A_623 {strides = array<i32>} : memref<4112xf32, #tpu.memory_space<vmem>>, vector<16xf32>,
    }
    %scan3A_383 = arith.constant 256 : i32
    %scan3A_384 = arith.addi %scan3A_379, %scan3A_383 : i32
    %mul3A_385 = arith.constant 16 : i32
    %mul3A_386 = arith.muli %scan3A_384, %mul3A_385 : i32
    %get3A_387 = arith.index_cast %mul3A_386 : i32 to index
    %get3A_388 = tpu.vector_load %arg6[%get3A_387] {strides = array<i32>} : memref<4112xi32, #tpu.memory_space<vmem>>, vector<16xi32>,
    %gather3A_389 = tpu.vector_load_idx %arg5[%get3A_388] : memref<100000xf32, #tpu.memory_space<vmem>>[vector<16xi32>], vector<16xf32>,
    %mul3A_390 = arith.constant 16 : i32
    %mul3A_391 = arith.muli %scan3A_384, %mul3A_390 : i32
    %swap3A_392 = arith.index_cast %mul3A_391 : i32 to index
    %swap3A_393 = tpu.vector_load %arg7[%swap3A_392] {strides = array<i32>} : memref<4112xf32, #tpu.memory_space<vmem>>, vector<16xf32>,
    tpu.vector_store %arg7[%swap3A_392], %gather3A_389 {strides = array<i32>} : memref<4112xf32, #tpu.memory_space<vmem>>, vector<16xf32>,
    %scan3A_394 = arith.constant 257 : i32
    "tpu.region"() ({
      %run_scoped3A = tpu.sem_alloc : memref<!tpu.dma_semaphore, #tpu.memory_space<semaphore_mem>>
      %dma_start3A_453 = arith.constant 0 : i32
      %dma_start3A_454 = tpu.memref_slice %arg4[%add3A_338, %dma_start3A_453] : memref<256x4112xf32, #tpu.memory_space<hbm>> -> memref<1x4112xf32, #tpu.memory_space<hbm>>
      %dma_start3A_455 = tpu.memref_squeeze %dma_start3A_454 : memref<1x4112xf32, #tpu.memory_space<hbm>> -> memref<4112xf32, #tpu.memory_space<hbm>>
      %dma_start3A_456 = arith.constant 0 : i32
      %dma_start3A_457 = tpu.memref_slice %arg4[%add3A_338, %dma_start3A_456] : memref<256x4112xf32, #tpu.memory_space<hbm>> -> memref<1x4112xf32, #tpu.memory_space<hbm>>
      %dma_start3A_458 = tpu.memref_squeeze %dma_start3A_457 : memref<1x4112xf32, #tpu.memory_space<hbm>> -> memref<4112xf32, #tpu.memory_space<hbm>>
      tpu.enqueue_dma source(%arg7 : memref<4112xf32, #tpu.memory_space<vmem>>) target(%dma_start3A_458 : memref<4112xf32, #tpu.memory_space<hbm>>) target_semaphore(%run_scoped3A : memref<!tpu.dma_semaphore, #tpu.memory_space<semaphore_mem>>)
      %dma_wait3A_459 = arith.constant 0 : i32
      %dma_wait3A_460 = tpu.memref_slice %arg4[%add3A_338, %dma_wait3A_459] : memref<256x4112xf32, #tpu.memory_space<hbm>> -> memref<1x4112xf32, #tpu.memory_space<hbm>>
      %dma_wait3A_461 = tpu.memref_squeeze %dma_wait3A_460 : memref<1x4112xf32, #tpu.memory_space<hbm>> -> memref<4112xf32, #tpu.memory_space<hbm>>
      %dma_wait3A_462 = arith.constant 0 : i32
      %dma_wait3A_463 = tpu.memref_slice %arg4[%add3A_338, %dma_wait3A_462] : memref<256x4112xf32, #tpu.memory_space<hbm>> -> memref<1x4112xf32, #tpu.memory_space<hbm>>
      %dma_wait3A_464 = tpu.memref_squeeze %dma_wait3A_463 : memref<1x4112xf32, #tpu.memory_space<hbm>> -> memref<4112xf32, #tpu.memory_space<hbm>>
      tpu.wait_dma2 semaphore(%run_scoped3A : memref<!tpu.dma_semaphore, #tpu.memory_space<semaphore_mem>>) src(%arg7 : memref<4112xf32, #tpu.memory_space<vmem>>) dst(%dma_wait3A_464 : memref<4112xf32, #tpu.memory_space<hbm>>)
      tpu.yield
    }) : () -> ()
    %add3A_395 = arith.constant 7 : i32
    %add3A_396 = arith.addi %mul3A_2, %add3A_395 : i32
    %jit3A_397 = arith.constant 128 : i32
    %div3A_398 = arith.divsi %add3A_396, %jit3A_397 : i32
    %sign3A_399 = arith.constant 0 : i32
    %sign3A_400 = arith.cmpi sgt, %add3A_396, %sign3A_399 : i32
    %sign3A_401 = arith.extui %sign3A_400 : i1 to i32
    %sign3A_402 = arith.constant 0 : i32
    %sign3A_403 = arith.cmpi slt, %add3A_396, %sign3A_402 : i32
    %sign3A_404 = arith.extui %sign3A_403 : i1 to i32
    %sign3A_405 = arith.subi %sign3A_401, %sign3A_404 : i32
    %sign3A_406 = arith.constant 0 : i32
    %sign3A_407 = arith.cmpi sgt, %jit3A_397, %sign3A_406 : i32
    %sign3A_408 = arith.extui %sign3A_407 : i1 to i32
    %sign3A_409 = arith.constant 0 : i32
    %sign3A_410 = arith.cmpi slt, %jit3A_397, %sign3A_409 : i32
    %sign3A_411 = arith.extui %sign3A_410 : i1 to i32
    %sign3A_412 = arith.subi %sign3A_408, %sign3A_411 : i32
    %ne3A_413 = arith.cmpi ne, %sign3A_405, %sign3A_412 : i32
    %rem3A_414 = arith.remsi %add3A_396, %jit3A_397 : i32
    %ne3A_415 = arith.constant 0 : i32
    %ne3A_416 = arith.cmpi ne, %rem3A_414, %ne3A_415 : i32
    %and3A_417 = arith.andi %ne3A_413, %ne3A_416 : i1
    %sub3A_418 = arith.constant 1 : i32
    %sub3A_419 = arith.subi %div3A_398, %sub3A_418 : i32
    %select_n3A_420 = arith.select %and3A_417, %sub3A_419, %div3A_398 : i32
    %mul3A_421 = arith.constant 128 : i32
    %mul3A_422 = arith.muli %select_n3A_420, %mul3A_421 : i32
    %sub3A_423 = arith.subi %add3A_396, %mul3A_422 : i32
    %dma_start3A_424 = arith.constant 0 : i32
    %dma_start3A_425 = tpu.memref_slice %arg2[%add3A_396, %dma_start3A_424] : memref<256x100000xf32, #tpu.memory_space<hbm>> -> memref<1x100000xf32, #tpu.memory_space<hbm>>
    %dma_start3A_426 = tpu.memref_squeeze %dma_start3A_425 : memref<1x100000xf32, #tpu.memory_space<hbm>> -> memref<100000xf32, #tpu.memory_space<hbm>>
    %dma_start3A_427 = arith.constant 0 : i32
    %dma_start3A_428 = tpu.memref_slice %arg2[%add3A_396, %dma_start3A_427] : memref<256x100000xf32, #tpu.memory_space<hbm>> -> memref<1x100000xf32, #tpu.memory_space<hbm>>
    %dma_start3A_429 = tpu.memref_squeeze %dma_start3A_428 : memref<1x100000xf32, #tpu.memory_space<hbm>> -> memref<100000xf32, #tpu.memory_space<hbm>>
    tpu.enqueue_dma source(%dma_start3A_429 : memref<100000xf32, #tpu.memory_space<hbm>>) target(%arg5 : memref<100000xf32, #tpu.memory_space<vmem>>) target_semaphore(%arg8 : memref<!tpu.dma_semaphore, #tpu.memory_space<semaphore_mem>>)
    "tpu.region"() ({
      %run_scoped3A = tpu.sem_alloc : memref<!tpu.dma_semaphore, #tpu.memory_space<semaphore_mem>>
      %dma_start3A_453 = arith.constant 0 : i32
      %dma_start3A_454 = tpu.memref_slice %arg3[%sub3A_423, %dma_start3A_453] : memref<128x4112xi32, #tpu.memory_space<hbm>> -> memref<1x4112xi32, #tpu.memory_space<hbm>>
      %dma_start3A_455 = tpu.memref_squeeze %dma_start3A_454 : memref<1x4112xi32, #tpu.memory_space<hbm>> -> memref<4112xi32, #tpu.memory_space<hbm>>
      %dma_start3A_456 = arith.constant 0 : i32
      %dma_start3A_457 = tpu.memref_slice %arg3[%sub3A_423, %dma_start3A_456] : memref<128x4112xi32, #tpu.memory_space<hbm>> -> memref<1x4112xi32, #tpu.memory_space<hbm>>
      %dma_start3A_458 = tpu.memref_squeeze %dma_start3A_457 : memref<1x4112xi32, #tpu.memory_space<hbm>> -> memref<4112xi32, #tpu.memory_space<hbm>>
      tpu.enqueue_dma source(%dma_start3A_458 : memref<4112xi32, #tpu.memory_space<hbm>>) target(%arg6 : memref<4112xi32, #tpu.memory_space<vmem>>) target_semaphore(%run_scoped3A : memref<!tpu.dma_semaphore, #tpu.memory_space<semaphore_mem>>)
      %dma_wait3A_459 = arith.constant 0 : i32
      %dma_wait3A_460 = tpu.memref_slice %arg3[%sub3A_423, %dma_wait3A_459] : memref<128x4112xi32, #tpu.memory_space<hbm>> -> memref<1x4112xi32, #tpu.memory_space<hbm>>
      %dma_wait3A_461 = tpu.memref_squeeze %dma_wait3A_460 : memref<1x4112xi32, #tpu.memory_space<hbm>> -> memref<4112xi32, #tpu.memory_space<hbm>>
      %dma_wait3A_462 = arith.constant 0 : i32
      %dma_wait3A_463 = tpu.memref_slice %arg3[%sub3A_423, %dma_wait3A_462] : memref<128x4112xi32, #tpu.memory_space<hbm>> -> memref<1x4112xi32, #tpu.memory_space<hbm>>
      %dma_wait3A_464 = tpu.memref_squeeze %dma_wait3A_463 : memref<1x4112xi32, #tpu.memory_space<hbm>> -> memref<4112xi32, #tpu.memory_space<hbm>>
      tpu.wait_dma2 semaphore(%run_scoped3A : memref<!tpu.dma_semaphore, #tpu.memory_space<semaphore_mem>>) src(%dma_wait3A_464 : memref<4112xi32, #tpu.memory_space<hbm>>) dst(%arg6 : memref<4112xi32, #tpu.memory_space<vmem>>)
      tpu.yield
    }) : () -> ()
    %dma_wait3A_430 = arith.constant 0 : i32
    %dma_wait3A_431 = tpu.memref_slice %arg2[%add3A_396, %dma_wait3A_430] : memref<256x100000xf32, #tpu.memory_space<hbm>> -> memref<1x100000xf32, #tpu.memory_space<hbm>>
    %dma_wait3A_432 = tpu.memref_squeeze %dma_wait3A_431 : memref<1x100000xf32, #tpu.memory_space<hbm>> -> memref<100000xf32, #tpu.memory_space<hbm>>
    %dma_wait3A_433 = arith.constant 0 : i32
    %dma_wait3A_434 = tpu.memref_slice %arg2[%add3A_396, %dma_wait3A_433] : memref<256x100000xf32, #tpu.memory_space<hbm>> -> memref<1x100000xf32, #tpu.memory_space<hbm>>
    %dma_wait3A_435 = tpu.memref_squeeze %dma_wait3A_434 : memref<1x100000xf32, #tpu.memory_space<hbm>> -> memref<100000xf32, #tpu.memory_space<hbm>>
    tpu.wait_dma2 semaphore(%arg8 : memref<!tpu.dma_semaphore, #tpu.memory_space<semaphore_mem>>) src(%dma_wait3A_435 : memref<100000xf32, #tpu.memory_space<hbm>>) dst(%arg5 : memref<100000xf32, #tpu.memory_space<vmem>>)
    %scan3A_436 = arith.constant 0 : i32
    %scan3A_437 = arith.constant 0 : i32
    %scan3A_438 = arith.constant 256 : i32
    %scan3A_439 = arith.addi %scan3A_437, %scan3A_438 : i32
    %scan3A_440 = arith.constant 16 : i32
    scf.for %scan3A_453 = %scan3A_437 to %scan3A_439 step %scan3A_440  : i32 {
      %mul3A_454 = arith.constant 16 : i32
      %mul3A_455 = arith.muli %scan3A_453, %mul3A_454 : i32
      %get3A_456 = arith.index_cast %mul3A_455 : i32 to index
      %get3A_457 = tpu.vector_load %arg6[%get3A_456] {strides = array<i32>} : memref<4112xi32, #tpu.memory_space<vmem>>, vector<16xi32>,
      %gather3A_458 = tpu.vector_load_idx %arg5[%get3A_457] : memref<100000xf32, #tpu.memory_space<vmem>>[vector<16xi32>], vector<16xf32>,
      %mul3A_459 = arith.constant 16 : i32
      %mul3A_460 = arith.muli %scan3A_453, %mul3A_459 : i32
      %swap3A_461 = arith.index_cast %mul3A_460 : i32 to index
      %swap3A_462 = tpu.vector_load %arg7[%swap3A_461] {strides = array<i32>} : memref<4112xf32, #tpu.memory_space<vmem>>, vector<16xf32>,
      tpu.vector_store %arg7[%swap3A_461], %gather3A_458 {strides = array<i32>} : memref<4112xf32, #tpu.memory_space<vmem>>, vector<16xf32>,
      %scan3A_463 = arith.constant 1 : i32
      %scan3A_464 = arith.addi %scan3A_453, %scan3A_463 : i32
      %mul3A_465 = arith.constant 16 : i32
      %mul3A_466 = arith.muli %scan3A_464, %mul3A_465 : i32
      %get3A_467 = arith.index_cast %mul3A_466 : i32 to index
      %get3A_468 = tpu.vector_load %arg6[%get3A_467] {strides = array<i32>} : memref<4112xi32, #tpu.memory_space<vmem>>, vector<16xi32>,
      %gather3A_469 = tpu.vector_load_idx %arg5[%get3A_468] : memref<100000xf32, #tpu.memory_space<vmem>>[vector<16xi32>], vector<16xf32>,
      %mul3A_470 = arith.constant 16 : i32
      %mul3A_471 = arith.muli %scan3A_464, %mul3A_470 : i32
      %swap3A_472 = arith.index_cast %mul3A_471 : i32 to index
      %swap3A_473 = tpu.vector_load %arg7[%swap3A_472] {strides = array<i32>} : memref<4112xf32, #tpu.memory_space<vmem>>, vector<16xf32>,
      tpu.vector_store %arg7[%swap3A_472], %gather3A_469 {strides = array<i32>} : memref<4112xf32, #tpu.memory_space<vmem>>, vector<16xf32>,
      %scan3A_474 = arith.constant 2 : i32
      %scan3A_475 = arith.addi %scan3A_453, %scan3A_474 : i32
      %mul3A_476 = arith.constant 16 : i32
      %mul3A_477 = arith.muli %scan3A_475, %mul3A_476 : i32
      %get3A_478 = arith.index_cast %mul3A_477 : i32 to index
      %get3A_479 = tpu.vector_load %arg6[%get3A_478] {strides = array<i32>} : memref<4112xi32, #tpu.memory_space<vmem>>, vector<16xi32>,
      %gather3A_480 = tpu.vector_load_idx %arg5[%get3A_479] : memref<100000xf32, #tpu.memory_space<vmem>>[vector<16xi32>], vector<16xf32>,
      %mul3A_481 = arith.constant 16 : i32
      %mul3A_482 = arith.muli %scan3A_475, %mul3A_481 : i32
      %swap3A_483 = arith.index_cast %mul3A_482 : i32 to index
      %swap3A_484 = tpu.vector_load %arg7[%swap3A_483] {strides = array<i32>} : memref<4112xf32, #tpu.memory_space<vmem>>, vector<16xf32>,
      tpu.vector_store %arg7[%swap3A_483], %gather3A_480 {strides = array<i32>} : memref<4112xf32, #tpu.memory_space<vmem>>, vector<16xf32>,
      %scan3A_485 = arith.constant 3 : i32
      %scan3A_486 = arith.addi %scan3A_453, %scan3A_485 : i32
      %mul3A_487 = arith.constant 16 : i32
      %mul3A_488 = arith.muli %scan3A_486, %mul3A_487 : i32
      %get3A_489 = arith.index_cast %mul3A_488 : i32 to index
      %get3A_490 = tpu.vector_load %arg6[%get3A_489] {strides = array<i32>} : memref<4112xi32, #tpu.memory_space<vmem>>, vector<16xi32>,
      %gather3A_491 = tpu.vector_load_idx %arg5[%get3A_490] : memref<100000xf32, #tpu.memory_space<vmem>>[vector<16xi32>], vector<16xf32>,
      %mul3A_492 = arith.constant 16 : i32
      %mul3A_493 = arith.muli %scan3A_486, %mul3A_492 : i32
      %swap3A_494 = arith.index_cast %mul3A_493 : i32 to index
      %swap3A_495 = tpu.vector_load %arg7[%swap3A_494] {strides = array<i32>} : memref<4112xf32, #tpu.memory_space<vmem>>, vector<16xf32>,
      tpu.vector_store %arg7[%swap3A_494], %gather3A_491 {strides = array<i32>} : memref<4112xf32, #tpu.memory_space<vmem>>, vector<16xf32>,
      %scan3A_496 = arith.constant 4 : i32
      %scan3A_497 = arith.addi %scan3A_453, %scan3A_496 : i32
      %mul3A_498 = arith.constant 16 : i32
      %mul3A_499 = arith.muli %scan3A_497, %mul3A_498 : i32
      %get3A_500 = arith.index_cast %mul3A_499 : i32 to index
      %get3A_501 = tpu.vector_load %arg6[%get3A_500] {strides = array<i32>} : memref<4112xi32, #tpu.memory_space<vmem>>, vector<16xi32>,
      %gather3A_502 = tpu.vector_load_idx %arg5[%get3A_501] : memref<100000xf32, #tpu.memory_space<vmem>>[vector<16xi32>], vector<16xf32>,
      %mul3A_503 = arith.constant 16 : i32
      %mul3A_504 = arith.muli %scan3A_497, %mul3A_503 : i32
      %swap3A_505 = arith.index_cast %mul3A_504 : i32 to index
      %swap3A_506 = tpu.vector_load %arg7[%swap3A_505] {strides = array<i32>} : memref<4112xf32, #tpu.memory_space<vmem>>, vector<16xf32>,
      tpu.vector_store %arg7[%swap3A_505], %gather3A_502 {strides = array<i32>} : memref<4112xf32, #tpu.memory_space<vmem>>, vector<16xf32>,
      %scan3A_507 = arith.constant 5 : i32
      %scan3A_508 = arith.addi %scan3A_453, %scan3A_507 : i32
      %mul3A_509 = arith.constant 16 : i32
      %mul3A_510 = arith.muli %scan3A_508, %mul3A_509 : i32
      %get3A_511 = arith.index_cast %mul3A_510 : i32 to index
      %get3A_512 = tpu.vector_load %arg6[%get3A_511] {strides = array<i32>} : memref<4112xi32, #tpu.memory_space<vmem>>, vector<16xi32>,
      %gather3A_513 = tpu.vector_load_idx %arg5[%get3A_512] : memref<100000xf32, #tpu.memory_space<vmem>>[vector<16xi32>], vector<16xf32>,
      %mul3A_514 = arith.constant 16 : i32
      %mul3A_515 = arith.muli %scan3A_508, %mul3A_514 : i32
      %swap3A_516 = arith.index_cast %mul3A_515 : i32 to index
      %swap3A_517 = tpu.vector_load %arg7[%swap3A_516] {strides = array<i32>} : memref<4112xf32, #tpu.memory_space<vmem>>, vector<16xf32>,
      tpu.vector_store %arg7[%swap3A_516], %gather3A_513 {strides = array<i32>} : memref<4112xf32, #tpu.memory_space<vmem>>, vector<16xf32>,
      %scan3A_518 = arith.constant 6 : i32
      %scan3A_519 = arith.addi %scan3A_453, %scan3A_518 : i32
      %mul3A_520 = arith.constant 16 : i32
      %mul3A_521 = arith.muli %scan3A_519, %mul3A_520 : i32
      %get3A_522 = arith.index_cast %mul3A_521 : i32 to index
      %get3A_523 = tpu.vector_load %arg6[%get3A_522] {strides = array<i32>} : memref<4112xi32, #tpu.memory_space<vmem>>, vector<16xi32>,
      %gather3A_524 = tpu.vector_load_idx %arg5[%get3A_523] : memref<100000xf32, #tpu.memory_space<vmem>>[vector<16xi32>], vector<16xf32>,
      %mul3A_525 = arith.constant 16 : i32
      %mul3A_526 = arith.muli %scan3A_519, %mul3A_525 : i32
      %swap3A_527 = arith.index_cast %mul3A_526 : i32 to index
      %swap3A_528 = tpu.vector_load %arg7[%swap3A_527] {strides = array<i32>} : memref<4112xf32, #tpu.memory_space<vmem>>, vector<16xf32>,
      tpu.vector_store %arg7[%swap3A_527], %gather3A_524 {strides = array<i32>} : memref<4112xf32, #tpu.memory_space<vmem>>, vector<16xf32>,
      %scan3A_529 = arith.constant 7 : i32
      %scan3A_530 = arith.addi %scan3A_453, %scan3A_529 : i32
      %mul3A_531 = arith.constant 16 : i32
      %mul3A_532 = arith.muli %scan3A_530, %mul3A_531 : i32
      %get3A_533 = arith.index_cast %mul3A_532 : i32 to index
      %get3A_534 = tpu.vector_load %arg6[%get3A_533] {strides = array<i32>} : memref<4112xi32, #tpu.memory_space<vmem>>, vector<16xi32>,
      %gather3A_535 = tpu.vector_load_idx %arg5[%get3A_534] : memref<100000xf32, #tpu.memory_space<vmem>>[vector<16xi32>], vector<16xf32>,
      %mul3A_536 = arith.constant 16 : i32
      %mul3A_537 = arith.muli %scan3A_530, %mul3A_536 : i32
      %swap3A_538 = arith.index_cast %mul3A_537 : i32 to index
      %swap3A_539 = tpu.vector_load %arg7[%swap3A_538] {strides = array<i32>} : memref<4112xf32, #tpu.memory_space<vmem>>, vector<16xf32>,
      tpu.vector_store %arg7[%swap3A_538], %gather3A_535 {strides = array<i32>} : memref<4112xf32, #tpu.memory_space<vmem>>, vector<16xf32>,
      %scan3A_540 = arith.constant 8 : i32
      %scan3A_541 = arith.addi %scan3A_453, %scan3A_540 : i32
      %mul3A_542 = arith.constant 16 : i32
      %mul3A_543 = arith.muli %scan3A_541, %mul3A_542 : i32
      %get3A_544 = arith.index_cast %mul3A_543 : i32 to index
      %get3A_545 = tpu.vector_load %arg6[%get3A_544] {strides = array<i32>} : memref<4112xi32, #tpu.memory_space<vmem>>, vector<16xi32>,
      %gather3A_546 = tpu.vector_load_idx %arg5[%get3A_545] : memref<100000xf32, #tpu.memory_space<vmem>>[vector<16xi32>], vector<16xf32>,
      %mul3A_547 = arith.constant 16 : i32
      %mul3A_548 = arith.muli %scan3A_541, %mul3A_547 : i32
      %swap3A_549 = arith.index_cast %mul3A_548 : i32 to index
      %swap3A_550 = tpu.vector_load %arg7[%swap3A_549] {strides = array<i32>} : memref<4112xf32, #tpu.memory_space<vmem>>, vector<16xf32>,
      tpu.vector_store %arg7[%swap3A_549], %gather3A_546 {strides = array<i32>} : memref<4112xf32, #tpu.memory_space<vmem>>, vector<16xf32>,
      %scan3A_551 = arith.constant 9 : i32
      %scan3A_552 = arith.addi %scan3A_453, %scan3A_551 : i32
      %mul3A_553 = arith.constant 16 : i32
      %mul3A_554 = arith.muli %scan3A_552, %mul3A_553 : i32
      %get3A_555 = arith.index_cast %mul3A_554 : i32 to index
      %get3A_556 = tpu.vector_load %arg6[%get3A_555] {strides = array<i32>} : memref<4112xi32, #tpu.memory_space<vmem>>, vector<16xi32>,
      %gather3A_557 = tpu.vector_load_idx %arg5[%get3A_556] : memref<100000xf32, #tpu.memory_space<vmem>>[vector<16xi32>], vector<16xf32>,
      %mul3A_558 = arith.constant 16 : i32
      %mul3A_559 = arith.muli %scan3A_552, %mul3A_558 : i32
      %swap3A_560 = arith.index_cast %mul3A_559 : i32 to index
      %swap3A_561 = tpu.vector_load %arg7[%swap3A_560] {strides = array<i32>} : memref<4112xf32, #tpu.memory_space<vmem>>, vector<16xf32>,
      tpu.vector_store %arg7[%swap3A_560], %gather3A_557 {strides = array<i32>} : memref<4112xf32, #tpu.memory_space<vmem>>, vector<16xf32>,
      %scan3A_562 = arith.constant 10 : i32
      %scan3A_563 = arith.addi %scan3A_453, %scan3A_562 : i32
      %mul3A_564 = arith.constant 16 : i32
      %mul3A_565 = arith.muli %scan3A_563, %mul3A_564 : i32
      %get3A_566 = arith.index_cast %mul3A_565 : i32 to index
      %get3A_567 = tpu.vector_load %arg6[%get3A_566] {strides = array<i32>} : memref<4112xi32, #tpu.memory_space<vmem>>, vector<16xi32>,
      %gather3A_568 = tpu.vector_load_idx %arg5[%get3A_567] : memref<100000xf32, #tpu.memory_space<vmem>>[vector<16xi32>], vector<16xf32>,
      %mul3A_569 = arith.constant 16 : i32
      %mul3A_570 = arith.muli %scan3A_563, %mul3A_569 : i32
      %swap3A_571 = arith.index_cast %mul3A_570 : i32 to index
      %swap3A_572 = tpu.vector_load %arg7[%swap3A_571] {strides = array<i32>} : memref<4112xf32, #tpu.memory_space<vmem>>, vector<16xf32>,
      tpu.vector_store %arg7[%swap3A_571], %gather3A_568 {strides = array<i32>} : memref<4112xf32, #tpu.memory_space<vmem>>, vector<16xf32>,
      %scan3A_573 = arith.constant 11 : i32
      %scan3A_574 = arith.addi %scan3A_453, %scan3A_573 : i32
      %mul3A_575 = arith.constant 16 : i32
      %mul3A_576 = arith.muli %scan3A_574, %mul3A_575 : i32
      %get3A_577 = arith.index_cast %mul3A_576 : i32 to index
      %get3A_578 = tpu.vector_load %arg6[%get3A_577] {strides = array<i32>} : memref<4112xi32, #tpu.memory_space<vmem>>, vector<16xi32>,
      %gather3A_579 = tpu.vector_load_idx %arg5[%get3A_578] : memref<100000xf32, #tpu.memory_space<vmem>>[vector<16xi32>], vector<16xf32>,
      %mul3A_580 = arith.constant 16 : i32
      %mul3A_581 = arith.muli %scan3A_574, %mul3A_580 : i32
      %swap3A_582 = arith.index_cast %mul3A_581 : i32 to index
      %swap3A_583 = tpu.vector_load %arg7[%swap3A_582] {strides = array<i32>} : memref<4112xf32, #tpu.memory_space<vmem>>, vector<16xf32>,
      tpu.vector_store %arg7[%swap3A_582], %gather3A_579 {strides = array<i32>} : memref<4112xf32, #tpu.memory_space<vmem>>, vector<16xf32>,
      %scan3A_584 = arith.constant 12 : i32
      %scan3A_585 = arith.addi %scan3A_453, %scan3A_584 : i32
      %mul3A_586 = arith.constant 16 : i32
      %mul3A_587 = arith.muli %scan3A_585, %mul3A_586 : i32
      %get3A_588 = arith.index_cast %mul3A_587 : i32 to index
      %get3A_589 = tpu.vector_load %arg6[%get3A_588] {strides = array<i32>} : memref<4112xi32, #tpu.memory_space<vmem>>, vector<16xi32>,
      %gather3A_590 = tpu.vector_load_idx %arg5[%get3A_589] : memref<100000xf32, #tpu.memory_space<vmem>>[vector<16xi32>], vector<16xf32>,
      %mul3A_591 = arith.constant 16 : i32
      %mul3A_592 = arith.muli %scan3A_585, %mul3A_591 : i32
      %swap3A_593 = arith.index_cast %mul3A_592 : i32 to index
      %swap3A_594 = tpu.vector_load %arg7[%swap3A_593] {strides = array<i32>} : memref<4112xf32, #tpu.memory_space<vmem>>, vector<16xf32>,
      tpu.vector_store %arg7[%swap3A_593], %gather3A_590 {strides = array<i32>} : memref<4112xf32, #tpu.memory_space<vmem>>, vector<16xf32>,
      %scan3A_595 = arith.constant 13 : i32
      %scan3A_596 = arith.addi %scan3A_453, %scan3A_595 : i32
      %mul3A_597 = arith.constant 16 : i32
      %mul3A_598 = arith.muli %scan3A_596, %mul3A_597 : i32
      %get3A_599 = arith.index_cast %mul3A_598 : i32 to index
      %get3A_600 = tpu.vector_load %arg6[%get3A_599] {strides = array<i32>} : memref<4112xi32, #tpu.memory_space<vmem>>, vector<16xi32>,
      %gather3A_601 = tpu.vector_load_idx %arg5[%get3A_600] : memref<100000xf32, #tpu.memory_space<vmem>>[vector<16xi32>], vector<16xf32>,
      %mul3A_602 = arith.constant 16 : i32
      %mul3A_603 = arith.muli %scan3A_596, %mul3A_602 : i32
      %swap3A_604 = arith.index_cast %mul3A_603 : i32 to index
      %swap3A_605 = tpu.vector_load %arg7[%swap3A_604] {strides = array<i32>} : memref<4112xf32, #tpu.memory_space<vmem>>, vector<16xf32>,
      tpu.vector_store %arg7[%swap3A_604], %gather3A_601 {strides = array<i32>} : memref<4112xf32, #tpu.memory_space<vmem>>, vector<16xf32>,
      %scan3A_606 = arith.constant 14 : i32
      %scan3A_607 = arith.addi %scan3A_453, %scan3A_606 : i32
      %mul3A_608 = arith.constant 16 : i32
      %mul3A_609 = arith.muli %scan3A_607, %mul3A_608 : i32
      %get3A_610 = arith.index_cast %mul3A_609 : i32 to index
      %get3A_611 = tpu.vector_load %arg6[%get3A_610] {strides = array<i32>} : memref<4112xi32, #tpu.memory_space<vmem>>, vector<16xi32>,
      %gather3A_612 = tpu.vector_load_idx %arg5[%get3A_611] : memref<100000xf32, #tpu.memory_space<vmem>>[vector<16xi32>], vector<16xf32>,
      %mul3A_613 = arith.constant 16 : i32
      %mul3A_614 = arith.muli %scan3A_607, %mul3A_613 : i32
      %swap3A_615 = arith.index_cast %mul3A_614 : i32 to index
      %swap3A_616 = tpu.vector_load %arg7[%swap3A_615] {strides = array<i32>} : memref<4112xf32, #tpu.memory_space<vmem>>, vector<16xf32>,
      tpu.vector_store %arg7[%swap3A_615], %gather3A_612 {strides = array<i32>} : memref<4112xf32, #tpu.memory_space<vmem>>, vector<16xf32>,
      %scan3A_617 = arith.constant 15 : i32
      %scan3A_618 = arith.addi %scan3A_453, %scan3A_617 : i32
      %mul3A_619 = arith.constant 16 : i32
      %mul3A_620 = arith.muli %scan3A_618, %mul3A_619 : i32
      %get3A_621 = arith.index_cast %mul3A_620 : i32 to index
      %get3A_622 = tpu.vector_load %arg6[%get3A_621] {strides = array<i32>} : memref<4112xi32, #tpu.memory_space<vmem>>, vector<16xi32>,
      %gather3A_623 = tpu.vector_load_idx %arg5[%get3A_622] : memref<100000xf32, #tpu.memory_space<vmem>>[vector<16xi32>], vector<16xf32>,
      %mul3A_624 = arith.constant 16 : i32
      %mul3A_625 = arith.muli %scan3A_618, %mul3A_624 : i32
      %swap3A_626 = arith.index_cast %mul3A_625 : i32 to index
      %swap3A_627 = tpu.vector_load %arg7[%swap3A_626] {strides = array<i32>} : memref<4112xf32, #tpu.memory_space<vmem>>, vector<16xf32>,
      tpu.vector_store %arg7[%swap3A_626], %gather3A_623 {strides = array<i32>} : memref<4112xf32, #tpu.memory_space<vmem>>, vector<16xf32>,
    }
    %scan3A_441 = arith.constant 256 : i32
    %scan3A_442 = arith.addi %scan3A_437, %scan3A_441 : i32
    %mul3A_443 = arith.constant 16 : i32
    %mul3A_444 = arith.muli %scan3A_442, %mul3A_443 : i32
    %get3A_445 = arith.index_cast %mul3A_444 : i32 to index
    %get3A_446 = tpu.vector_load %arg6[%get3A_445] {strides = array<i32>} : memref<4112xi32, #tpu.memory_space<vmem>>, vector<16xi32>,
    %gather3A_447 = tpu.vector_load_idx %arg5[%get3A_446] : memref<100000xf32, #tpu.memory_space<vmem>>[vector<16xi32>], vector<16xf32>,
    %mul3A_448 = arith.constant 16 : i32
    %mul3A_449 = arith.muli %scan3A_442, %mul3A_448 : i32
    %swap3A_450 = arith.index_cast %mul3A_449 : i32 to index
    %swap3A_451 = tpu.vector_load %arg7[%swap3A_450] {strides = array<i32>} : memref<4112xf32, #tpu.memory_space<vmem>>, vector<16xf32>,
    tpu.vector_store %arg7[%swap3A_450], %gather3A_447 {strides = array<i32>} : memref<4112xf32, #tpu.memory_space<vmem>>, vector<16xf32>,
    %scan3A_452 = arith.constant 257 : i32
    "tpu.region"() ({
      %run_scoped3A = tpu.sem_alloc : memref<!tpu.dma_semaphore, #tpu.memory_space<semaphore_mem>>
      %dma_start3A_453 = arith.constant 0 : i32
      %dma_start3A_454 = tpu.memref_slice %arg4[%add3A_396, %dma_start3A_453] : memref<256x4112xf32, #tpu.memory_space<hbm>> -> memref<1x4112xf32, #tpu.memory_space<hbm>>
      %dma_start3A_455 = tpu.memref_squeeze %dma_start3A_454 : memref<1x4112xf32, #tpu.memory_space<hbm>> -> memref<4112xf32, #tpu.memory_space<hbm>>
      %dma_start3A_456 = arith.constant 0 : i32
      %dma_start3A_457 = tpu.memref_slice %arg4[%add3A_396, %dma_start3A_456] : memref<256x4112xf32, #tpu.memory_space<hbm>> -> memref<1x4112xf32, #tpu.memory_space<hbm>>
      %dma_start3A_458 = tpu.memref_squeeze %dma_start3A_457 : memref<1x4112xf32, #tpu.memory_space<hbm>> -> memref<4112xf32, #tpu.memory_space<hbm>>
      tpu.enqueue_dma source(%arg7 : memref<4112xf32, #tpu.memory_space<vmem>>) target(%dma_start3A_458 : memref<4112xf32, #tpu.memory_space<hbm>>) target_semaphore(%run_scoped3A : memref<!tpu.dma_semaphore, #tpu.memory_space<semaphore_mem>>)
      %dma_wait3A_459 = arith.constant 0 : i32
      %dma_wait3A_460 = tpu.memref_slice %arg4[%add3A_396, %dma_wait3A_459] : memref<256x4112xf32, #tpu.memory_space<hbm>> -> memref<1x4112xf32, #tpu.memory_space<hbm>>
      %dma_wait3A_461 = tpu.memref_squeeze %dma_wait3A_460 : memref<1x4112xf32, #tpu.memory_space<hbm>> -> memref<4112xf32, #tpu.memory_space<hbm>>
      %dma_wait3A_462 = arith.constant 0 : i32
      %dma_wait3A_463 = tpu.memref_slice %arg4[%add3A_396, %dma_wait3A_462] : memref<256x4112xf32, #tpu.memory_space<hbm>> -> memref<1x4112xf32, #tpu.memory_space<hbm>>
      %dma_wait3A_464 = tpu.memref_squeeze %dma_wait3A_463 : memref<1x4112xf32, #tpu.memory_space<hbm>> -> memref<4112xf32, #tpu.memory_space<hbm>>
      tpu.wait_dma2 semaphore(%run_scoped3A : memref<!tpu.dma_semaphore, #tpu.memory_space<semaphore_mem>>) src(%arg7 : memref<4112xf32, #tpu.memory_space<vmem>>) dst(%dma_wait3A_464 : memref<4112xf32, #tpu.memory_space<hbm>>)
      tpu.yield
    }) : () -> ()
    return
  }
}

module attributes {stable_mosaic.version = 14 : i64} {
  func.func @_stage_b_body(%arg0: i32, %arg1: memref<128x128xf32, #tpu.memory_space<vmem>>, %arg2: memref<128x128xf32, #tpu.memory_space<vmem>>, %arg3: memref<128x1xi32, #tpu.memory_space<vmem>>, %arg4: memref<128x128xf32, #tpu.memory_space<vmem>>, %arg5: memref<128x128xf32, #tpu.memory_space<vmem>>, %arg6: memref<4096x128xf32, #tpu.memory_space<vmem>>, %arg7: memref<4096x128xf32, #tpu.memory_space<vmem>>, %arg8: memref<256x4096xf32, #tpu.memory_space<vmem>>, %arg9: memref<4096x128xf32, #tpu.memory_space<vmem>>, %arg10: memref<4096x128xf32, #tpu.memory_space<vmem>>) attributes {dimension_semantics = [#tpu.dimension_semantics<arbitrary>], iteration_bounds = array<i64: 25>, scalar_prefetch = 0 : i64, scratch_operands = 0 : i64, tpu.core_type = #tpu.core_type<tc>, window_params = [{pipeline_mode = #tpu.pipeline_mode<synchronous>, transform_indices = @transform_0, window_bounds = array<i64: 128, 128>}, {pipeline_mode = #tpu.pipeline_mode<synchronous>, transform_indices = @transform_1, window_bounds = array<i64: 128, 128>}, {pipeline_mode = #tpu.pipeline_mode<synchronous>, transform_indices = @transform_2, window_bounds = array<i64: 128, 1>}, {pipeline_mode = #tpu.pipeline_mode<synchronous>, transform_indices = @transform_3, window_bounds = array<i64: 128, 128>}, {pipeline_mode = #tpu.pipeline_mode<synchronous>, transform_indices = @transform_4, window_bounds = array<i64: 128, 128>}, {transform_indices = @transform_5, window_bounds = array<i64: 4096, 128>}, {transform_indices = @transform_6, window_bounds = array<i64: 4096, 128>}, {transform_indices = @transform_7, window_bounds = array<i64: 256, 4096>}, {transform_indices = @transform_8, window_bounds = array<i64: 4096, 128>}, {transform_indices = @transform_9, window_bounds = array<i64: 4096, 128>}]} {
    %get3A = arith.constant 0 : index
    %get3A_0 = arith.constant 0 : index
    %get3A_1 = vector.load %arg1[%get3A, %get3A_0] : memref<128x128xf32, #tpu.memory_space<vmem>>, vector<128x128xf32>
    %get3A_2 = arith.constant 0 : index
    %get3A_3 = arith.constant 0 : index
    %get3A_4 = vector.load %arg2[%get3A_2, %get3A_3] : memref<128x128xf32, #tpu.memory_space<vmem>>, vector<128x128xf32>
    %get3A_5 = arith.constant 0 : index
    %get3A_6 = arith.constant 0 : index
    %get3A_7 = vector.load %arg4[%get3A_5, %get3A_6] : memref<128x128xf32, #tpu.memory_space<vmem>>, vector<128x128xf32>
    %mul3A = arith.constant 5.000000e-01 : f32
    %mul3A_8 = vector.broadcast %mul3A : f32 to vector<128x128xf32>
    %mul3A_9 = arith.mulf %get3A_7, %mul3A_8 : vector<128x128xf32>
    %mul3A_10 = arith.constant 5.000000e-01 : f32
    %mul3A_11 = vector.broadcast %mul3A_10 : f32 to vector<128x128xf32>
    %mul3A_12 = arith.mulf %get3A_1, %mul3A_11 : vector<128x128xf32>
    %add3A = arith.addf %mul3A_9, %mul3A_12 : vector<128x128xf32>
    %mul3A_13 = arith.mulf %add3A, %add3A : vector<128x128xf32>
    %reduce_sum3A = arith.constant dense<0.000000e+00> : vector<128xf32>
    %reduce_sum3A_14 = vector.multi_reduction <add>, %mul3A_13, %reduce_sum3A [1] : vector<128x128xf32> to vector<128xf32>
    %broadcast_in_dim3A = vector.shape_cast %reduce_sum3A_14 : vector<128xf32> to vector<128x1xf32>
    %sqrt3A = math.sqrt %broadcast_in_dim3A : vector<128x1xf32>
    %div3A = vector.broadcast %sqrt3A : vector<128x1xf32> to vector<128x128xf32>
    %div3A_15 = arith.divf %add3A, %div3A : vector<128x128xf32>
    %get3A_16 = arith.constant 0 : index
    %get3A_17 = arith.constant 0 : index
    %get3A_18 = vector.load %arg5[%get3A_16, %get3A_17] : memref<128x128xf32, #tpu.memory_space<vmem>>, vector<128x128xf32>
    %mul3A_19 = arith.constant 5.000000e-01 : f32
    %mul3A_20 = vector.broadcast %mul3A_19 : f32 to vector<128x128xf32>
    %mul3A_21 = arith.mulf %get3A_18, %mul3A_20 : vector<128x128xf32>
    %mul3A_22 = arith.constant 5.000000e-01 : f32
    %mul3A_23 = vector.broadcast %mul3A_22 : f32 to vector<128x128xf32>
    %mul3A_24 = arith.mulf %get3A_4, %mul3A_23 : vector<128x128xf32>
    %add3A_25 = arith.addf %mul3A_21, %mul3A_24 : vector<128x128xf32>
    %mul3A_26 = arith.mulf %add3A_25, %add3A_25 : vector<128x128xf32>
    %reduce_sum3A_27 = arith.constant dense<0.000000e+00> : vector<128xf32>
    %reduce_sum3A_28 = vector.multi_reduction <add>, %mul3A_26, %reduce_sum3A_27 [1] : vector<128x128xf32> to vector<128xf32>
    %broadcast_in_dim3A_29 = vector.shape_cast %reduce_sum3A_28 : vector<128xf32> to vector<128x1xf32>
    %sqrt3A_30 = math.sqrt %broadcast_in_dim3A_29 : vector<128x1xf32>
    %div3A_31 = vector.broadcast %sqrt3A_30 : vector<128x1xf32> to vector<128x128xf32>
    %div3A_32 = arith.divf %add3A_25, %div3A_31 : vector<128x128xf32>
    %get3A_33 = arith.constant 0 : index
    %get3A_34 = arith.constant 0 : index
    %get3A_35 = vector.load %arg7[%get3A_33, %get3A_34] : memref<4096x128xf32, #tpu.memory_space<vmem>>, vector<4096x128xf32>
    %convert_element_type3A = arith.truncf %get3A_1 : vector<128x128xf32> to vector<128x128xbf16>
    %convert_element_type3A_36 = arith.extf %convert_element_type3A : vector<128x128xbf16> to vector<128x128xf32>
    %sub3A = arith.subf %get3A_1, %convert_element_type3A_36 : vector<128x128xf32>
    %convert_element_type3A_37 = arith.truncf %get3A_35 : vector<4096x128xf32> to vector<4096x128xbf16>
    %convert_element_type3A_38 = arith.extf %convert_element_type3A_37 : vector<4096x128xbf16> to vector<4096x128xf32>
    %sub3A_39 = arith.subf %get3A_35, %convert_element_type3A_38 : vector<4096x128xf32>
    %dot_general3A = arith.constant dense<0.000000e+00> : vector<128x4096xf32>
    %dot_general3A_40 = tpu.matmul %convert_element_type3A_36, %convert_element_type3A_38, %dot_general3A {dimension_numbers = #tpu.dot_dimension_numbers<[1], [1], [0], [0], [0, 0, 1, 0], [], []>, transpose_lhs_hint = false} : vector<128x128xf32>, vector<4096x128xf32>, vector<128x4096xf32> -> vector<128x4096xf32>
    %dot_general3A_41 = arith.constant dense<0.000000e+00> : vector<128x4096xf32>
    %dot_general3A_42 = tpu.matmul %sub3A, %convert_element_type3A_38, %dot_general3A_41 {dimension_numbers = #tpu.dot_dimension_numbers<[1], [1], [0], [0], [0, 0, 1, 0], [], []>, transpose_lhs_hint = false} : vector<128x128xf32>, vector<4096x128xf32>, vector<128x4096xf32> -> vector<128x4096xf32>
    %add3A_43 = arith.addf %dot_general3A_40, %dot_general3A_42 : vector<128x4096xf32>
    %dot_general3A_44 = arith.constant dense<0.000000e+00> : vector<128x4096xf32>
    %dot_general3A_45 = tpu.matmul %convert_element_type3A_36, %sub3A_39, %dot_general3A_44 {dimension_numbers = #tpu.dot_dimension_numbers<[1], [1], [0], [0], [0, 0, 1, 0], [], []>, transpose_lhs_hint = false} : vector<128x128xf32>, vector<4096x128xf32>, vector<128x4096xf32> -> vector<128x4096xf32>
    %add3A_46 = arith.addf %add3A_43, %dot_general3A_45 : vector<128x4096xf32>
    %swap3A = arith.constant 0 : index
    %swap3A_47 = arith.constant 0 : index
    %swap3A_48 = vector.load %arg8[%swap3A, %swap3A_47] : memref<256x4096xf32, #tpu.memory_space<vmem>>, vector<128x4096xf32>
    tpu.vector_store %arg8[%swap3A, %swap3A_47], %add3A_46 {strides = array<i32>} : memref<256x4096xf32, #tpu.memory_space<vmem>>, vector<128x4096xf32>,
    %get3A_49 = arith.constant 0 : index
    %get3A_50 = arith.constant 0 : index
    %get3A_51 = vector.load %arg6[%get3A_49, %get3A_50] : memref<4096x128xf32, #tpu.memory_space<vmem>>, vector<4096x128xf32>
    %convert_element_type3A_52 = arith.truncf %get3A_4 : vector<128x128xf32> to vector<128x128xbf16>
    %convert_element_type3A_53 = arith.extf %convert_element_type3A_52 : vector<128x128xbf16> to vector<128x128xf32>
    %sub3A_54 = arith.subf %get3A_4, %convert_element_type3A_53 : vector<128x128xf32>
    %convert_element_type3A_55 = arith.truncf %get3A_51 : vector<4096x128xf32> to vector<4096x128xbf16>
    %convert_element_type3A_56 = arith.extf %convert_element_type3A_55 : vector<4096x128xbf16> to vector<4096x128xf32>
    %sub3A_57 = arith.subf %get3A_51, %convert_element_type3A_56 : vector<4096x128xf32>
    %dot_general3A_58 = arith.constant dense<0.000000e+00> : vector<128x4096xf32>
    %dot_general3A_59 = tpu.matmul %convert_element_type3A_53, %convert_element_type3A_56, %dot_general3A_58 {dimension_numbers = #tpu.dot_dimension_numbers<[1], [1], [0], [0], [0, 0, 1, 0], [], []>, transpose_lhs_hint = false} : vector<128x128xf32>, vector<4096x128xf32>, vector<128x4096xf32> -> vector<128x4096xf32>
    %dot_general3A_60 = arith.constant dense<0.000000e+00> : vector<128x4096xf32>
    %dot_general3A_61 = tpu.matmul %sub3A_54, %convert_element_type3A_56, %dot_general3A_60 {dimension_numbers = #tpu.dot_dimension_numbers<[1], [1], [0], [0], [0, 0, 1, 0], [], []>, transpose_lhs_hint = false} : vector<128x128xf32>, vector<4096x128xf32>, vector<128x4096xf32> -> vector<128x4096xf32>
    %add3A_62 = arith.addf %dot_general3A_59, %dot_general3A_61 : vector<128x4096xf32>
    %dot_general3A_63 = arith.constant dense<0.000000e+00> : vector<128x4096xf32>
    %dot_general3A_64 = tpu.matmul %convert_element_type3A_53, %sub3A_57, %dot_general3A_63 {dimension_numbers = #tpu.dot_dimension_numbers<[1], [1], [0], [0], [0, 0, 1, 0], [], []>, transpose_lhs_hint = false} : vector<128x128xf32>, vector<4096x128xf32>, vector<128x4096xf32> -> vector<128x4096xf32>
    %add3A_65 = arith.addf %add3A_62, %dot_general3A_64 : vector<128x4096xf32>
    %swap3A_66 = arith.constant 128 : index
    %swap3A_67 = arith.constant 0 : index
    %swap3A_68 = vector.load %arg8[%swap3A_66, %swap3A_67] : memref<256x4096xf32, #tpu.memory_space<vmem>>, vector<128x4096xf32>
    tpu.vector_store %arg8[%swap3A_66, %swap3A_67], %add3A_65 {strides = array<i32>} : memref<256x4096xf32, #tpu.memory_space<vmem>>, vector<128x4096xf32>,
    %get3A_69 = arith.constant 0 : index
    %get3A_70 = arith.constant 0 : index
    %get3A_71 = vector.load %arg3[%get3A_69, %get3A_70] : memref<128x1xi32, #tpu.memory_space<vmem>>, vector<128x1xi32>
    %reshape3A = vector.shape_cast %get3A_71 : vector<128x1xi32> to vector<1x128xi32>
    %eq3A = vector.broadcast %get3A_71 : vector<128x1xi32> to vector<128x128xi32>
    %eq3A_72 = vector.broadcast %reshape3A : vector<1x128xi32> to vector<128x128xi32>
    %eq3A_73 = arith.cmpi eq, %eq3A, %eq3A_72 : vector<128x128xi32>
    %iota3A = tpu.iota {dimensions = array<i32: 0>} : vector<128x128xi32>
    %iota3A_74 = tpu.iota {dimensions = array<i32: 1>} : vector<128x128xi32>
    %gt3A = arith.cmpi sgt, %iota3A_74, %iota3A : vector<128x128xi32>
    %and3A = arith.andi %eq3A_73, %gt3A : vector<128x128xi1>
    %jit3A = arith.constant 1 : i32
    %jit3A_75 = arith.constant 0 : i32
    %broadcast_in_dim3A_76 = vector.broadcast %jit3A : i32 to vector<128x128xi32>
    %broadcast_in_dim3A_77 = vector.broadcast %jit3A_75 : i32 to vector<128x128xi32>
    %select_n3A = arith.select %and3A, %broadcast_in_dim3A_76, %broadcast_in_dim3A_77 : vector<128x128xi1>, vector<128x128xi32>
    %reduce_sum3A_78 = arith.constant dense<0> : vector<128xi32>
    %reduce_sum3A_79 = vector.multi_reduction <add>, %select_n3A, %reduce_sum3A_78 [1] : vector<128x128xi32> to vector<128xi32>
    %broadcast_in_dim3A_80 = vector.shape_cast %reduce_sum3A_79 : vector<128xi32> to vector<128x1xi32>
    %eq3A_81 = arith.constant 0 : i32
    %eq3A_82 = vector.broadcast %eq3A_81 : i32 to vector<128x1xi32>
    %eq3A_83 = arith.cmpi eq, %broadcast_in_dim3A_80, %eq3A_82 : vector<128x1xi32>
    %mul3A_84 = arith.constant 4096 : i32
    %mul3A_85 = arith.muli %arg0, %mul3A_84 : i32
    %iota3A_86 = tpu.iota {dimensions = array<i32: 1>} : vector<1x4096xi32>
    %add3A_87 = vector.broadcast %mul3A_85 : i32 to vector<1x4096xi32>
    %add3A_88 = arith.addi %add3A_87, %iota3A_86 : vector<1x4096xi32>
    %eq3A_89 = vector.broadcast %get3A_71 : vector<128x1xi32> to vector<128x4096xi32>
    %eq3A_90 = vector.broadcast %add3A_88 : vector<1x4096xi32> to vector<128x4096xi32>
    %eq3A_91 = arith.cmpi eq, %eq3A_89, %eq3A_90 : vector<128x4096xi32>
    %and3A_92 = vector.broadcast %eq3A_83 : vector<128x1xi1> to vector<128x4096xi1>
    %and3A_93 = arith.andi %eq3A_91, %and3A_92 : vector<128x4096xi1>
    %jit3A_94 = arith.constant 1.000000e+00 : f32
    %jit3A_95 = arith.constant 0.000000e+00 : f32
    %broadcast_in_dim3A_96 = vector.broadcast %jit3A_94 : f32 to vector<128x4096xf32>
    %broadcast_in_dim3A_97 = vector.broadcast %jit3A_95 : f32 to vector<128x4096xf32>
    %select_n3A_98 = arith.select %and3A_93, %broadcast_in_dim3A_96, %broadcast_in_dim3A_97 : vector<128x4096xi1>, vector<128x4096xf32>
    %dot_general3A_99 = arith.constant dense<0.000000e+00> : vector<4096x128xf32>
    %dot_general3A_100 = tpu.matmul %select_n3A_98, %div3A_15, %dot_general3A_99 {dimension_numbers = #tpu.dot_dimension_numbers<[0], [0], [1], [1], [0, 1, 1, 1], [], []>, transpose_lhs_hint = false} : vector<128x4096xf32>, vector<128x128xf32>, vector<4096x128xf32> -> vector<4096x128xf32>
    %dot_general3A_101 = arith.constant dense<0.000000e+00> : vector<4096x128xf32>
    %dot_general3A_102 = tpu.matmul %select_n3A_98, %div3A_32, %dot_general3A_101 {dimension_numbers = #tpu.dot_dimension_numbers<[0], [0], [1], [1], [0, 1, 1, 1], [], []>, transpose_lhs_hint = false} : vector<128x4096xf32>, vector<128x128xf32>, vector<4096x128xf32> -> vector<4096x128xf32>
    %mul3A_103 = arith.constant 4096 : i32
    %mul3A_104 = arith.muli %arg0, %mul3A_103 : i32
    %iota3A_105 = tpu.iota {dimensions = array<i32: 0>} : vector<4096x1xi32>
    %add3A_106 = vector.broadcast %mul3A_104 : i32 to vector<4096x1xi32>
    %add3A_107 = arith.addi %add3A_106, %iota3A_105 : vector<4096x1xi32>
    %reshape3A_108 = vector.shape_cast %eq3A_83 : vector<128x1xi1> to vector<1x128xi1>
    %eq3A_109 = vector.broadcast %add3A_107 : vector<4096x1xi32> to vector<4096x128xi32>
    %eq3A_110 = vector.broadcast %reshape3A : vector<1x128xi32> to vector<4096x128xi32>
    %eq3A_111 = arith.cmpi eq, %eq3A_109, %eq3A_110 : vector<4096x128xi32>
    %and3A_112 = vector.broadcast %reshape3A_108 : vector<1x128xi1> to vector<4096x128xi1>
    %and3A_113 = arith.andi %eq3A_111, %and3A_112 : vector<4096x128xi1>
    %reduce_or3A = arith.constant 1.000000e+00 : f32
    %reduce_or3A_114 = arith.constant 0.000000e+00 : f32
    %reduce_or3A_115 = vector.broadcast %reduce_or3A : f32 to vector<4096x128xf32>
    %reduce_or3A_116 = vector.broadcast %reduce_or3A_114 : f32 to vector<4096x128xf32>
    %reduce_or3A_117 = arith.select %and3A_113, %reduce_or3A_115, %reduce_or3A_116 : vector<4096x128xi1>, vector<4096x128xf32>
    %reduce_or3A_118 = arith.constant dense<0xFF800000> : vector<4096xf32>
    %reduce_or3A_119 = vector.multi_reduction <maximumf>, %reduce_or3A_117, %reduce_or3A_118 [1] : vector<4096x128xf32> to vector<4096xf32>
    %reduce_or3A_120 = arith.constant 0.000000e+00 : f32
    %reduce_or3A_121 = vector.broadcast %reduce_or3A_120 : f32 to vector<4096xf32>
    %reduce_or3A_122 = arith.cmpf ogt, %reduce_or3A_119, %reduce_or3A_121 : vector<4096xf32>
    %broadcast_in_dim3A_123 = vector.shape_cast %reduce_or3A_122 : vector<4096xi1> to vector<4096x1xi1>
    %get3A_124 = arith.constant 0 : index
    %get3A_125 = arith.constant 0 : index
    %get3A_126 = vector.load %arg6[%get3A_124, %get3A_125] : memref<4096x128xf32, #tpu.memory_space<vmem>>, vector<4096x128xf32>
    %broadcast_in_dim3A_127 = vector.shape_cast %broadcast_in_dim3A_123 : vector<4096x1xi1> to vector<4096x1xi1>
    %broadcast_in_dim3A_128 = vector.broadcast %broadcast_in_dim3A_127 : vector<4096x1xi1> to vector<4096x128xi1>
    %select_n3A_129 = arith.select %broadcast_in_dim3A_128, %dot_general3A_100, %get3A_126 : vector<4096x128xi1>, vector<4096x128xf32>
    %swap3A_130 = arith.constant 0 : index
    %swap3A_131 = arith.constant 0 : index
    %swap3A_132 = vector.load %arg9[%swap3A_130, %swap3A_131] : memref<4096x128xf32, #tpu.memory_space<vmem>>, vector<4096x128xf32>
    tpu.vector_store %arg9[%swap3A_130, %swap3A_131], %select_n3A_129 {strides = array<i32>} : memref<4096x128xf32, #tpu.memory_space<vmem>>, vector<4096x128xf32>,
    %get3A_133 = arith.constant 0 : index
    %get3A_134 = arith.constant 0 : index
    %get3A_135 = vector.load %arg7[%get3A_133, %get3A_134] : memref<4096x128xf32, #tpu.memory_space<vmem>>, vector<4096x128xf32>
    %broadcast_in_dim3A_136 = vector.shape_cast %broadcast_in_dim3A_123 : vector<4096x1xi1> to vector<4096x1xi1>
    %broadcast_in_dim3A_137 = vector.broadcast %broadcast_in_dim3A_136 : vector<4096x1xi1> to vector<4096x128xi1>
    %select_n3A_138 = arith.select %broadcast_in_dim3A_137, %dot_general3A_102, %get3A_135 : vector<4096x128xi1>, vector<4096x128xf32>
    %swap3A_139 = arith.constant 0 : index
    %swap3A_140 = arith.constant 0 : index
    %swap3A_141 = vector.load %arg10[%swap3A_139, %swap3A_140] : memref<4096x128xf32, #tpu.memory_space<vmem>>, vector<4096x128xf32>
    tpu.vector_store %arg10[%swap3A_139, %swap3A_140], %select_n3A_138 {strides = array<i32>} : memref<4096x128xf32, #tpu.memory_space<vmem>>, vector<4096x128xf32>,
    return
  }
  func.func @transform_0(%arg0: i32) -> (i32, i32) {
    %c0_i32 = arith.constant 0 : i32
    %c0_i32_0 = arith.constant 0 : i32
    %c0_i32_1 = arith.constant 0 : i32
    return %c0_i32, %c0_i32_0 : i32, i32
  }
  func.func @transform_1(%arg0: i32) -> (i32, i32) {
    %c0_i32 = arith.constant 0 : i32
    %c0_i32_0 = arith.constant 0 : i32
    %c0_i32_1 = arith.constant 0 : i32
    return %c0_i32, %c0_i32_0 : i32, i32
  }
  func.func @transform_2(%arg0: i32) -> (i32, i32) {
    %c0_i32 = arith.constant 0 : i32
    %c0_i32_0 = arith.constant 0 : i32
    %c0_i32_1 = arith.constant 0 : i32
    return %c0_i32, %c0_i32_0 : i32, i32
  }
  func.func @transform_3(%arg0: i32) -> (i32, i32) {
    %c0_i32 = arith.constant 0 : i32
    %c0_i32_0 = arith.constant 0 : i32
    %c0_i32_1 = arith.constant 0 : i32
    return %c0_i32, %c0_i32_0 : i32, i32
  }
  func.func @transform_4(%arg0: i32) -> (i32, i32) {
    %c0_i32 = arith.constant 0 : i32
    %c0_i32_0 = arith.constant 0 : i32
    %c0_i32_1 = arith.constant 0 : i32
    return %c0_i32, %c0_i32_0 : i32, i32
  }
  func.func @transform_5(%arg0: i32) -> (i32, i32) {
    %c0_i32 = arith.constant 0 : i32
    %c0_i32_0 = arith.constant 0 : i32
    return %arg0, %c0_i32 : i32, i32
  }
  func.func @transform_6(%arg0: i32) -> (i32, i32) {
    %c0_i32 = arith.constant 0 : i32
    %c0_i32_0 = arith.constant 0 : i32
    return %arg0, %c0_i32 : i32, i32
  }
  func.func @transform_7(%arg0: i32) -> (i32, i32) {
    %c0_i32 = arith.constant 0 : i32
    %c0_i32_0 = arith.constant 0 : i32
    return %c0_i32, %arg0 : i32, i32
  }
  func.func @transform_8(%arg0: i32) -> (i32, i32) {
    %c0_i32 = arith.constant 0 : i32
    %c0_i32_0 = arith.constant 0 : i32
    return %arg0, %c0_i32 : i32, i32
  }
  func.func @transform_9(%arg0: i32) -> (i32, i32) {
    %c0_i32 = arith.constant 0 : i32
    %c0_i32_0 = arith.constant 0 : i32
    return %arg0, %c0_i32 : i32, i32
  }
}

module attributes {stable_mosaic.version = 14 : i64} {
  func.func @_stage_d_body(%arg0: memref<256x4112xf32, #tpu.memory_space<vmem>>, %arg1: memref<1x1xf32, #tpu.memory_space<vmem>>) attributes {dimension_semantics = [], scalar_prefetch = 0 : i64, scratch_operands = 0 : i64, tpu.core_type = #tpu.core_type<tc>} {
    %iota3A = tpu.iota {dimensions = array<i32: 1>} : vector<256x4112xi32>
    %iota3A_0 = tpu.iota {dimensions = array<i32: 0>} : vector<256x4112xi32>
    %lt3A = arith.constant 4097 : i32
    %lt3A_1 = vector.broadcast %lt3A : i32 to vector<256x4112xi32>
    %lt3A_2 = arith.cmpi slt, %iota3A, %lt3A_1 : vector<256x4112xi32>
    %eq3A = arith.constant 0 : i32
    %eq3A_3 = vector.broadcast %eq3A : i32 to vector<256x4112xi32>
    %eq3A_4 = arith.cmpi eq, %iota3A, %eq3A_3 : vector<256x4112xi32>
    %lt3A_5 = arith.constant 128 : i32
    %lt3A_6 = vector.broadcast %lt3A_5 : i32 to vector<256x4112xi32>
    %lt3A_7 = arith.cmpi slt, %iota3A_0, %lt3A_6 : vector<256x4112xi32>
    %get3A = arith.constant 0 : index
    %get3A_8 = arith.constant 0 : index
    %get3A_9 = vector.load %arg0[%get3A, %get3A_8] : memref<256x4112xf32, #tpu.memory_space<vmem>>, vector<256x4112xf32>
    %mul3A = arith.constant 14.2857141 : f32
    %mul3A_10 = vector.broadcast %mul3A : f32 to vector<256x4112xf32>
    %mul3A_11 = arith.mulf %get3A_9, %mul3A_10 : vector<256x4112xf32>
    %exp3A = math.exp %mul3A_11 : vector<256x4112xf32>
    %jit3A = arith.constant 0.000000e+00 : f32
    %broadcast_in_dim3A = vector.broadcast %jit3A : f32 to vector<256x4112xf32>
    %select_n3A = arith.select %lt3A_2, %exp3A, %broadcast_in_dim3A : vector<256x4112xi1>, vector<256x4112xf32>
    %jit3A_12 = arith.constant 0.000000e+00 : f32
    %broadcast_in_dim3A_13 = vector.broadcast %jit3A_12 : f32 to vector<256x4112xf32>
    %select_n3A_14 = arith.select %lt3A_7, %select_n3A, %broadcast_in_dim3A_13 : vector<256x4112xi1>, vector<256x4112xf32>
    %reduce_sum3A = vector.shape_cast %select_n3A_14 : vector<256x4112xf32> to vector<1x256x4112xf32>
    %reduce_sum3A_15 = arith.constant dense<0.000000e+00> : vector<1xf32>
    %reduce_sum3A_16 = vector.multi_reduction <add>, %reduce_sum3A, %reduce_sum3A_15 [1, 2] : vector<1x256x4112xf32> to vector<1xf32>
    %reduce_sum3A_17 = vector.shape_cast %reduce_sum3A_16 : vector<1xf32> to vector<1x1x1xf32>
    %reduce_sum3A_18 = vector.extract %reduce_sum3A_17[0, 0, 0] : f32 from vector<1x1x1xf32>
    %mul3A_19 = arith.constant 0.190688312 : f32
    %mul3A_20 = arith.mulf %reduce_sum3A_18, %mul3A_19 : f32
    %jit3A_21 = arith.constant 0.000000e+00 : f32
    %broadcast_in_dim3A_22 = vector.broadcast %jit3A_21 : f32 to vector<256x4112xf32>
    %select_n3A_23 = arith.select %lt3A_7, %broadcast_in_dim3A_22, %select_n3A : vector<256x4112xi1>, vector<256x4112xf32>
    %reduce_sum3A_24 = vector.shape_cast %select_n3A_23 : vector<256x4112xf32> to vector<1x256x4112xf32>
    %reduce_sum3A_25 = arith.constant dense<0.000000e+00> : vector<1xf32>
    %reduce_sum3A_26 = vector.multi_reduction <add>, %reduce_sum3A_24, %reduce_sum3A_25 [1, 2] : vector<1x256x4112xf32> to vector<1xf32>
    %reduce_sum3A_27 = vector.shape_cast %reduce_sum3A_26 : vector<1xf32> to vector<1x1x1xf32>
    %reduce_sum3A_28 = vector.extract %reduce_sum3A_27[0, 0, 0] : f32 from vector<1x1x1xf32>
    %mul3A_29 = arith.constant 0.190688312 : f32
    %mul3A_30 = arith.mulf %reduce_sum3A_28, %mul3A_29 : f32
    %broadcast_in_dim3A_31 = vector.broadcast %mul3A_20 : f32 to vector<256x4112xf32>
    %broadcast_in_dim3A_32 = vector.broadcast %mul3A_30 : f32 to vector<256x4112xf32>
    %select_n3A_33 = arith.select %lt3A_7, %broadcast_in_dim3A_31, %broadcast_in_dim3A_32 : vector<256x4112xi1>, vector<256x4112xf32>
    %div3A = arith.divf %select_n3A, %select_n3A_33 : vector<256x4112xf32>
    %add3A = arith.constant 4.096000e-02 : f32
    %add3A_34 = vector.broadcast %add3A : f32 to vector<256x4112xf32>
    %add3A_35 = arith.addf %div3A, %add3A_34 : vector<256x4112xf32>
    %add3A_36 = arith.constant 1.000000e-07 : f32
    %add3A_37 = vector.broadcast %add3A_36 : f32 to vector<256x4112xf32>
    %add3A_38 = arith.addf %add3A_35, %add3A_37 : vector<256x4112xf32>
    %div3A_39 = arith.divf %div3A, %add3A_38 : vector<256x4112xf32>
    %log3A = math.log %div3A_39 : vector<256x4112xf32>
    %add3A_40 = arith.constant 4.096000e-02 : f32
    %add3A_41 = vector.broadcast %add3A_40 : f32 to vector<256x4112xf32>
    %add3A_42 = arith.addf %div3A, %add3A_41 : vector<256x4112xf32>
    %add3A_43 = arith.constant 1.000000e-07 : f32
    %add3A_44 = vector.broadcast %add3A_43 : f32 to vector<256x4112xf32>
    %add3A_45 = arith.addf %add3A_42, %add3A_44 : vector<256x4112xf32>
    %div3A_46 = arith.constant 4.096000e-02 : f32
    %div3A_47 = vector.broadcast %div3A_46 : f32 to vector<256x4112xf32>
    %div3A_48 = arith.divf %div3A_47, %add3A_45 : vector<256x4112xf32>
    %log3A_49 = math.log %div3A_48 : vector<256x4112xf32>
    %jit3A_50 = arith.constant 0.000000e+00 : f32
    %broadcast_in_dim3A_51 = vector.broadcast %jit3A_50 : f32 to vector<256x4112xf32>
    %select_n3A_52 = arith.select %lt3A_2, %log3A_49, %broadcast_in_dim3A_51 : vector<256x4112xi1>, vector<256x4112xf32>
    %select_n3A_53 = arith.select %eq3A_4, %log3A, %select_n3A_52 : vector<256x4112xi1>, vector<256x4112xf32>
    %reduce_sum3A_54 = vector.shape_cast %select_n3A_53 : vector<256x4112xf32> to vector<1x256x4112xf32>
    %reduce_sum3A_55 = arith.constant dense<0.000000e+00> : vector<1xf32>
    %reduce_sum3A_56 = vector.multi_reduction <add>, %reduce_sum3A_54, %reduce_sum3A_55 [1, 2] : vector<1x256x4112xf32> to vector<1xf32>
    %reduce_sum3A_57 = vector.shape_cast %reduce_sum3A_56 : vector<1xf32> to vector<1x1x1xf32>
    %reduce_sum3A_58 = vector.extract %reduce_sum3A_57[0, 0, 0] : f32 from vector<1x1x1xf32>
    %neg3A = arith.constant 0.000000e+00 : f32
    %neg3A_59 = arith.subf %neg3A, %reduce_sum3A_58 : f32
    %div3A_60 = arith.constant 1.280000e+02 : f32
    %div3A_61 = arith.divf %neg3A_59, %div3A_60 : f32
    %reshape3A = vector.broadcast %div3A_61 : f32 to vector<1x1xf32>
    %swap3A = arith.constant 0 : index
    %swap3A_62 = arith.constant 0 : index
    %swap3A_63 = vector.load %arg1[%swap3A, %swap3A_62] : memref<1x1xf32, #tpu.memory_space<vmem>>, vector<1x1xf32>
    tpu.vector_store %arg1[%swap3A, %swap3A_62], %reshape3A {strides = array<i32>} : memref<1x1xf32, #tpu.memory_space<vmem>>, vector<1x1xf32>,
    return
  }
}

</mosaic_0001>

<sc_bundles>
// kernel: kernel.6.cloned.1.call-start
scs
__scs_entry_jumppad:
0x0: {  	(pc) =	sbr.rel $0x88, $3  }
0x1: {  	(tag) =	ssettag $0x0;
	lr =	simm.s32 $0x1  }
0x2: {  	[smem:$0x3F9B] =	sst lr;
	_ =	strace $0xD0000000  }
0x3: {  	_ = 	snop  }
0x4: {  	_ = 	snop  }
0x5: {  	_ = 	snop  }
0x6: {  	_ = 	snop  }
0x7: {  	_ = 	snop  }
__scs_overlays_trampoline_lowered:
0x8: {  	[smem:$0x3FAA] =	sst s0  }
0x9: {  	[smem:$0x3FAB] =	sst s1  }
0xa: {  	[smem:$0x3FAC] =	sst s2  }
0xb: {  	[smem:$0x3FAD] =	sst s3  }
0xc: {  	[smem:$0x3FAE] =	sst s4  }
0xd: {  	[smem:$0x3FAF] =	sst s5  }
0xe: {  	[smem:$0x3FB0] =	sst s6  }
0xf: {  	[smem:$0x3FB1] =	sst s7  }
0x10: {  	[smem:$0x3FB2] =	sst s8  }
0x11: {  	[smem:$0x3FB3] =	sst s9;
	s0 =	simm.s32 @!p0 $0x0  }
0x12: {  	s1 =	sld [smem:$0x3F99];
	s0 =	simm.s32 @p0 $0x1  }
0x13: {  	[smem:$0x3FB4] =	sst s0;
	s0 =	simm.s32 @!p1 $0x0  }
0x14: {  	s2 =	sld [smem:$0x3F98];
	s0 =	simm.s32 @p1 $0x1  }
0x15: {  	[smem:$0x3FB5] =	sst s0;
	s0 =	simm.s32 @!p2 $0x0  }
0x16: {  	s3 =	sld [smem:$0x3FDB];
	s0 =	simm.s32 @p2 $0x1  }
0x17: {  	s4 =	simm.s32 $0x1BF5;
	[smem:$0x3FB7] =	sst s0  }
0x18: {  	s0 =	sld [smem:$0x3F9A];
	_ =	swait.ge [sflag:s4], $0x0  }
0x19: {  	s7 =	sld [smem:$0x3F9B]  }
0x1a: {  	s8 =	sadd.s32 $0xFFFFE003, lr  }
0x1b: {  	s9 =	sadd.s32 $0xFFFFFEF7, lr;
	s5 =	simm.s32 $0xFFFFFFFF;
	p2 =	slt.u32 s8, $0xFFFFF086  }
0x1c: {  	p1 =	slt.u32 s9, $0xF7A;
	s5 =	simm.s32 @!p2 $0x0  }
0x1d: {  	s5 =	simm.s32 @p1 $0x1;
	p0 =	seq.s32 s7, s2  }
0x1e: {  	s7 =	smul.u32 @!p0 $0xF7A, s2;
	p2 =	seq.s32 @!p0 s5, $0x0  }
0x1f: {  	s9 =	smul.u32 $0xF7A, s1;
	s8 =	simm.s32 @!p0 $0x1BF5;
	p2 =	por !p2, p0  }
0x20: {  	[sflag:s8] =	ssyncset.s32 @!p0 $0xFFFFF086;
	s6 =	sadd.s32 @!p0 s3, s7;
	s7 =	simm.s32 @!p0 $0x108  }
0x21: {  	s3 =	sadd.s32 s3, s9;
	s6 =	sadd.s32 @!p0 $0x88, s6;
	s7 =	simm.s32 @p2 $0x1082  }
0x22: {  	[simem:s7], [sflag:s8] =	dma.local @!p0 [hbm:s6], $0xF7A  }
0x23: {  	s9 =	sor.u32 $0xD0000000, s2;
	s6 =	simm.s32 $0x108;
	_ =	swait.ge @!p0 [sflag:s8], $0x0  }
0x24: {  	s3 =	sadd.s32 $0x88, s3;
	s6 =	simm.s32 @!p1 $0x1082;
	[sflag:s4] =	ssyncset.s32 $0xFFFFF086  }
0x25: {  	[simem:s6], [sflag:s4] =	dma.local [hbm:s3], $0xF7A  }
0x26: {  	[smem:$0x3F9B] =	sst s1;
	(tag) =	ssettag s2;
	_ =	strace s9  }
0x27: {  	s1 =	sld [smem:$0x3FAB]  }
0x28: {  	s2 =	sld [smem:$0x3FAC]  }
0x29: {  	s4 =	sld [smem:$0x3FAE]  }
0x2a: {  	p0 =	seq.s32 s5, $0x0;
	s5 =	sld [smem:$0x3FAF]  }
0x2b: {  	s6 =	sld [smem:$0x3FB0]  }
0x2c: {  	s7 =	sld [smem:$0x3FB1]  }
0x2d: {  	s3 =	simm.s32 $0x108;
	s8 =	sld [smem:$0x3FB2]  }
0x2e: {  	s3 =	simm.s32 @!p0 $0x1082;
	s9 =	sld [smem:$0x3FB3]  }
0x2f: {  	lr =	sadd.s32 s0, s3;
	s0 =	sld [smem:$0x3FAA]  }
0x30: {  	s3 =	sld [smem:$0x3FAD]  }
0x31: {  	[smem:$0x3FB6] =	sst s10  }
0x32: {  	s10 =	sld [smem:$0x3FB4];
	_ =	sdelay $0x3  }
0x33: {  	p0 =	seq.s32 s10, $0x1;
	s10 =	sld [smem:$0x3FB6];
	_ =	sdelay $0x3  }
0x34: {  	[smem:$0x3FB6] =	sst s10  }
0x35: {  	s10 =	sld [smem:$0x3FB5];
	_ =	sdelay $0x3  }
0x36: {  	p1 =	seq.s32 s10, $0x1;
	s10 =	sld [smem:$0x3FB6];
	_ =	sdelay $0x3  }
0x37: {  	[smem:$0x3FB6] =	sst s10  }
0x38: {  	s10 =	sld [smem:$0x3FB7]  }
0x39: {  	_ = 	snop;
	(pc) =	sbr.ind lr, $3  }
0x3a: {  	_ = 	snop  }
0x3b: {  	_ = 	snop  }
0x3c: {  	p2 =	seq.s32 s10, $0x1;
	s10 =	sld [smem:$0x3FB6]  }
0x3d: {  	_ =	shalt  }
0x3e: {  	_ =	shalt  }
0x3f: {  	_ =	shalt  }
0x40: {  	_ =	shalt  }
0x41: {  	_ =	shalt  }
0x42: {  	_ =	shalt  }
0x43: {  	_ =	shalt  }
0x44: {  	_ =	shalt  }
0x45: {  	_ =	shalt  }
0x46: {  	_ =	shalt  }
0x47: {  	_ =	shalt  }
0x48: {  	_ =	shalt  }
0x49: {  	_ =	shalt  }
0x4a: {  	_ =	shalt  }
0x4b: {  	_ =	shalt  }
0x4c: {  	_ =	shalt  }
0x4d: {  	_ =	shalt  }
0x4e: {  	_ =	shalt  }
0x4f: {  	_ =	shalt  }
0x50: {  	_ =	shalt  }
0x51: {  	_ =	shalt  }
0x52: {  	_ =	shalt  }
0x53: {  	_ =	shalt  }
0x54: {  	_ =	shalt  }
0x55: {  	_ =	shalt  }
0x56: {  	_ =	shalt  }
0x57: {  	_ =	shalt  }
0x58: {  	_ =	shalt  }
0x59: {  	_ =	shalt  }
0x5a: {  	_ =	shalt  }
0x5b: {  	_ =	shalt  }
0x5c: {  	_ =	shalt  }
0x5d: {  	_ =	shalt  }
0x5e: {  	_ =	shalt  }
0x5f: {  	_ =	shalt  }
0x60: {  	_ =	shalt  }
0x61: {  	_ =	shalt  }
0x62: {  	_ =	shalt  }
0x63: {  	_ =	shalt  }
0x64: {  	_ =	shalt  }
0x65: {  	_ =	shalt  }
0x66: {  	_ =	shalt  }
0x67: {  	_ =	shalt  }
0x68: {  	_ =	shalt  }
0x69: {  	_ =	shalt  }
0x6a: {  	_ =	shalt  }
0x6b: {  	_ =	shalt  }
0x6c: {  	_ =	shalt  }
0x6d: {  	_ =	shalt  }
0x6e: {  	_ =	shalt  }
0x6f: {  	_ =	shalt  }
0x70: {  	_ =	shalt  }
0x71: {  	_ =	shalt  }
0x72: {  	_ =	shalt  }
0x73: {  	_ =	shalt  }
0x74: {  	_ =	shalt  }
0x75: {  	_ =	shalt  }
0x76: {  	_ =	shalt  }
0x77: {  	_ =	shalt  }
0x78: {  	_ =	shalt  }
0x79: {  	_ =	shalt  }
0x7a: {  	_ =	shalt  }
0x7b: {  	_ =	shalt  }
0x7c: {  	_ =	shalt  }
0x7d: {  	_ =	shalt  }
0x7e: {  	_ =	shalt  }
0x7f: {  	_ =	shalt  }
0x80: {  	_ =	shalt  }
0x81: {  	_ =	shalt  }
0x82: {  	_ =	shalt  }
0x83: {  	_ =	shalt  }
0x84: {  	_ =	shalt  }
0x85: {  	_ =	shalt  }
0x86: {  	_ =	shalt  }
0x87: {  	_ =	shalt  }
.Lfunc_end0:
.L_simem_size_0:
called_computation_lowered:
.L_overlay_start_0:
0x88: {  	s2 =	sld [smem:$0x3FD9]  }
0x89: {  	s3 =	sld [smem:$0x3FFE];
	_ =	sdelay $0x1  }
0x8a: {  	s1 =	srdreg.scid  }
0x8b: {  	s0 =	sand.u32 $0x1, s1  }
0x8c: {  	s15 =	sshll.u32 s0, $0xA;
	s2 =	sadd.s32 s3, s2  }
0x8d: {  	s2 =	sadd.s32 s2, s15  }
0x8e: {  	[smem:$0x3FC2] =	sst s2  }
0x8f: {  	_ = 	snop  }
0x90: {  	s2 =	sld [smem:$0x3FD0]  }
0x91: {  	s16 =	sld [smem:$0x3FC7]  }
0x92: {  	s4 =	sld [smem:$0x3FC5]  }
0x93: {  	s6 =	simm.s32 $0xA;
	s7 =	simm.s32 $0x10;
	s5 =	sld [smem:$0x3FC4]  }
0x94: {  	[smem:s7], [sflag:s6] =	dma.local [hbm:s2], $0x1  }
0x95: {  	_ =	swait.eq [sflag:s6], $0x1  }
0x96: {  	[sflag:s6] =	ssyncset.done $0x0  }
0x97: {  	s17 =	sld [smem:$0x11];
	[sflag:s6] =	ssyncadd.s32 $0xFFFFFFFF  }
0x98: {  	s18 =	sld [smem:$0x12];
	(tm) =	ssettm $0x1  }
0x99: {  	s19 =	sld [smem:$0x3FFB];
	_ =	sdelay $0x3  }
0x9a: {  	_ =	strace s19  }
0x9b: {  	s7 =	sld [smem:$0x3FFC];
	_ =	sdelay $0x3  }
0x9c: {  	_ =	strace s7  }
0x9d: {  	s7 =	sld [smem:$0x3FFD];
	_ =	sdelay $0x3  }
0x9e: {  	_ =	strace s7  }
0x9f: {  	_ =	strace $0x8FFFFFFF  }
0xa0: {  	s20 =	sld [smem:$0x3FDB];
	_ =	sdelay $0x1  }
0xa1: {  	s8 =	simm.s32 $_scs_section_size  }
0xa2: {  	s9 =	simm.s32 $_size__tile_overlayer_lowered;
	s10 =	simm.s32 $_tile_overlayer_lowered  }
0xa3: {  	s23 =	simm.s32 $0x1BFF;
	s22 =	sshll.u32 s10, $0x1;
	s7 =	sadd.s32 s8, s20  }
0xa4: {  	s11 =	simm.s32 $0x0;
	s21 =	sshll.u32 s9, $0x1;
	s9 =	sadd.s32 s22, s7  }
0xa5: {  	[timem:s11], [sflag:s23] =	dma.local [hbm:s9], s21  }
0xa6: {  	_ =	swait.ge [sflag:s23], s21  }
0xa7: {  	s8 =	ssub.s32 $0x0, s21;
	[sflag:s23] =	ssyncset.done $0x0  }
0xa8: {  	[sflag:s23] =	ssyncadd.s32 s8;
	_ =	sdelay $0x1  }
0xa9: {  	s24 =	simm.s32 $0x1B8B  }
0xaa: {  	_ =	swait.ge [sflag:s24], $0x1  }
0xab: {  	[sflag:s24] =	ssyncset.done $0x0  }
0xac: {  	s25 =	simm.s32 $0x1B8E;
	[sflag:s24] =	ssyncadd.s32 $0xFFFFFFFF  }
0xad: {  	s26 =	simm.s32 $execute0_lowered;
	[smem:$0x3FD2] =	sst s25  }
0xae: {  	s8 =	sshll.u32 s26, $0x1;
	_ =	strace $0x80000046;
	[dreg:$0x1] =	wrdreg $0xFFFFFFFF  }
0xaf: {  	s28 =	simm.s32 $_size_execute0_lowered;
	s7 =	sadd.s32 s7, s8;
	[dreg:$0x0] =	wrdreg $0x0  }
0xb0: {  	s8 =	sshll.u32 s28, $0x1;
	[dreg:$0x2] =	wrdreg s7  }
0xb1: {  	[dreg:$0x3] =	wrdreg s8  }
0xb2: {  	[dreg:$0x4] =	wrdreg $0xC0  }
0xb3: {  	_ =	task [dreg:s11], $0x5FFFF  }
0xb4: {  	[dreg:$0x1] =	wrdreg $0xFFFFFFFF  }
0xb5: {  	[dreg:$0x0] =	wrdreg $0x60  }
0xb6: {  	[dreg:$0x2] =	wrdreg s4  }
0xb7: {  	[dreg:$0x3] =	wrdreg s5  }
0xb8: {  	[dreg:$0x4] =	wrdreg s16  }
0xb9: {  	[dreg:$0x5] =	wrdreg s18  }
0xba: {  	[dreg:$0x6] =	wrdreg s17  }
0xbb: {  	[dreg:$0x7] =	wrdreg $0x9  }
0xbc: {  	_ =	task.clear_ibuf [dreg:s11], $0x8FFFF;
	_ =	strace $0x90000046  }
0xbd: {  	s29 =	simm.s32 $0x9;
	_ =	strace $0x80000048  }
0xbe: {  	_ =	swait.ge [sflag:s29], $0x1  }
0xbf: {  	[sflag:s29] =	ssyncadd.s32 $0xFFFFFFFF  }
0xc0: {  	_ =	strace $0x90000048  }
0xc1: {  	_ =	sfence  }
0xc2: {  	s30 =	sld [smem:$0x0];
	_ =	sdelay $0x2  }
0xc3: {  	s31 =	sshll.u32 s1, $0xD;
	s1 =	sshrl.u32 s1, $0x2  }
0xc4: {  	s3 =	sand.u32 $0x4000, s31;
	s1 =	sadd.s32 s1, s30  }
0xc5: {  	s0 =	sor.u32 s3, s0;
	s1 =	sshll.u32 s1, $0x11  }
0xc6: {  	s0 =	sor.u32 s1, s0  }
0xc7: {  	s0 =	sadd.s32 $0x8F2B, s0  }
0xc8: {  	[sflag:s0] =	ssyncadd.remote.s32 $0x1  }
0xc9: {  	_ =	sfence.sel $0xFFFF  }
0xca: {  	[dreg:$0x0] =	wrdreg $0xFFFFFFFF;
	(pc) =	sbr.abs _section_cstart, $3  }
0xcb: {  	[dreg:$0x1] =	wrdreg $0xFFFFFFFF  }
0xcc: {  	_ =	task.clear_ibuf [dreg:s11], $0x2FFFF;
	_ =	strace $0x9FFFFFFF  }
0xcd: {  	(tm) =	ssettm $0x7FFFFFFF  }
tec
execute0_lowered:
.L_overlay_start_1:
0x0: {  	(tag) =	ssettag $0x1  }
0x1: {  	s1 =	rddreg [dreg:$0x0]  }
0x2: {  	s2 =	rddreg [dreg:$0x1]  }
0x3: {  	s5 =	rddreg [dreg:$0x2]  }
0x4: {  	s3 =	srdreg.scid;
	s0 =	stileid.u32  }
0x5: {  	s10 =	rddreg [dreg:$0x3];
	s11 =	sand.u32 $0x1, s3;
	s30 =	sshll.u32 s0, $0x4  }
0x6: {  	s12 =	rddreg [dreg:$0x4];
	s6 =	sshll.u32 s11, $0x3;
	s7 =	sand.u32 $0x70, s30  }
0x7: {  	s4 =	simm.s32 $0x0;
	s3 =	rddreg [dreg:$0x5];
	s13 =	sor.u32 s6, s7  }
0x8: {  	[smem:$0x7FF] =	sst s4;
	s6 =	sshrl.u32 s13, $0x3  }
0x9: {  	_ =	strace $0x80000047;
	s6 =	sadd.s32 s5, s6;
	s5 =	simm.s32 $0x2  }
0xa: {  	[tilespmem:s4], [sflag:$0x2] =	stream.linear.gather [hbm4b:s6+s4], $0x8, $0x38;
	[tilespmem:$0x480] =	vst v63  }
0xb: {  	_ =	swait.ge [sflag:s5], $0x8  }
0xc: {  	s8 =	simm.s32 $0x80;
	[sflag:s5] =	ssyncset.done $0x0  }
0xd: {  	s9 =	simm.s32 $0x1;
	s7 =	simm.s32 $0x8;
	[sflag:s5] =	ssyncadd.s32 $0xFFFFFFF8  }
0xe: {  	[tilespmem:s8], [sflag:$0x1] =	stream.indirect.gather [hbm4b:s1+s7], $0x80, s4, s7, $0xb8;
	[tilespmem:$0x480] =	vst v63  }
0xf: {  	_ =	swait.ge [sflag:s9], $0x400  }
0x10: {  	s13 =	sshll.u32 s13, $0x4;
	[sflag:s9] =	ssyncset.done $0x0  }
0x11: {  	s11 =	ssub.s32 $0x2, s11;
	s10 =	sadd.s32 s10, s13;
	[sflag:s9] =	ssyncadd.s32 $0xFFFFFC00  }
0x12: {  	[hbm4b:s10+s4] =	stream.linear.scatter [tilespmem:s8], [sflag:$0x2], $0x400, $0x38;
	[tilespmem:$0x480] =	vst v63  }
0x13: {  	s14 =	sshrl.u32 s11, $0x1;
	_ =	swait.ge [sflag:s5], $0x400  }
0x14: {  	s14 =	ssub.s32 s11, s14;
	[sflag:s5] =	ssyncset.done $0x0  }
0x15: {  	s31 =	smax.u32 s14, $0x1;
	[sflag:s5] =	ssyncadd.s32 $0xFFFFFC00  }
0x16: {  	[tilespmem:s8], [sflag:$0x1] =	stream.indirect.gather [hbm4b:s2+s7], $0x80, s4, s7, $0xb8;
	[tilespmem:$0x480] =	vst v63  }
0x17: {  	p0 =	sne.s32 s31, $0x1;
	_ =	swait.ge [sflag:s9], $0x400  }
.Ltmp0:
0x18: {  	[sflag:s9] =	ssyncset.done $0x0;
	(pc) =	sbr.rel @!p0 .LBB2_2-.Ltmp0, $4  }
0x19: {  	s11 =	sadd.s32 s12, s13;
	[sflag:s9] =	ssyncadd.s32 $0xFFFFFC00  }
0x1a: {  	[hbm4b:s11+s4] =	stream.linear.scatter [tilespmem:s8], [sflag:$0x2], $0x400, $0x38;
	[tilespmem:$0x480] =	vst v63  }
0x1b: {  	_ =	swait.ge [sflag:s5], $0x400  }
0x1c: {  	s12 =	sadd.s32 $0xFFFFFFFF, s31;
	[sflag:s5] =	ssyncset.done $0x0  }
.LBB2_1:
0x1d: {  	p0 =	sne.s32 s12, $0x1;
	s12 =	sadd.s32 $0xFFFFFFFF, s12;
	[sflag:s5] =	ssyncadd.s32 $0xFFFFFC00  }
0x1e: {  	[tilespmem:s4], [sflag:$0x2] =	stream.linear.gather [hbm4b:s6+s4], $0x8, $0x38;
	[tilespmem:$0x480] =	vst v63  }
0x1f: {  	_ =	swait.ge [sflag:s5], $0x8  }
0x20: {  	[sflag:s5] =	ssyncset.done $0x0  }
0x21: {  	[sflag:s5] =	ssyncadd.s32 $0xFFFFFFF8  }
0x22: {  	[tilespmem:s8], [sflag:$0x1] =	stream.indirect.gather [hbm4b:s1+s7], $0x80, s4, s7, $0xb8;
	[tilespmem:$0x480] =	vst v63  }
0x23: {  	_ =	swait.ge [sflag:s9], $0x400  }
0x24: {  	[sflag:s9] =	ssyncset.done $0x0  }
0x25: {  	[sflag:s9] =	ssyncadd.s32 $0xFFFFFC00  }
0x26: {  	[hbm4b:s10+s4] =	stream.linear.scatter [tilespmem:s8], [sflag:$0x2], $0x400, $0x38;
	[tilespmem:$0x480] =	vst v63  }
0x27: {  	_ =	swait.ge [sflag:s5], $0x400  }
0x28: {  	[sflag:s5] =	ssyncset.done $0x0  }
0x29: {  	[sflag:s5] =	ssyncadd.s32 $0xFFFFFC00  }
0x2a: {  	[tilespmem:s8], [sflag:$0x1] =	stream.indirect.gather [hbm4b:s2+s7], $0x80, s4, s7, $0xb8;
	[tilespmem:$0x480] =	vst v63  }
0x2b: {  	_ =	swait.ge [sflag:s9], $0x400  }
.Ltmp1:
0x2c: {  	[sflag:s9] =	ssyncset.done $0x0;
	(pc) =	sbr.rel @p0 .LBB2_1-.Ltmp1, $4  }
0x2d: {  	[sflag:s9] =	ssyncadd.s32 $0xFFFFFC00  }
0x2e: {  	[hbm4b:s11+s4] =	stream.linear.scatter [tilespmem:s8], [sflag:$0x2], $0x400, $0x38;
	[tilespmem:$0x480] =	vst v63  }
0x2f: {  	_ =	swait.ge [sflag:s5], $0x400  }
0x30: {  	[sflag:s5] =	ssyncset.done $0x0  }
.LBB2_2:
0x31: {  	[sflag:s5] =	ssyncadd.s32 $0xFFFFFC00  }
0x32: {  	_ =	sfence.sel $0x180000  }
0x33: {  	[bflag:$0x0] =	sbarrier.arrive $0xFFFF  }
0x34: {  	p0 =	sne.s32 s0, $0x0;
	_ =	strace $0x90000047  }
0x35: {  	s0 =	sadd.s32 @!p0 $0x100000, s3;
	[bflag:$0x2] =	sbarrier.arrive $0xFFFF  }
0x36: {  	[sflag:s0] =	ssyncadd.tile.s32 @!p0 $0x1;
	_ =	shalt  }
.Lfunc_end2:
_tile_overlayer_lowered:
.L_overlay_start_2:
0x37: {  	(tag) =	ssettag $0x2  }
0x38: {  	s0 =	rddreg [dreg:$0x0];
	s2 =	stileid.u32  }
0x39: {  	s1 =	rddreg [dreg:$0x1];
	p0 =	sne.s32 s2, $0x0  }
0x3a: {  	s3 =	rddreg [dreg:$0x2];
	[bflag:$0x3] =	sbarrier.arrive $0xFFFF;
	s2 =	simm.s32 @!p0 $0x1C02  }
0x3b: {  	[timem:s3], [sflag:s2] =	dma.local @!p0 [hbm:s0], s1  }
0x3c: {  	s0 =	simm.s32 @!p0 $0x2  }
0x3d: {  	_ =	swait.ge @!p0 [sflag:s0], s1  }
0x3e: {  	s1 =	ssub.s32 @!p0 $0x0, s1;
	[sflag:s0] =	ssyncset.done @!p0 $0x0  }
0x3f: {  	[sflag:s0] =	ssyncadd.s32 @!p0 s1  }
0x40: {  	[bflag:$0x3] =	sbarrier.arrive $0xFFFF  }
0x41: {  	_ =	shalt  }

// kernel: kernel.9.cloned.1.call-start
scs
__scs_entry_jumppad:
0x0: {  	(pc) =	sbr.rel $0x88, $3  }
0x1: {  	(tag) =	ssettag $0x0;
	lr =	simm.s32 $0x1  }
0x2: {  	[smem:$0x3F9B] =	sst lr;
	_ =	strace $0xD0000000  }
0x3: {  	_ = 	snop  }
0x4: {  	_ = 	snop  }
0x5: {  	_ = 	snop  }
0x6: {  	_ = 	snop  }
0x7: {  	_ = 	snop  }
__scs_overlays_trampoline_lowered:
0x8: {  	[smem:$0x3FAA] =	sst s0  }
0x9: {  	[smem:$0x3FAB] =	sst s1  }
0xa: {  	[smem:$0x3FAC] =	sst s2  }
0xb: {  	[smem:$0x3FAD] =	sst s3  }
0xc: {  	[smem:$0x3FAE] =	sst s4  }
0xd: {  	[smem:$0x3FAF] =	sst s5  }
0xe: {  	[smem:$0x3FB0] =	sst s6  }
0xf: {  	[smem:$0x3FB1] =	sst s7  }
0x10: {  	[smem:$0x3FB2] =	sst s8  }
0x11: {  	[smem:$0x3FB3] =	sst s9;
	s0 =	simm.s32 @!p0 $0x0  }
0x12: {  	s1 =	sld [smem:$0x3F99];
	s0 =	simm.s32 @p0 $0x1  }
0x13: {  	[smem:$0x3FB4] =	sst s0;
	s0 =	simm.s32 @!p1 $0x0  }
0x14: {  	s2 =	sld [smem:$0x3F98];
	s0 =	simm.s32 @p1 $0x1  }
0x15: {  	[smem:$0x3FB5] =	sst s0;
	s0 =	simm.s32 @!p2 $0x0  }
0x16: {  	s3 =	sld [smem:$0x3FDB];
	s0 =	simm.s32 @p2 $0x1  }
0x17: {  	s4 =	simm.s32 $0x1BF5;
	[smem:$0x3FB7] =	sst s0  }
0x18: {  	s0 =	sld [smem:$0x3F9A];
	_ =	swait.ge [sflag:s4], $0x0  }
0x19: {  	s7 =	sld [smem:$0x3F9B]  }
0x1a: {  	s8 =	sadd.s32 $0xFFFFE003, lr  }
0x1b: {  	s9 =	sadd.s32 $0xFFFFFEF7, lr;
	s5 =	simm.s32 $0xFFFFFFFF;
	p2 =	slt.u32 s8, $0xFFFFF086  }
0x1c: {  	p1 =	slt.u32 s9, $0xF7A;
	s5 =	simm.s32 @!p2 $0x0  }
0x1d: {  	s5 =	simm.s32 @p1 $0x1;
	p0 =	seq.s32 s7, s2  }
0x1e: {  	s7 =	smul.u32 @!p0 $0xF7A, s2;
	p2 =	seq.s32 @!p0 s5, $0x0  }
0x1f: {  	s9 =	smul.u32 $0xF7A, s1;
	s8 =	simm.s32 @!p0 $0x1BF5;
	p2 =	por !p2, p0  }
0x20: {  	[sflag:s8] =	ssyncset.s32 @!p0 $0xFFFFF086;
	s6 =	sadd.s32 @!p0 s3, s7;
	s7 =	simm.s32 @!p0 $0x108  }
0x21: {  	s3 =	sadd.s32 s3, s9;
	s6 =	sadd.s32 @!p0 $0x88, s6;
	s7 =	simm.s32 @p2 $0x1082  }
0x22: {  	[simem:s7], [sflag:s8] =	dma.local @!p0 [hbm:s6], $0xF7A  }
0x23: {  	s9 =	sor.u32 $0xD0000000, s2;
	s6 =	simm.s32 $0x108;
	_ =	swait.ge @!p0 [sflag:s8], $0x0  }
0x24: {  	s3 =	sadd.s32 $0x88, s3;
	s6 =	simm.s32 @!p1 $0x1082;
	[sflag:s4] =	ssyncset.s32 $0xFFFFF086  }
0x25: {  	[simem:s6], [sflag:s4] =	dma.local [hbm:s3], $0xF7A  }
0x26: {  	[smem:$0x3F9B] =	sst s1;
	(tag) =	ssettag s2;
	_ =	strace s9  }
0x27: {  	s1 =	sld [smem:$0x3FAB]  }
0x28: {  	s2 =	sld [smem:$0x3FAC]  }
0x29: {  	s4 =	sld [smem:$0x3FAE]  }
0x2a: {  	p0 =	seq.s32 s5, $0x0;
	s5 =	sld [smem:$0x3FAF]  }
0x2b: {  	s6 =	sld [smem:$0x3FB0]  }
0x2c: {  	s7 =	sld [smem:$0x3FB1]  }
0x2d: {  	s3 =	simm.s32 $0x108;
	s8 =	sld [smem:$0x3FB2]  }
0x2e: {  	s3 =	simm.s32 @!p0 $0x1082;
	s9 =	sld [smem:$0x3FB3]  }
0x2f: {  	lr =	sadd.s32 s0, s3;
	s0 =	sld [smem:$0x3FAA]  }
0x30: {  	s3 =	sld [smem:$0x3FAD]  }
0x31: {  	[smem:$0x3FB6] =	sst s10  }
0x32: {  	s10 =	sld [smem:$0x3FB4];
	_ =	sdelay $0x3  }
0x33: {  	p0 =	seq.s32 s10, $0x1;
	s10 =	sld [smem:$0x3FB6];
	_ =	sdelay $0x3  }
0x34: {  	[smem:$0x3FB6] =	sst s10  }
0x35: {  	s10 =	sld [smem:$0x3FB5];
	_ =	sdelay $0x3  }
0x36: {  	p1 =	seq.s32 s10, $0x1;
	s10 =	sld [smem:$0x3FB6];
	_ =	sdelay $0x3  }
0x37: {  	[smem:$0x3FB6] =	sst s10  }
0x38: {  	s10 =	sld [smem:$0x3FB7]  }
0x39: {  	_ = 	snop;
	(pc) =	sbr.ind lr, $3  }
0x3a: {  	_ = 	snop  }
0x3b: {  	_ = 	snop  }
0x3c: {  	p2 =	seq.s32 s10, $0x1;
	s10 =	sld [smem:$0x3FB6]  }
0x3d: {  	_ =	shalt  }
0x3e: {  	_ =	shalt  }
0x3f: {  	_ =	shalt  }
0x40: {  	_ =	shalt  }
0x41: {  	_ =	shalt  }
0x42: {  	_ =	shalt  }
0x43: {  	_ =	shalt  }
0x44: {  	_ =	shalt  }
0x45: {  	_ =	shalt  }
0x46: {  	_ =	shalt  }
0x47: {  	_ =	shalt  }
0x48: {  	_ =	shalt  }
0x49: {  	_ =	shalt  }
0x4a: {  	_ =	shalt  }
0x4b: {  	_ =	shalt  }
0x4c: {  	_ =	shalt  }
0x4d: {  	_ =	shalt  }
0x4e: {  	_ =	shalt  }
0x4f: {  	_ =	shalt  }
0x50: {  	_ =	shalt  }
0x51: {  	_ =	shalt  }
0x52: {  	_ =	shalt  }
0x53: {  	_ =	shalt  }
0x54: {  	_ =	shalt  }
0x55: {  	_ =	shalt  }
0x56: {  	_ =	shalt  }
0x57: {  	_ =	shalt  }
0x58: {  	_ =	shalt  }
0x59: {  	_ =	shalt  }
0x5a: {  	_ =	shalt  }
0x5b: {  	_ =	shalt  }
0x5c: {  	_ =	shalt  }
0x5d: {  	_ =	shalt  }
0x5e: {  	_ =	shalt  }
0x5f: {  	_ =	shalt  }
0x60: {  	_ =	shalt  }
0x61: {  	_ =	shalt  }
0x62: {  	_ =	shalt  }
0x63: {  	_ =	shalt  }
0x64: {  	_ =	shalt  }
0x65: {  	_ =	shalt  }
0x66: {  	_ =	shalt  }
0x67: {  	_ =	shalt  }
0x68: {  	_ =	shalt  }
0x69: {  	_ =	shalt  }
0x6a: {  	_ =	shalt  }
0x6b: {  	_ =	shalt  }
0x6c: {  	_ =	shalt  }
0x6d: {  	_ =	shalt  }
0x6e: {  	_ =	shalt  }
0x6f: {  	_ =	shalt  }
0x70: {  	_ =	shalt  }
0x71: {  	_ =	shalt  }
0x72: {  	_ =	shalt  }
0x73: {  	_ =	shalt  }
0x74: {  	_ =	shalt  }
0x75: {  	_ =	shalt  }
0x76: {  	_ =	shalt  }
0x77: {  	_ =	shalt  }
0x78: {  	_ =	shalt  }
0x79: {  	_ =	shalt  }
0x7a: {  	_ =	shalt  }
0x7b: {  	_ =	shalt  }
0x7c: {  	_ =	shalt  }
0x7d: {  	_ =	shalt  }
0x7e: {  	_ =	shalt  }
0x7f: {  	_ =	shalt  }
0x80: {  	_ =	shalt  }
0x81: {  	_ =	shalt  }
0x82: {  	_ =	shalt  }
0x83: {  	_ =	shalt  }
0x84: {  	_ =	shalt  }
0x85: {  	_ =	shalt  }
0x86: {  	_ =	shalt  }
0x87: {  	_ =	shalt  }
.Lfunc_end0:
.L_simem_size_0:
called_computation.1_lowered:
.L_overlay_start_0:
0x88: {  	s2 =	sld [smem:$0x3FD9]  }
0x89: {  	s3 =	sld [smem:$0x3FFE];
	_ =	sdelay $0x1  }
0x8a: {  	s1 =	srdreg.scid  }
0x8b: {  	s0 =	sand.u32 $0x1, s1  }
0x8c: {  	s16 =	sshll.u32 s0, $0xA;
	s2 =	sadd.s32 s3, s2  }
0x8d: {  	s2 =	sadd.s32 s2, s16  }
0x8e: {  	[smem:$0x3FC2] =	sst s2  }
0x8f: {  	_ = 	snop  }
0x90: {  	(tm) =	ssettm $0x1  }
0x91: {  	s17 =	sld [smem:$0x3FFB];
	_ =	sdelay $0x3  }
0x92: {  	_ =	strace s17  }
0x93: {  	s2 =	sld [smem:$0x3FFC];
	_ =	sdelay $0x3  }
0x94: {  	_ =	strace s2  }
0x95: {  	s2 =	sld [smem:$0x3FFD];
	_ =	sdelay $0x3  }
0x96: {  	_ =	strace s2  }
0x97: {  	_ =	strace $0x8FFFFFFF  }
0x98: {  	s18 =	sld [smem:$0x3FDB];
	_ =	sdelay $0x1  }
0x99: {  	s19 =	simm.s32 $_scs_section_size  }
0x9a: {  	s4 =	simm.s32 $_size__tile_overlayer_lowered;
	s5 =	simm.s32 $_tile_overlayer_lowered  }
0x9b: {  	s22 =	simm.s32 $0x1BFF;
	s21 =	sshll.u32 s5, $0x1;
	s2 =	sadd.s32 s19, s18  }
0x9c: {  	s6 =	simm.s32 $0x0;
	s20 =	sshll.u32 s4, $0x1;
	s4 =	sadd.s32 s21, s2  }
0x9d: {  	[timem:s6], [sflag:s22] =	dma.local [hbm:s4], s20  }
0x9e: {  	_ =	swait.ge [sflag:s22], s20  }
0x9f: {  	s3 =	ssub.s32 $0x0, s20;
	[sflag:s22] =	ssyncset.done $0x0  }
0xa0: {  	[sflag:s22] =	ssyncadd.s32 s3;
	_ =	sdelay $0x1  }
0xa1: {  	s23 =	simm.s32 $0x1B8B  }
0xa2: {  	_ =	swait.ge [sflag:s23], $0x1  }
0xa3: {  	[sflag:s23] =	ssyncset.done $0x0  }
0xa4: {  	s25 =	simm.s32 $0x1B8E;
	s24 =	sld [smem:$0x3FFE];
	[sflag:s23] =	ssyncadd.s32 $0xFFFFFFFF  }
0xa5: {  	s26 =	simm.s32 $execute0_lowered;
	[smem:$0x3FD2] =	sst s25  }
0xa6: {  	s4 =	sshll.u32 s26, $0x1;
	_ =	strace $0x80000049;
	[dreg:$0x1] =	wrdreg $0xFFFFFFFF  }
0xa7: {  	s28 =	simm.s32 $_size_execute0_lowered;
	s2 =	sadd.s32 s2, s4;
	[dreg:$0x0] =	wrdreg $0x0  }
0xa8: {  	s4 =	sshll.u32 s28, $0x1;
	[dreg:$0x2] =	wrdreg s2  }
0xa9: {  	[dreg:$0x3] =	wrdreg s4  }
0xaa: {  	[dreg:$0x4] =	wrdreg $0xC0  }
0xab: {  	_ =	task [dreg:s6], $0x5FFFF  }
0xac: {  	[dreg:$0x1] =	wrdreg $0xFFFFFFFF  }
0xad: {  	[dreg:$0x0] =	wrdreg $0x60  }
0xae: {  	[dreg:$0x2] =	wrdreg s24  }
0xaf: {  	[dreg:$0x3] =	wrdreg $0x9  }
0xb0: {  	_ =	task.clear_ibuf [dreg:s6], $0x4FFFF;
	_ =	strace $0x90000049  }
0xb1: {  	s29 =	simm.s32 $0x9;
	_ =	strace $0x8000004B  }
0xb2: {  	_ =	swait.ge [sflag:s29], $0x1  }
0xb3: {  	[sflag:s29] =	ssyncadd.s32 $0xFFFFFFFF  }
0xb4: {  	_ =	strace $0x9000004B  }
0xb5: {  	_ =	sfence  }
0xb6: {  	s30 =	sld [smem:$0x0];
	_ =	sdelay $0x2  }
0xb7: {  	s31 =	sshll.u32 s1, $0xD;
	s1 =	sshrl.u32 s1, $0x2  }
0xb8: {  	s3 =	sand.u32 $0x4000, s31;
	s1 =	sadd.s32 s1, s30  }
0xb9: {  	s0 =	sor.u32 s3, s0;
	s1 =	sshll.u32 s1, $0x11  }
0xba: {  	s0 =	sor.u32 s1, s0  }
0xbb: {  	s0 =	sadd.s32 $0x8F2B, s0  }
0xbc: {  	[sflag:s0] =	ssyncadd.remote.s32 $0x1  }
0xbd: {  	_ =	sfence.sel $0xFFFF  }
0xbe: {  	[dreg:$0x0] =	wrdreg $0xFFFFFFFF;
	(pc) =	sbr.abs _section_cstart, $3  }
0xbf: {  	[dreg:$0x1] =	wrdreg $0xFFFFFFFF  }
0xc0: {  	_ =	task.clear_ibuf [dreg:s6], $0x2FFFF;
	_ =	strace $0x9FFFFFFF  }
0xc1: {  	(tm) =	ssettm $0x7FFFFFFF  }
tec
execute0_lowered:
.L_overlay_start_1:
0x0: {  	(tag) =	ssettag $0x1  }
0x1: {  	s0 =	srdreg.scid;
	s1 =	stileid.u32  }
0x2: {  	s3 =	rddreg [dreg:$0x0];
	s2 =	simm.s32 $0x0;
	s29 =	simm.s32 $0x80  }
0x3: {  	s30 =	simm.s32 $0x400;
	s0 =	sand.u32 $0x1, s0;
	s1 =	sshll.u32 s1, $0x1  }
0x4: {  	s31 =	simm.s32 $0x18700;
	[smem:$0x7FF] =	sst s2;
	s1 =	sor.u32 s0, s1  }
0x5: {  	_ =	strace $0x8000004A;
	s0 =	ssub.s32 $0x2, s0;
	s4 =	smul.u32 $0x18700, s1  }
0x6: {  	s5 =	sand.u32 $0xF, s1;
	s1 =	smul.u32 $0x1080, s1;
	s7 =	sshrl.u32 s0, $0x1  }
0x7: {  	s5 =	smul.u32 $0x1080, s5;
	s0 =	ssub.s32 s0, s7;
	s4 =	sadd.s32 s4, s3  }
0x8: {  	s1 =	sadd.s32 s1, s3;
	s28 =	smax.u32 s0, $0x1;
	s0 =	simm.s32 $0x1  }
0x9: {  	s6 =	sadd.s32 $0x12400, s4;
	s24 =	sadd.s32 $0x320400, s1;
	s25 =	sadd.s32 $0x12410, s4  }
0xa: {  	s5 =	sadd.s32 s5, s3;
	s8 =	sadd.s32 $0x320410, s1;
	s11 =	sadd.s32 $0x320420, s1  }
0xb: {  	s9 =	sadd.s32 $0x12420, s4;
	s12 =	sadd.s32 $0x12430, s4;
	s14 =	sadd.s32 $0x320430, s1  }
0xc: {  	s15 =	sadd.s32 $0x12440, s4;
	s17 =	sadd.s32 $0x12450, s4;
	s19 =	sadd.s32 $0x12460, s4  }
0xd: {  	s21 =	sadd.s32 $0x12470, s4;
	s3 =	simm.s32 $0x19780;
	[dreg:$0x2] =	wrdreg s6  }
0xe: {  	s4 =	simm.s32 $0x0;
	s23 =	sadd.s32 $0x1C00, s5;
	[dreg:$0x4] =	wrdreg s24  }
0xf: {  	[dreg:$0x5] =	wrdreg s25;
	s26 =	sadd.s32 $0x1C10, s5;
	s10 =	sadd.s32 $0x1C20, s5  }
0x10: {  	s13 =	sadd.s32 $0x1C30, s5;
	s16 =	sadd.s32 $0x1C40, s5;
	s18 =	sadd.s32 $0x1C50, s5  }
0x11: {  	s20 =	sadd.s32 $0x1C60, s5;
	s22 =	sadd.s32 $0x1C70, s5;
	[dreg:$0x3] =	wrdreg s23  }
0x12: {  	s24 =	sadd.s32 $0x320450, s1;
	s25 =	sadd.s32 $0x320460, s1;
	[dreg:$0x6] =	wrdreg s26  }
0x13: {  	s23 =	sadd.s32 $0x320440, s1;
	s26 =	sadd.s32 $0x320470, s1;
	s1 =	simm.s32 $0x2  }
.LBB2_1:
0x14: {  	s5 =	rddreg [dreg:$0x2]  }
0x15: {  	[tilespmem:s2], [sflag:$0x1] =	stream.strided.gather [hbm4b:s5+s29], $0x18700, s30, s29, $0x38;
	[tilespmem:$0x1A800] =	vst v63  }
0x16: {  	s7 =	rddreg [dreg:$0x3]  }
0x17: {  	[tilespmem:s31], [sflag:$0x2] =	stream.strided.gather [hbm4b:s7+s29], $0x1080, s30, s29, $0x38;
	[tilespmem:$0x1A800] =	vst v63  }
0x18: {  	_ =	swait.ge [sflag:s1], $0x1080  }
0x19: {  	[sflag:s1] =	ssyncset.done $0x0  }
0x1a: {  	[sflag:s1] =	ssyncadd.s32 $0xFFFFEF80  }
0x1b: {  	_ =	swait.ge [sflag:s0], $0x18700  }
0x1c: {  	s6 =	simm.s32 $0x19800;
	[sflag:s0] =	ssyncset.done $0x0  }
0x1d: {  	s5 =	simm.s32 $0xFFFFFFF0;
	s7 =	simm.s32 $0x18780;
	[sflag:s0] =	ssyncadd.s32 $0xFFFE7900  }
.LBB2_2:
0x1e: {  	v0 =	vld [tilespmem:s7+$0xFFFFFF80];
	_ =	sdelay $0x7  }
0x1f: {  	v0 =	vld.idx.msk [tilespmem:v0+s2+$0x0], $0xffff;
	_ =	sdelay $0x4  }
0x20: {  	[tilespmem:s6+$0xFFFFFF80] =	vst v0  }
0x21: {  	v0 =	vld [tilespmem:s7+$0xFFFFFF90];
	_ =	sdelay $0x7  }
0x22: {  	v0 =	vld.idx.msk [tilespmem:v0+s2+$0x0], $0xffff;
	_ =	sdelay $0x4  }
0x23: {  	[tilespmem:s6+$0xFFFFFF90] =	vst v0  }
0x24: {  	v0 =	vld [tilespmem:s7+$0xFFFFFFA0];
	_ =	sdelay $0x7  }
0x25: {  	v0 =	vld.idx.msk [tilespmem:v0+s2+$0x0], $0xffff;
	_ =	sdelay $0x4  }
0x26: {  	[tilespmem:s6+$0xFFFFFFA0] =	vst v0  }
0x27: {  	v0 =	vld [tilespmem:s7+$0xFFFFFFB0];
	_ =	sdelay $0x7  }
0x28: {  	v0 =	vld.idx.msk [tilespmem:v0+s2+$0x0], $0xffff;
	_ =	sdelay $0x4  }
0x29: {  	[tilespmem:s6+$0xFFFFFFB0] =	vst v0  }
0x2a: {  	v0 =	vld [tilespmem:s7+$0xFFFFFFC0];
	_ =	sdelay $0x7  }
0x2b: {  	v0 =	vld.idx.msk [tilespmem:v0+s2+$0x0], $0xffff;
	_ =	sdelay $0x4  }
0x2c: {  	[tilespmem:s6+$0xFFFFFFC0] =	vst v0  }
0x2d: {  	v0 =	vld [tilespmem:s7+$0xFFFFFFD0];
	_ =	sdelay $0x7  }
0x2e: {  	v0 =	vld.idx.msk [tilespmem:v0+s2+$0x0], $0xffff;
	_ =	sdelay $0x4  }
0x2f: {  	[tilespmem:s6+$0xFFFFFFD0] =	vst v0  }
0x30: {  	v0 =	vld [tilespmem:s7+$0xFFFFFFE0];
	_ =	sdelay $0x7  }
0x31: {  	v0 =	vld.idx.msk [tilespmem:v0+s2+$0x0], $0xffff;
	_ =	sdelay $0x4  }
0x32: {  	[tilespmem:s6+$0xFFFFFFE0] =	vst v0  }
0x33: {  	v0 =	vld [tilespmem:s7+$0xFFFFFFF0];
	_ =	sdelay $0x7  }
0x34: {  	v0 =	vld.idx.msk [tilespmem:v0+s2+$0x0], $0xffff;
	_ =	sdelay $0x4  }
0x35: {  	[tilespmem:s6+$0xFFFFFFF0] =	vst v0  }
0x36: {  	v0 =	vld [tilespmem:s7+$0x0];
	_ =	sdelay $0x7  }
0x37: {  	v0 =	vld.idx.msk [tilespmem:v0+s2+$0x0], $0xffff;
	_ =	sdelay $0x4  }
0x38: {  	[tilespmem:s6+$0x0] =	vst v0  }
0x39: {  	v0 =	vld [tilespmem:s7+$0x10];
	_ =	sdelay $0x7  }
0x3a: {  	v0 =	vld.idx.msk [tilespmem:v0+s2+$0x0], $0xffff;
	_ =	sdelay $0x4  }
0x3b: {  	[tilespmem:s6+$0x10] =	vst v0  }
0x3c: {  	v0 =	vld [tilespmem:s7+$0x20];
	_ =	sdelay $0x7  }
0x3d: {  	v0 =	vld.idx.msk [tilespmem:v0+s2+$0x0], $0xffff;
	_ =	sdelay $0x4  }
0x3e: {  	[tilespmem:s6+$0x20] =	vst v0  }
0x3f: {  	v0 =	vld [tilespmem:s7+$0x30];
	_ =	sdelay $0x7  }
0x40: {  	v0 =	vld.idx.msk [tilespmem:v0+s2+$0x0], $0xffff;
	_ =	sdelay $0x4  }
0x41: {  	[tilespmem:s6+$0x30] =	vst v0  }
0x42: {  	v0 =	vld [tilespmem:s7+$0x40];
	_ =	sdelay $0x7  }
0x43: {  	v0 =	vld.idx.msk [tilespmem:v0+s2+$0x0], $0xffff;
	_ =	sdelay $0x4  }
0x44: {  	[tilespmem:s6+$0x40] =	vst v0  }
0x45: {  	v0 =	vld [tilespmem:s7+$0x50];
	_ =	sdelay $0x7  }
0x46: {  	v0 =	vld.idx.msk [tilespmem:v0+s2+$0x0], $0xffff;
	_ =	sdelay $0x4  }
0x47: {  	[tilespmem:s6+$0x50] =	vst v0  }
0x48: {  	v0 =	vld [tilespmem:s7+$0x60];
	_ =	sdelay $0x7  }
0x49: {  	v0 =	vld.idx.msk [tilespmem:v0+s2+$0x0], $0xffff;
	_ =	sdelay $0x4  }
0x4a: {  	[tilespmem:s6+$0x60] =	vst v0  }
0x4b: {  	v0 =	vld [tilespmem:s7+$0x70];
	_ =	sdelay $0x6  }
0x4c: {  	s5 =	sadd.s32 $0x10, s5  }
0x4d: {  	p0 =	slt.u32 s5, $0xF0;
	v0 =	vld.idx.msk [tilespmem:v0+s2+$0x0], $0xffff  }
.Ltmp0:
0x4e: {  	_ = 	snop;
	(pc) =	sbr.rel @p0 .LBB2_2-.Ltmp0, $2  }
0x4f: {  	_ =	sdelay $0x2  }
0x50: {  	s7 =	sadd.s32 $0x100, s7;
	[tilespmem:s6+$0x70] =	vst v0;
	s6 =	sadd.s32 $0x100, s6  }
0x51: {  	v0 =	vld [tilespmem:$0x19700];
	_ =	sdelay $0x7  }
0x52: {  	v0 =	vld.idx.msk [tilespmem:v0+s2+$0x0], $0xffff;
	_ =	sdelay $0x4  }
0x53: {  	s5 =	rddreg [dreg:$0x4];
	[tilespmem:$0x1A780] =	vst v0  }
0x54: {  	[hbm4b:s5+s29] =	stream.strided.scatter [tilespmem:s3], [sflag:$0x2], $0x1080, s30, s29, $0x38;
	[tilespmem:$0x1A800] =	vst v63  }
0x55: {  	_ =	swait.ge [sflag:s1], $0x1080  }
0x56: {  	[sflag:s1] =	ssyncset.done $0x0  }
0x57: {  	s6 =	rddreg [dreg:$0x5];
	[sflag:s1] =	ssyncadd.s32 $0xFFFFEF80  }
0x58: {  	[tilespmem:s2], [sflag:$0x1] =	stream.strided.gather [hbm4b:s6+s29], $0x18700, s30, s29, $0x38;
	[tilespmem:$0x1A800] =	vst v63  }
0x59: {  	s7 =	rddreg [dreg:$0x6]  }
0x5a: {  	[tilespmem:s31], [sflag:$0x2] =	stream.strided.gather [hbm4b:s7+s29], $0x1080, s30, s29, $0x38;
	[tilespmem:$0x1A800] =	vst v63  }
0x5b: {  	_ =	swait.ge [sflag:s1], $0x1080  }
0x5c: {  	[sflag:s1] =	ssyncset.done $0x0  }
0x5d: {  	[sflag:s1] =	ssyncadd.s32 $0xFFFFEF80  }
0x5e: {  	_ =	swait.ge [sflag:s0], $0x18700  }
0x5f: {  	s5 =	simm.s32 $0xFFFFFFF0;
	[sflag:s0] =	ssyncset.done $0x0  }
0x60: {  	s6 =	simm.s32 $0x19800;
	s7 =	simm.s32 $0x18780;
	[sflag:s0] =	ssyncadd.s32 $0xFFFE7900  }
.LBB2_4:
0x61: {  	v0 =	vld [tilespmem:s7+$0xFFFFFF80];
	_ =	sdelay $0x7  }
0x62: {  	v0 =	vld.idx.msk [tilespmem:v0+s2+$0x0], $0xffff;
	_ =	sdelay $0x4  }
0x63: {  	[tilespmem:s6+$0xFFFFFF80] =	vst v0  }
0x64: {  	v0 =	vld [tilespmem:s7+$0xFFFFFF90];
	_ =	sdelay $0x7  }
0x65: {  	v0 =	vld.idx.msk [tilespmem:v0+s2+$0x0], $0xffff;
	_ =	sdelay $0x4  }
0x66: {  	[tilespmem:s6+$0xFFFFFF90] =	vst v0  }
0x67: {  	v0 =	vld [tilespmem:s7+$0xFFFFFFA0];
	_ =	sdelay $0x7  }
0x68: {  	v0 =	vld.idx.msk [tilespmem:v0+s2+$0x0], $0xffff;
	_ =	sdelay $0x4  }
0x69: {  	[tilespmem:s6+$0xFFFFFFA0] =	vst v0  }
0x6a: {  	v0 =	vld [tilespmem:s7+$0xFFFFFFB0];
	_ =	sdelay $0x7  }
0x6b: {  	v0 =	vld.idx.msk [tilespmem:v0+s2+$0x0], $0xffff;
	_ =	sdelay $0x4  }
0x6c: {  	[tilespmem:s6+$0xFFFFFFB0] =	vst v0  }
0x6d: {  	v0 =	vld [tilespmem:s7+$0xFFFFFFC0];
	_ =	sdelay $0x7  }
0x6e: {  	v0 =	vld.idx.msk [tilespmem:v0+s2+$0x0], $0xffff;
	_ =	sdelay $0x4  }
0x6f: {  	[tilespmem:s6+$0xFFFFFFC0] =	vst v0  }
0x70: {  	v0 =	vld [tilespmem:s7+$0xFFFFFFD0];
	_ =	sdelay $0x7  }
0x71: {  	v0 =	vld.idx.msk [tilespmem:v0+s2+$0x0], $0xffff;
	_ =	sdelay $0x4  }
0x72: {  	[tilespmem:s6+$0xFFFFFFD0] =	vst v0  }
0x73: {  	v0 =	vld [tilespmem:s7+$0xFFFFFFE0];
	_ =	sdelay $0x7  }
0x74: {  	v0 =	vld.idx.msk [tilespmem:v0+s2+$0x0], $0xffff;
	_ =	sdelay $0x4  }
0x75: {  	[tilespmem:s6+$0xFFFFFFE0] =	vst v0  }
0x76: {  	v0 =	vld [tilespmem:s7+$0xFFFFFFF0];
	_ =	sdelay $0x7  }
0x77: {  	v0 =	vld.idx.msk [tilespmem:v0+s2+$0x0], $0xffff;
	_ =	sdelay $0x4  }
0x78: {  	[tilespmem:s6+$0xFFFFFFF0] =	vst v0  }
0x79: {  	v0 =	vld [tilespmem:s7+$0x0];
	_ =	sdelay $0x7  }
0x7a: {  	v0 =	vld.idx.msk [tilespmem:v0+s2+$0x0], $0xffff;
	_ =	sdelay $0x4  }
0x7b: {  	[tilespmem:s6+$0x0] =	vst v0  }
0x7c: {  	v0 =	vld [tilespmem:s7+$0x10];
	_ =	sdelay $0x7  }
0x7d: {  	v0 =	vld.idx.msk [tilespmem:v0+s2+$0x0], $0xffff;
	_ =	sdelay $0x4  }
0x7e: {  	[tilespmem:s6+$0x10] =	vst v0  }
0x7f: {  	v0 =	vld [tilespmem:s7+$0x20];
	_ =	sdelay $0x7  }
0x80: {  	v0 =	vld.idx.msk [tilespmem:v0+s2+$0x0], $0xffff;
	_ =	sdelay $0x4  }
0x81: {  	[tilespmem:s6+$0x20] =	vst v0  }
0x82: {  	v0 =	vld [tilespmem:s7+$0x30];
	_ =	sdelay $0x7  }
0x83: {  	v0 =	vld.idx.msk [tilespmem:v0+s2+$0x0], $0xffff;
	_ =	sdelay $0x4  }
0x84: {  	[tilespmem:s6+$0x30] =	vst v0  }
0x85: {  	v0 =	vld [tilespmem:s7+$0x40];
	_ =	sdelay $0x7  }
0x86: {  	v0 =	vld.idx.msk [tilespmem:v0+s2+$0x0], $0xffff;
	_ =	sdelay $0x4  }
0x87: {  	[tilespmem:s6+$0x40] =	vst v0  }
0x88: {  	v0 =	vld [tilespmem:s7+$0x50];
	_ =	sdelay $0x7  }
0x89: {  	v0 =	vld.idx.msk [tilespmem:v0+s2+$0x0], $0xffff;
	_ =	sdelay $0x4  }
0x8a: {  	[tilespmem:s6+$0x50] =	vst v0  }
0x8b: {  	v0 =	vld [tilespmem:s7+$0x60];
	_ =	sdelay $0x7  }
0x8c: {  	v0 =	vld.idx.msk [tilespmem:v0+s2+$0x0], $0xffff;
	_ =	sdelay $0x4  }
0x8d: {  	[tilespmem:s6+$0x60] =	vst v0  }
0x8e: {  	v0 =	vld [tilespmem:s7+$0x70];
	_ =	sdelay $0x6  }
0x8f: {  	s5 =	sadd.s32 $0x10, s5  }
0x90: {  	p0 =	slt.u32 s5, $0xF0;
	v0 =	vld.idx.msk [tilespmem:v0+s2+$0x0], $0xffff  }
.Ltmp1:
0x91: {  	_ = 	snop;
	(pc) =	sbr.rel @p0 .LBB2_4-.Ltmp1, $2  }
0x92: {  	_ =	sdelay $0x2  }
0x93: {  	s7 =	sadd.s32 $0x100, s7;
	[tilespmem:s6+$0x70] =	vst v0;
	s6 =	sadd.s32 $0x100, s6  }
0x94: {  	v0 =	vld [tilespmem:$0x19700];
	_ =	sdelay $0x7  }
0x95: {  	v0 =	vld.idx.msk [tilespmem:v0+s2+$0x0], $0xffff;
	_ =	sdelay $0x4  }
0x96: {  	[tilespmem:$0x1A780] =	vst v0  }
0x97: {  	[hbm4b:s8+s29] =	stream.strided.scatter [tilespmem:s3], [sflag:$0x2], $0x1080, s30, s29, $0x38;
	[tilespmem:$0x1A800] =	vst v63  }
0x98: {  	_ =	swait.ge [sflag:s1], $0x1080  }
0x99: {  	[sflag:s1] =	ssyncset.done $0x0  }
0x9a: {  	[sflag:s1] =	ssyncadd.s32 $0xFFFFEF80  }
0x9b: {  	[tilespmem:s2], [sflag:$0x1] =	stream.strided.gather [hbm4b:s9+s29], $0x18700, s30, s29, $0x38;
	[tilespmem:$0x1A800] =	vst v63  }
0x9c: {  	_ = 	snop  }
0x9d: {  	[tilespmem:s31], [sflag:$0x2] =	stream.strided.gather [hbm4b:s10+s29], $0x1080, s30, s29, $0x38;
	[tilespmem:$0x1A800] =	vst v63  }
0x9e: {  	_ =	swait.ge [sflag:s1], $0x1080  }
0x9f: {  	[sflag:s1] =	ssyncset.done $0x0  }
0xa0: {  	[sflag:s1] =	ssyncadd.s32 $0xFFFFEF80  }
0xa1: {  	_ =	swait.ge [sflag:s0], $0x18700  }
0xa2: {  	s5 =	simm.s32 $0xFFFFFFF0;
	[sflag:s0] =	ssyncset.done $0x0  }
0xa3: {  	s6 =	simm.s32 $0x19800;
	s7 =	simm.s32 $0x18780;
	[sflag:s0] =	ssyncadd.s32 $0xFFFE7900  }
.LBB2_6:
0xa4: {  	v0 =	vld [tilespmem:s7+$0xFFFFFF80];
	_ =	sdelay $0x7  }
0xa5: {  	v0 =	vld.idx.msk [tilespmem:v0+s2+$0x0], $0xffff;
	_ =	sdelay $0x4  }
0xa6: {  	[tilespmem:s6+$0xFFFFFF80] =	vst v0  }
0xa7: {  	v0 =	vld [tilespmem:s7+$0xFFFFFF90];
	_ =	sdelay $0x7  }
0xa8: {  	v0 =	vld.idx.msk [tilespmem:v0+s2+$0x0], $0xffff;
	_ =	sdelay $0x4  }
0xa9: {  	[tilespmem:s6+$0xFFFFFF90] =	vst v0  }
0xaa: {  	v0 =	vld [tilespmem:s7+$0xFFFFFFA0];
	_ =	sdelay $0x7  }
0xab: {  	v0 =	vld.idx.msk [tilespmem:v0+s2+$0x0], $0xffff;
	_ =	sdelay $0x4  }
0xac: {  	[tilespmem:s6+$0xFFFFFFA0] =	vst v0  }
0xad: {  	v0 =	vld [tilespmem:s7+$0xFFFFFFB0];
	_ =	sdelay $0x7  }
0xae: {  	v0 =	vld.idx.msk [tilespmem:v0+s2+$0x0], $0xffff;
	_ =	sdelay $0x4  }
0xaf: {  	[tilespmem:s6+$0xFFFFFFB0] =	vst v0  }
0xb0: {  	v0 =	vld [tilespmem:s7+$0xFFFFFFC0];
	_ =	sdelay $0x7  }
0xb1: {  	v0 =	vld.idx.msk [tilespmem:v0+s2+$0x0], $0xffff;
	_ =	sdelay $0x4  }
0xb2: {  	[tilespmem:s6+$0xFFFFFFC0] =	vst v0  }
0xb3: {  	v0 =	vld [tilespmem:s7+$0xFFFFFFD0];
	_ =	sdelay $0x7  }
0xb4: {  	v0 =	vld.idx.msk [tilespmem:v0+s2+$0x0], $0xffff;
	_ =	sdelay $0x4  }
0xb5: {  	[tilespmem:s6+$0xFFFFFFD0] =	vst v0  }
0xb6: {  	v0 =	vld [tilespmem:s7+$0xFFFFFFE0];
	_ =	sdelay $0x7  }
0xb7: {  	v0 =	vld.idx.msk [tilespmem:v0+s2+$0x0], $0xffff;
	_ =	sdelay $0x4  }
0xb8: {  	[tilespmem:s6+$0xFFFFFFE0] =	vst v0  }
0xb9: {  	v0 =	vld [tilespmem:s7+$0xFFFFFFF0];
	_ =	sdelay $0x7  }
0xba: {  	v0 =	vld.idx.msk [tilespmem:v0+s2+$0x0], $0xffff;
	_ =	sdelay $0x4  }
0xbb: {  	[tilespmem:s6+$0xFFFFFFF0] =	vst v0  }
0xbc: {  	v0 =	vld [tilespmem:s7+$0x0];
	_ =	sdelay $0x7  }
0xbd: {  	v0 =	vld.idx.msk [tilespmem:v0+s2+$0x0], $0xffff;
	_ =	sdelay $0x4  }
0xbe: {  	[tilespmem:s6+$0x0] =	vst v0  }
0xbf: {  	v0 =	vld [tilespmem:s7+$0x10];
	_ =	sdelay $0x7  }
0xc0: {  	v0 =	vld.idx.msk [tilespmem:v0+s2+$0x0], $0xffff;
	_ =	sdelay $0x4  }
0xc1: {  	[tilespmem:s6+$0x10] =	vst v0  }
0xc2: {  	v0 =	vld [tilespmem:s7+$0x20];
	_ =	sdelay $0x7  }
0xc3: {  	v0 =	vld.idx.msk [tilespmem:v0+s2+$0x0], $0xffff;
	_ =	sdelay $0x4  }
0xc4: {  	[tilespmem:s6+$0x20] =	vst v0  }
0xc5: {  	v0 =	vld [tilespmem:s7+$0x30];
	_ =	sdelay $0x7  }
0xc6: {  	v0 =	vld.idx.msk [tilespmem:v0+s2+$0x0], $0xffff;
	_ =	sdelay $0x4  }
0xc7: {  	[tilespmem:s6+$0x30] =	vst v0  }
0xc8: {  	v0 =	vld [tilespmem:s7+$0x40];
	_ =	sdelay $0x7  }
0xc9: {  	v0 =	vld.idx.msk [tilespmem:v0+s2+$0x0], $0xffff;
	_ =	sdelay $0x4  }
0xca: {  	[tilespmem:s6+$0x40] =	vst v0  }
0xcb: {  	v0 =	vld [tilespmem:s7+$0x50];
	_ =	sdelay $0x7  }
0xcc: {  	v0 =	vld.idx.msk [tilespmem:v0+s2+$0x0], $0xffff;
	_ =	sdelay $0x4  }
0xcd: {  	[tilespmem:s6+$0x50] =	vst v0  }
0xce: {  	v0 =	vld [tilespmem:s7+$0x60];
	_ =	sdelay $0x7  }
0xcf: {  	v0 =	vld.idx.msk [tilespmem:v0+s2+$0x0], $0xffff;
	_ =	sdelay $0x4  }
0xd0: {  	[tilespmem:s6+$0x60] =	vst v0  }
0xd1: {  	v0 =	vld [tilespmem:s7+$0x70];
	_ =	sdelay $0x6  }
0xd2: {  	s5 =	sadd.s32 $0x10, s5  }
0xd3: {  	p0 =	slt.u32 s5, $0xF0;
	v0 =	vld.idx.msk [tilespmem:v0+s2+$0x0], $0xffff  }
.Ltmp2:
0xd4: {  	_ = 	snop;
	(pc) =	sbr.rel @p0 .LBB2_6-.Ltmp2, $2  }
0xd5: {  	_ =	sdelay $0x2  }
0xd6: {  	s7 =	sadd.s32 $0x100, s7;
	[tilespmem:s6+$0x70] =	vst v0;
	s6 =	sadd.s32 $0x100, s6  }
0xd7: {  	v0 =	vld [tilespmem:$0x19700];
	_ =	sdelay $0x7  }
0xd8: {  	v0 =	vld.idx.msk [tilespmem:v0+s2+$0x0], $0xffff;
	_ =	sdelay $0x4  }
0xd9: {  	[tilespmem:$0x1A780] =	vst v0  }
0xda: {  	[hbm4b:s11+s29] =	stream.strided.scatter [tilespmem:s3], [sflag:$0x2], $0x1080, s30, s29, $0x38;
	[tilespmem:$0x1A800] =	vst v63  }
0xdb: {  	_ =	swait.ge [sflag:s1], $0x1080  }
0xdc: {  	[sflag:s1] =	ssyncset.done $0x0  }
0xdd: {  	[sflag:s1] =	ssyncadd.s32 $0xFFFFEF80  }
0xde: {  	[tilespmem:s2], [sflag:$0x1] =	stream.strided.gather [hbm4b:s12+s29], $0x18700, s30, s29, $0x38;
	[tilespmem:$0x1A800] =	vst v63  }
0xdf: {  	_ = 	snop  }
0xe0: {  	[tilespmem:s31], [sflag:$0x2] =	stream.strided.gather [hbm4b:s13+s29], $0x1080, s30, s29, $0x38;
	[tilespmem:$0x1A800] =	vst v63  }
0xe1: {  	_ =	swait.ge [sflag:s1], $0x1080  }
0xe2: {  	[sflag:s1] =	ssyncset.done $0x0  }
0xe3: {  	[sflag:s1] =	ssyncadd.s32 $0xFFFFEF80  }
0xe4: {  	_ =	swait.ge [sflag:s0], $0x18700  }
0xe5: {  	s5 =	simm.s32 $0xFFFFFFF0;
	[sflag:s0] =	ssyncset.done $0x0  }
0xe6: {  	s6 =	simm.s32 $0x19800;
	s7 =	simm.s32 $0x18780;
	[sflag:s0] =	ssyncadd.s32 $0xFFFE7900  }
.LBB2_8:
0xe7: {  	v0 =	vld [tilespmem:s7+$0xFFFFFF80];
	_ =	sdelay $0x7  }
0xe8: {  	v0 =	vld.idx.msk [tilespmem:v0+s2+$0x0], $0xffff;
	_ =	sdelay $0x4  }
0xe9: {  	[tilespmem:s6+$0xFFFFFF80] =	vst v0  }
0xea: {  	v0 =	vld [tilespmem:s7+$0xFFFFFF90];
	_ =	sdelay $0x7  }
0xeb: {  	v0 =	vld.idx.msk [tilespmem:v0+s2+$0x0], $0xffff;
	_ =	sdelay $0x4  }
0xec: {  	[tilespmem:s6+$0xFFFFFF90] =	vst v0  }
0xed: {  	v0 =	vld [tilespmem:s7+$0xFFFFFFA0];
	_ =	sdelay $0x7  }
0xee: {  	v0 =	vld.idx.msk [tilespmem:v0+s2+$0x0], $0xffff;
	_ =	sdelay $0x4  }
0xef: {  	[tilespmem:s6+$0xFFFFFFA0] =	vst v0  }
0xf0: {  	v0 =	vld [tilespmem:s7+$0xFFFFFFB0];
	_ =	sdelay $0x7  }
0xf1: {  	v0 =	vld.idx.msk [tilespmem:v0+s2+$0x0], $0xffff;
	_ =	sdelay $0x4  }
0xf2: {  	[tilespmem:s6+$0xFFFFFFB0] =	vst v0  }
0xf3: {  	v0 =	vld [tilespmem:s7+$0xFFFFFFC0];
	_ =	sdelay $0x7  }
0xf4: {  	v0 =	vld.idx.msk [tilespmem:v0+s2+$0x0], $0xffff;
	_ =	sdelay $0x4  }
0xf5: {  	[tilespmem:s6+$0xFFFFFFC0] =	vst v0  }
0xf6: {  	v0 =	vld [tilespmem:s7+$0xFFFFFFD0];
	_ =	sdelay $0x7  }
0xf7: {  	v0 =	vld.idx.msk [tilespmem:v0+s2+$0x0], $0xffff;
	_ =	sdelay $0x4  }
0xf8: {  	[tilespmem:s6+$0xFFFFFFD0] =	vst v0  }
0xf9: {  	v0 =	vld [tilespmem:s7+$0xFFFFFFE0];
	_ =	sdelay $0x7  }
0xfa: {  	v0 =	vld.idx.msk [tilespmem:v0+s2+$0x0], $0xffff;
	_ =	sdelay $0x4  }
0xfb: {  	[tilespmem:s6+$0xFFFFFFE0] =	vst v0  }
0xfc: {  	v0 =	vld [tilespmem:s7+$0xFFFFFFF0];
	_ =	sdelay $0x7  }
0xfd: {  	v0 =	vld.idx.msk [tilespmem:v0+s2+$0x0], $0xffff;
	_ =	sdelay $0x4  }
0xfe: {  	[tilespmem:s6+$0xFFFFFFF0] =	vst v0  }
0xff: {  	v0 =	vld [tilespmem:s7+$0x0];
	_ =	sdelay $0x7  }
0x100: {  	v0 =	vld.idx.msk [tilespmem:v0+s2+$0x0], $0xffff;
	_ =	sdelay $0x4  }
0x101: {  	[tilespmem:s6+$0x0] =	vst v0  }
0x102: {  	v0 =	vld [tilespmem:s7+$0x10];
	_ =	sdelay $0x7  }
0x103: {  	v0 =	vld.idx.msk [tilespmem:v0+s2+$0x0], $0xffff;
	_ =	sdelay $0x4  }
0x104: {  	[tilespmem:s6+$0x10] =	vst v0  }
0x105: {  	v0 =	vld [tilespmem:s7+$0x20];
	_ =	sdelay $0x7  }
0x106: {  	v0 =	vld.idx.msk [tilespmem:v0+s2+$0x0], $0xffff;
	_ =	sdelay $0x4  }
0x107: {  	[tilespmem:s6+$0x20] =	vst v0  }
0x108: {  	v0 =	vld [tilespmem:s7+$0x30];
	_ =	sdelay $0x7  }
0x109: {  	v0 =	vld.idx.msk [tilespmem:v0+s2+$0x0], $0xffff;
	_ =	sdelay $0x4  }
0x10a: {  	[tilespmem:s6+$0x30] =	vst v0  }
0x10b: {  	v0 =	vld [tilespmem:s7+$0x40];
	_ =	sdelay $0x7  }
0x10c: {  	v0 =	vld.idx.msk [tilespmem:v0+s2+$0x0], $0xffff;
	_ =	sdelay $0x4  }
0x10d: {  	[tilespmem:s6+$0x40] =	vst v0  }
0x10e: {  	v0 =	vld [tilespmem:s7+$0x50];
	_ =	sdelay $0x7  }
0x10f: {  	v0 =	vld.idx.msk [tilespmem:v0+s2+$0x0], $0xffff;
	_ =	sdelay $0x4  }
0x110: {  	[tilespmem:s6+$0x50] =	vst v0  }
0x111: {  	v0 =	vld [tilespmem:s7+$0x60];
	_ =	sdelay $0x7  }
0x112: {  	v0 =	vld.idx.msk [tilespmem:v0+s2+$0x0], $0xffff;
	_ =	sdelay $0x4  }
0x113: {  	[tilespmem:s6+$0x60] =	vst v0  }
0x114: {  	v0 =	vld [tilespmem:s7+$0x70];
	_ =	sdelay $0x6  }
0x115: {  	s5 =	sadd.s32 $0x10, s5  }
0x116: {  	p0 =	slt.u32 s5, $0xF0;
	v0 =	vld.idx.msk [tilespmem:v0+s2+$0x0], $0xffff  }
.Ltmp3:
0x117: {  	_ = 	snop;
	(pc) =	sbr.rel @p0 .LBB2_8-.Ltmp3, $2  }
0x118: {  	_ =	sdelay $0x2  }
0x119: {  	s7 =	sadd.s32 $0x100, s7;
	[tilespmem:s6+$0x70] =	vst v0;
	s6 =	sadd.s32 $0x100, s6  }
0x11a: {  	v0 =	vld [tilespmem:$0x19700];
	_ =	sdelay $0x7  }
0x11b: {  	v0 =	vld.idx.msk [tilespmem:v0+s2+$0x0], $0xffff;
	_ =	sdelay $0x4  }
0x11c: {  	[tilespmem:$0x1A780] =	vst v0  }
0x11d: {  	[hbm4b:s14+s29] =	stream.strided.scatter [tilespmem:s3], [sflag:$0x2], $0x1080, s30, s29, $0x38;
	[tilespmem:$0x1A800] =	vst v63  }
0x11e: {  	_ =	swait.ge [sflag:s1], $0x1080  }
0x11f: {  	[sflag:s1] =	ssyncset.done $0x0  }
0x120: {  	[sflag:s1] =	ssyncadd.s32 $0xFFFFEF80  }
0x121: {  	[tilespmem:s2], [sflag:$0x1] =	stream.strided.gather [hbm4b:s15+s29], $0x18700, s30, s29, $0x38;
	[tilespmem:$0x1A800] =	vst v63  }
0x122: {  	_ = 	snop  }
0x123: {  	[tilespmem:s31], [sflag:$0x2] =	stream.strided.gather [hbm4b:s16+s29], $0x1080, s30, s29, $0x38;
	[tilespmem:$0x1A800] =	vst v63  }
0x124: {  	_ =	swait.ge [sflag:s1], $0x1080  }
0x125: {  	[sflag:s1] =	ssyncset.done $0x0  }
0x126: {  	[sflag:s1] =	ssyncadd.s32 $0xFFFFEF80  }
0x127: {  	_ =	swait.ge [sflag:s0], $0x18700  }
0x128: {  	s5 =	simm.s32 $0xFFFFFFF0;
	[sflag:s0] =	ssyncset.done $0x0  }
0x129: {  	s6 =	simm.s32 $0x19800;
	s7 =	simm.s32 $0x18780;
	[sflag:s0] =	ssyncadd.s32 $0xFFFE7900  }
.LBB2_10:
0x12a: {  	v0 =	vld [tilespmem:s7+$0xFFFFFF80];
	_ =	sdelay $0x7  }
0x12b: {  	v0 =	vld.idx.msk [tilespmem:v0+s2+$0x0], $0xffff;
	_ =	sdelay $0x4  }
0x12c: {  	[tilespmem:s6+$0xFFFFFF80] =	vst v0  }
0x12d: {  	v0 =	vld [tilespmem:s7+$0xFFFFFF90];
	_ =	sdelay $0x7  }
0x12e: {  	v0 =	vld.idx.msk [tilespmem:v0+s2+$0x0], $0xffff;
	_ =	sdelay $0x4  }
0x12f: {  	[tilespmem:s6+$0xFFFFFF90] =	vst v0  }
0x130: {  	v0 =	vld [tilespmem:s7+$0xFFFFFFA0];
	_ =	sdelay $0x7  }
0x131: {  	v0 =	vld.idx.msk [tilespmem:v0+s2+$0x0], $0xffff;
	_ =	sdelay $0x4  }
0x132: {  	[tilespmem:s6+$0xFFFFFFA0] =	vst v0  }
0x133: {  	v0 =	vld [tilespmem:s7+$0xFFFFFFB0];
	_ =	sdelay $0x7  }
0x134: {  	v0 =	vld.idx.msk [tilespmem:v0+s2+$0x0], $0xffff;
	_ =	sdelay $0x4  }
0x135: {  	[tilespmem:s6+$0xFFFFFFB0] =	vst v0  }
0x136: {  	v0 =	vld [tilespmem:s7+$0xFFFFFFC0];
	_ =	sdelay $0x7  }
0x137: {  	v0 =	vld.idx.msk [tilespmem:v0+s2+$0x0], $0xffff;
	_ =	sdelay $0x4  }
0x138: {  	[tilespmem:s6+$0xFFFFFFC0] =	vst v0  }
0x139: {  	v0 =	vld [tilespmem:s7+$0xFFFFFFD0];
	_ =	sdelay $0x7  }
0x13a: {  	v0 =	vld.idx.msk [tilespmem:v0+s2+$0x0], $0xffff;
	_ =	sdelay $0x4  }
0x13b: {  	[tilespmem:s6+$0xFFFFFFD0] =	vst v0  }
0x13c: {  	v0 =	vld [tilespmem:s7+$0xFFFFFFE0];
	_ =	sdelay $0x7  }
0x13d: {  	v0 =	vld.idx.msk [tilespmem:v0+s2+$0x0], $0xffff;
	_ =	sdelay $0x4  }
0x13e: {  	[tilespmem:s6+$0xFFFFFFE0] =	vst v0  }
0x13f: {  	v0 =	vld [tilespmem:s7+$0xFFFFFFF0];
	_ =	sdelay $0x7  }
0x140: {  	v0 =	vld.idx.msk [tilespmem:v0+s2+$0x0], $0xffff;
	_ =	sdelay $0x4  }
0x141: {  	[tilespmem:s6+$0xFFFFFFF0] =	vst v0  }
0x142: {  	v0 =	vld [tilespmem:s7+$0x0];
	_ =	sdelay $0x7  }
0x143: {  	v0 =	vld.idx.msk [tilespmem:v0+s2+$0x0], $0xffff;
	_ =	sdelay $0x4  }
0x144: {  	[tilespmem:s6+$0x0] =	vst v0  }
0x145: {  	v0 =	vld [tilespmem:s7+$0x10];
	_ =	sdelay $0x7  }
0x146: {  	v0 =	vld.idx.msk [tilespmem:v0+s2+$0x0], $0xffff;
	_ =	sdelay $0x4  }
0x147: {  	[tilespmem:s6+$0x10] =	vst v0  }
0x148: {  	v0 =	vld [tilespmem:s7+$0x20];
	_ =	sdelay $0x7  }
0x149: {  	v0 =	vld.idx.msk [tilespmem:v0+s2+$0x0], $0xffff;
	_ =	sdelay $0x4  }
0x14a: {  	[tilespmem:s6+$0x20] =	vst v0  }
0x14b: {  	v0 =	vld [tilespmem:s7+$0x30];
	_ =	sdelay $0x7  }
0x14c: {  	v0 =	vld.idx.msk [tilespmem:v0+s2+$0x0], $0xffff;
	_ =	sdelay $0x4  }
0x14d: {  	[tilespmem:s6+$0x30] =	vst v0  }
0x14e: {  	v0 =	vld [tilespmem:s7+$0x40];
	_ =	sdelay $0x7  }
0x14f: {  	v0 =	vld.idx.msk [tilespmem:v0+s2+$0x0], $0xffff;
	_ =	sdelay $0x4  }
0x150: {  	[tilespmem:s6+$0x40] =	vst v0  }
0x151: {  	v0 =	vld [tilespmem:s7+$0x50];
	_ =	sdelay $0x7  }
0x152: {  	v0 =	vld.idx.msk [tilespmem:v0+s2+$0x0], $0xffff;
	_ =	sdelay $0x4  }
0x153: {  	[tilespmem:s6+$0x50] =	vst v0  }
0x154: {  	v0 =	vld [tilespmem:s7+$0x60];
	_ =	sdelay $0x7  }
0x155: {  	v0 =	vld.idx.msk [tilespmem:v0+s2+$0x0], $0xffff;
	_ =	sdelay $0x4  }
0x156: {  	[tilespmem:s6+$0x60] =	vst v0  }
0x157: {  	v0 =	vld [tilespmem:s7+$0x70];
	_ =	sdelay $0x6  }
0x158: {  	s5 =	sadd.s32 $0x10, s5  }
0x159: {  	p0 =	slt.u32 s5, $0xF0;
	v0 =	vld.idx.msk [tilespmem:v0+s2+$0x0], $0xffff  }
.Ltmp4:
0x15a: {  	_ = 	snop;
	(pc) =	sbr.rel @p0 .LBB2_10-.Ltmp4, $2  }
0x15b: {  	_ =	sdelay $0x2  }
0x15c: {  	s7 =	sadd.s32 $0x100, s7;
	[tilespmem:s6+$0x70] =	vst v0;
	s6 =	sadd.s32 $0x100, s6  }
0x15d: {  	v0 =	vld [tilespmem:$0x19700];
	_ =	sdelay $0x7  }
0x15e: {  	v0 =	vld.idx.msk [tilespmem:v0+s2+$0x0], $0xffff;
	_ =	sdelay $0x4  }
0x15f: {  	[tilespmem:$0x1A780] =	vst v0  }
0x160: {  	[hbm4b:s23+s29] =	stream.strided.scatter [tilespmem:s3], [sflag:$0x2], $0x1080, s30, s29, $0x38;
	[tilespmem:$0x1A800] =	vst v63  }
0x161: {  	_ =	swait.ge [sflag:s1], $0x1080  }
0x162: {  	[sflag:s1] =	ssyncset.done $0x0  }
0x163: {  	[sflag:s1] =	ssyncadd.s32 $0xFFFFEF80  }
0x164: {  	[tilespmem:s2], [sflag:$0x1] =	stream.strided.gather [hbm4b:s17+s29], $0x18700, s30, s29, $0x38;
	[tilespmem:$0x1A800] =	vst v63  }
0x165: {  	_ = 	snop  }
0x166: {  	[tilespmem:s31], [sflag:$0x2] =	stream.strided.gather [hbm4b:s18+s29], $0x1080, s30, s29, $0x38;
	[tilespmem:$0x1A800] =	vst v63  }
0x167: {  	_ =	swait.ge [sflag:s1], $0x1080  }
0x168: {  	[sflag:s1] =	ssyncset.done $0x0  }
0x169: {  	[sflag:s1] =	ssyncadd.s32 $0xFFFFEF80  }
0x16a: {  	_ =	swait.ge [sflag:s0], $0x18700  }
0x16b: {  	s5 =	simm.s32 $0xFFFFFFF0;
	[sflag:s0] =	ssyncset.done $0x0  }
0x16c: {  	s6 =	simm.s32 $0x19800;
	s7 =	simm.s32 $0x18780;
	[sflag:s0] =	ssyncadd.s32 $0xFFFE7900  }
.LBB2_12:
0x16d: {  	v0 =	vld [tilespmem:s7+$0xFFFFFF80];
	_ =	sdelay $0x7  }
0x16e: {  	v0 =	vld.idx.msk [tilespmem:v0+s2+$0x0], $0xffff;
	_ =	sdelay $0x4  }
0x16f: {  	[tilespmem:s6+$0xFFFFFF80] =	vst v0  }
0x170: {  	v0 =	vld [tilespmem:s7+$0xFFFFFF90];
	_ =	sdelay $0x7  }
0x171: {  	v0 =	vld.idx.msk [tilespmem:v0+s2+$0x0], $0xffff;
	_ =	sdelay $0x4  }
0x172: {  	[tilespmem:s6+$0xFFFFFF90] =	vst v0  }
0x173: {  	v0 =	vld [tilespmem:s7+$0xFFFFFFA0];
	_ =	sdelay $0x7  }
0x174: {  	v0 =	vld.idx.msk [tilespmem:v0+s2+$0x0], $0xffff;
	_ =	sdelay $0x4  }
0x175: {  	[tilespmem:s6+$0xFFFFFFA0] =	vst v0  }
0x176: {  	v0 =	vld [tilespmem:s7+$0xFFFFFFB0];
	_ =	sdelay $0x7  }
0x177: {  	v0 =	vld.idx.msk [tilespmem:v0+s2+$0x0], $0xffff;
	_ =	sdelay $0x4  }
0x178: {  	[tilespmem:s6+$0xFFFFFFB0] =	vst v0  }
0x179: {  	v0 =	vld [tilespmem:s7+$0xFFFFFFC0];
	_ =	sdelay $0x7  }
0x17a: {  	v0 =	vld.idx.msk [tilespmem:v0+s2+$0x0], $0xffff;
	_ =	sdelay $0x4  }
0x17b: {  	[tilespmem:s6+$0xFFFFFFC0] =	vst v0  }
0x17c: {  	v0 =	vld [tilespmem:s7+$0xFFFFFFD0];
	_ =	sdelay $0x7  }
0x17d: {  	v0 =	vld.idx.msk [tilespmem:v0+s2+$0x0], $0xffff;
	_ =	sdelay $0x4  }
0x17e: {  	[tilespmem:s6+$0xFFFFFFD0] =	vst v0  }
0x17f: {  	v0 =	vld [tilespmem:s7+$0xFFFFFFE0];
	_ =	sdelay $0x7  }
0x180: {  	v0 =	vld.idx.msk [tilespmem:v0+s2+$0x0], $0xffff;
	_ =	sdelay $0x4  }
0x181: {  	[tilespmem:s6+$0xFFFFFFE0] =	vst v0  }
0x182: {  	v0 =	vld [tilespmem:s7+$0xFFFFFFF0];
	_ =	sdelay $0x7  }
0x183: {  	v0 =	vld.idx.msk [tilespmem:v0+s2+$0x0], $0xffff;
	_ =	sdelay $0x4  }
0x184: {  	[tilespmem:s6+$0xFFFFFFF0] =	vst v0  }
0x185: {  	v0 =	vld [tilespmem:s7+$0x0];
	_ =	sdelay $0x7  }
0x186: {  	v0 =	vld.idx.msk [tilespmem:v0+s2+$0x0], $0xffff;
	_ =	sdelay $0x4  }
0x187: {  	[tilespmem:s6+$0x0] =	vst v0  }
0x188: {  	v0 =	vld [tilespmem:s7+$0x10];
	_ =	sdelay $0x7  }
0x189: {  	v0 =	vld.idx.msk [tilespmem:v0+s2+$0x0], $0xffff;
	_ =	sdelay $0x4  }
0x18a: {  	[tilespmem:s6+$0x10] =	vst v0  }
0x18b: {  	v0 =	vld [tilespmem:s7+$0x20];
	_ =	sdelay $0x7  }
0x18c: {  	v0 =	vld.idx.msk [tilespmem:v0+s2+$0x0], $0xffff;
	_ =	sdelay $0x4  }
0x18d: {  	[tilespmem:s6+$0x20] =	vst v0  }
0x18e: {  	v0 =	vld [tilespmem:s7+$0x30];
	_ =	sdelay $0x7  }
0x18f: {  	v0 =	vld.idx.msk [tilespmem:v0+s2+$0x0], $0xffff;
	_ =	sdelay $0x4  }
0x190: {  	[tilespmem:s6+$0x30] =	vst v0  }
0x191: {  	v0 =	vld [tilespmem:s7+$0x40];
	_ =	sdelay $0x7  }
0x192: {  	v0 =	vld.idx.msk [tilespmem:v0+s2+$0x0], $0xffff;
	_ =	sdelay $0x4  }
0x193: {  	[tilespmem:s6+$0x40] =	vst v0  }
0x194: {  	v0 =	vld [tilespmem:s7+$0x50];
	_ =	sdelay $0x7  }
0x195: {  	v0 =	vld.idx.msk [tilespmem:v0+s2+$0x0], $0xffff;
	_ =	sdelay $0x4  }
0x196: {  	[tilespmem:s6+$0x50] =	vst v0  }
0x197: {  	v0 =	vld [tilespmem:s7+$0x60];
	_ =	sdelay $0x7  }
0x198: {  	v0 =	vld.idx.msk [tilespmem:v0+s2+$0x0], $0xffff;
	_ =	sdelay $0x4  }
0x199: {  	[tilespmem:s6+$0x60] =	vst v0  }
0x19a: {  	v0 =	vld [tilespmem:s7+$0x70];
	_ =	sdelay $0x6  }
0x19b: {  	s5 =	sadd.s32 $0x10, s5  }
0x19c: {  	p0 =	slt.u32 s5, $0xF0;
	v0 =	vld.idx.msk [tilespmem:v0+s2+$0x0], $0xffff  }
.Ltmp5:
0x19d: {  	_ = 	snop;
	(pc) =	sbr.rel @p0 .LBB2_12-.Ltmp5, $2  }
0x19e: {  	_ =	sdelay $0x2  }
0x19f: {  	s7 =	sadd.s32 $0x100, s7;
	[tilespmem:s6+$0x70] =	vst v0;
	s6 =	sadd.s32 $0x100, s6  }
0x1a0: {  	v0 =	vld [tilespmem:$0x19700];
	_ =	sdelay $0x7  }
0x1a1: {  	v0 =	vld.idx.msk [tilespmem:v0+s2+$0x0], $0xffff;
	_ =	sdelay $0x4  }
0x1a2: {  	[tilespmem:$0x1A780] =	vst v0  }
0x1a3: {  	[hbm4b:s24+s29] =	stream.strided.scatter [tilespmem:s3], [sflag:$0x2], $0x1080, s30, s29, $0x38;
	[tilespmem:$0x1A800] =	vst v63  }
0x1a4: {  	_ =	swait.ge [sflag:s1], $0x1080  }
0x1a5: {  	[sflag:s1] =	ssyncset.done $0x0  }
0x1a6: {  	[sflag:s1] =	ssyncadd.s32 $0xFFFFEF80  }
0x1a7: {  	[tilespmem:s2], [sflag:$0x1] =	stream.strided.gather [hbm4b:s19+s29], $0x18700, s30, s29, $0x38;
	[tilespmem:$0x1A800] =	vst v63  }
0x1a8: {  	_ = 	snop  }
0x1a9: {  	[tilespmem:s31], [sflag:$0x2] =	stream.strided.gather [hbm4b:s20+s29], $0x1080, s30, s29, $0x38;
	[tilespmem:$0x1A800] =	vst v63  }
0x1aa: {  	_ =	swait.ge [sflag:s1], $0x1080  }
0x1ab: {  	[sflag:s1] =	ssyncset.done $0x0  }
0x1ac: {  	[sflag:s1] =	ssyncadd.s32 $0xFFFFEF80  }
0x1ad: {  	_ =	swait.ge [sflag:s0], $0x18700  }
0x1ae: {  	s5 =	simm.s32 $0xFFFFFFF0;
	[sflag:s0] =	ssyncset.done $0x0  }
0x1af: {  	s6 =	simm.s32 $0x19800;
	s7 =	simm.s32 $0x18780;
	[sflag:s0] =	ssyncadd.s32 $0xFFFE7900  }
.LBB2_14:
0x1b0: {  	v0 =	vld [tilespmem:s7+$0xFFFFFF80];
	_ =	sdelay $0x7  }
0x1b1: {  	v0 =	vld.idx.msk [tilespmem:v0+s2+$0x0], $0xffff;
	_ =	sdelay $0x4  }
0x1b2: {  	[tilespmem:s6+$0xFFFFFF80] =	vst v0  }
0x1b3: {  	v0 =	vld [tilespmem:s7+$0xFFFFFF90];
	_ =	sdelay $0x7  }
0x1b4: {  	v0 =	vld.idx.msk [tilespmem:v0+s2+$0x0], $0xffff;
	_ =	sdelay $0x4  }
0x1b5: {  	[tilespmem:s6+$0xFFFFFF90] =	vst v0  }
0x1b6: {  	v0 =	vld [tilespmem:s7+$0xFFFFFFA0];
	_ =	sdelay $0x7  }
0x1b7: {  	v0 =	vld.idx.msk [tilespmem:v0+s2+$0x0], $0xffff;
	_ =	sdelay $0x4  }
0x1b8: {  	[tilespmem:s6+$0xFFFFFFA0] =	vst v0  }
0x1b9: {  	v0 =	vld [tilespmem:s7+$0xFFFFFFB0];
	_ =	sdelay $0x7  }
0x1ba: {  	v0 =	vld.idx.msk [tilespmem:v0+s2+$0x0], $0xffff;
	_ =	sdelay $0x4  }
0x1bb: {  	[tilespmem:s6+$0xFFFFFFB0] =	vst v0  }
0x1bc: {  	v0 =	vld [tilespmem:s7+$0xFFFFFFC0];
	_ =	sdelay $0x7  }
0x1bd: {  	v0 =	vld.idx.msk [tilespmem:v0+s2+$0x0], $0xffff;
	_ =	sdelay $0x4  }
0x1be: {  	[tilespmem:s6+$0xFFFFFFC0] =	vst v0  }
0x1bf: {  	v0 =	vld [tilespmem:s7+$0xFFFFFFD0];
	_ =	sdelay $0x7  }
0x1c0: {  	v0 =	vld.idx.msk [tilespmem:v0+s2+$0x0], $0xffff;
	_ =	sdelay $0x4  }
0x1c1: {  	[tilespmem:s6+$0xFFFFFFD0] =	vst v0  }
0x1c2: {  	v0 =	vld [tilespmem:s7+$0xFFFFFFE0];
	_ =	sdelay $0x7  }
0x1c3: {  	v0 =	vld.idx.msk [tilespmem:v0+s2+$0x0], $0xffff;
	_ =	sdelay $0x4  }
0x1c4: {  	[tilespmem:s6+$0xFFFFFFE0] =	vst v0  }
0x1c5: {  	v0 =	vld [tilespmem:s7+$0xFFFFFFF0];
	_ =	sdelay $0x7  }
0x1c6: {  	v0 =	vld.idx.msk [tilespmem:v0+s2+$0x0], $0xffff;
	_ =	sdelay $0x4  }
0x1c7: {  	[tilespmem:s6+$0xFFFFFFF0] =	vst v0  }
0x1c8: {  	v0 =	vld [tilespmem:s7+$0x0];
	_ =	sdelay $0x7  }
0x1c9: {  	v0 =	vld.idx.msk [tilespmem:v0+s2+$0x0], $0xffff;
	_ =	sdelay $0x4  }
0x1ca: {  	[tilespmem:s6+$0x0] =	vst v0  }
0x1cb: {  	v0 =	vld [tilespmem:s7+$0x10];
	_ =	sdelay $0x7  }
0x1cc: {  	v0 =	vld.idx.msk [tilespmem:v0+s2+$0x0], $0xffff;
	_ =	sdelay $0x4  }
0x1cd: {  	[tilespmem:s6+$0x10] =	vst v0  }
0x1ce: {  	v0 =	vld [tilespmem:s7+$0x20];
	_ =	sdelay $0x7  }
0x1cf: {  	v0 =	vld.idx.msk [tilespmem:v0+s2+$0x0], $0xffff;
	_ =	sdelay $0x4  }
0x1d0: {  	[tilespmem:s6+$0x20] =	vst v0  }
0x1d1: {  	v0 =	vld [tilespmem:s7+$0x30];
	_ =	sdelay $0x7  }
0x1d2: {  	v0 =	vld.idx.msk [tilespmem:v0+s2+$0x0], $0xffff;
	_ =	sdelay $0x4  }
0x1d3: {  	[tilespmem:s6+$0x30] =	vst v0  }
0x1d4: {  	v0 =	vld [tilespmem:s7+$0x40];
	_ =	sdelay $0x7  }
0x1d5: {  	v0 =	vld.idx.msk [tilespmem:v0+s2+$0x0], $0xffff;
	_ =	sdelay $0x4  }
0x1d6: {  	[tilespmem:s6+$0x40] =	vst v0  }
0x1d7: {  	v0 =	vld [tilespmem:s7+$0x50];
	_ =	sdelay $0x7  }
0x1d8: {  	v0 =	vld.idx.msk [tilespmem:v0+s2+$0x0], $0xffff;
	_ =	sdelay $0x4  }
0x1d9: {  	[tilespmem:s6+$0x50] =	vst v0  }
0x1da: {  	v0 =	vld [tilespmem:s7+$0x60];
	_ =	sdelay $0x7  }
0x1db: {  	v0 =	vld.idx.msk [tilespmem:v0+s2+$0x0], $0xffff;
	_ =	sdelay $0x4  }
0x1dc: {  	[tilespmem:s6+$0x60] =	vst v0  }
0x1dd: {  	v0 =	vld [tilespmem:s7+$0x70];
	_ =	sdelay $0x6  }
0x1de: {  	s5 =	sadd.s32 $0x10, s5  }
0x1df: {  	p0 =	slt.u32 s5, $0xF0;
	v0 =	vld.idx.msk [tilespmem:v0+s2+$0x0], $0xffff  }
.Ltmp6:
0x1e0: {  	_ = 	snop;
	(pc) =	sbr.rel @p0 .LBB2_14-.Ltmp6, $2  }
0x1e1: {  	_ =	sdelay $0x2  }
0x1e2: {  	s7 =	sadd.s32 $0x100, s7;
	[tilespmem:s6+$0x70] =	vst v0;
	s6 =	sadd.s32 $0x100, s6  }
0x1e3: {  	v0 =	vld [tilespmem:$0x19700];
	_ =	sdelay $0x7  }
0x1e4: {  	v0 =	vld.idx.msk [tilespmem:v0+s2+$0x0], $0xffff;
	_ =	sdelay $0x4  }
0x1e5: {  	[tilespmem:$0x1A780] =	vst v0  }
0x1e6: {  	[hbm4b:s25+s29] =	stream.strided.scatter [tilespmem:s3], [sflag:$0x2], $0x1080, s30, s29, $0x38;
	[tilespmem:$0x1A800] =	vst v63  }
0x1e7: {  	_ =	swait.ge [sflag:s1], $0x1080  }
0x1e8: {  	[sflag:s1] =	ssyncset.done $0x0  }
0x1e9: {  	[sflag:s1] =	ssyncadd.s32 $0xFFFFEF80  }
0x1ea: {  	[tilespmem:s2], [sflag:$0x1] =	stream.strided.gather [hbm4b:s21+s29], $0x18700, s30, s29, $0x38;
	[tilespmem:$0x1A800] =	vst v63  }
0x1eb: {  	_ = 	snop  }
0x1ec: {  	[tilespmem:s31], [sflag:$0x2] =	stream.strided.gather [hbm4b:s22+s29], $0x1080, s30, s29, $0x38;
	[tilespmem:$0x1A800] =	vst v63  }
0x1ed: {  	_ =	swait.ge [sflag:s1], $0x1080  }
0x1ee: {  	[sflag:s1] =	ssyncset.done $0x0  }
0x1ef: {  	[sflag:s1] =	ssyncadd.s32 $0xFFFFEF80  }
0x1f0: {  	_ =	swait.ge [sflag:s0], $0x18700  }
0x1f1: {  	s5 =	simm.s32 $0xFFFFFFF0;
	[sflag:s0] =	ssyncset.done $0x0  }
0x1f2: {  	s6 =	simm.s32 $0x19800;
	s7 =	simm.s32 $0x18780;
	[sflag:s0] =	ssyncadd.s32 $0xFFFE7900  }
.LBB2_16:
0x1f3: {  	v0 =	vld [tilespmem:s7+$0xFFFFFF80];
	_ =	sdelay $0x7  }
0x1f4: {  	v0 =	vld.idx.msk [tilespmem:v0+s2+$0x0], $0xffff;
	_ =	sdelay $0x4  }
0x1f5: {  	[tilespmem:s6+$0xFFFFFF80] =	vst v0  }
0x1f6: {  	v0 =	vld [tilespmem:s7+$0xFFFFFF90];
	_ =	sdelay $0x7  }
0x1f7: {  	v0 =	vld.idx.msk [tilespmem:v0+s2+$0x0], $0xffff;
	_ =	sdelay $0x4  }
0x1f8: {  	[tilespmem:s6+$0xFFFFFF90] =	vst v0  }
0x1f9: {  	v0 =	vld [tilespmem:s7+$0xFFFFFFA0];
	_ =	sdelay $0x7  }
0x1fa: {  	v0 =	vld.idx.msk [tilespmem:v0+s2+$0x0], $0xffff;
	_ =	sdelay $0x4  }
0x1fb: {  	[tilespmem:s6+$0xFFFFFFA0] =	vst v0  }
0x1fc: {  	v0 =	vld [tilespmem:s7+$0xFFFFFFB0];
	_ =	sdelay $0x7  }
0x1fd: {  	v0 =	vld.idx.msk [tilespmem:v0+s2+$0x0], $0xffff;
	_ =	sdelay $0x4  }
0x1fe: {  	[tilespmem:s6+$0xFFFFFFB0] =	vst v0  }
0x1ff: {  	v0 =	vld [tilespmem:s7+$0xFFFFFFC0];
	_ =	sdelay $0x7  }
0x200: {  	v0 =	vld.idx.msk [tilespmem:v0+s2+$0x0], $0xffff;
	_ =	sdelay $0x4  }
0x201: {  	[tilespmem:s6+$0xFFFFFFC0] =	vst v0  }
0x202: {  	v0 =	vld [tilespmem:s7+$0xFFFFFFD0];
	_ =	sdelay $0x7  }
0x203: {  	v0 =	vld.idx.msk [tilespmem:v0+s2+$0x0], $0xffff;
	_ =	sdelay $0x4  }
0x204: {  	[tilespmem:s6+$0xFFFFFFD0] =	vst v0  }
0x205: {  	v0 =	vld [tilespmem:s7+$0xFFFFFFE0];
	_ =	sdelay $0x7  }
0x206: {  	v0 =	vld.idx.msk [tilespmem:v0+s2+$0x0], $0xffff;
	_ =	sdelay $0x4  }
0x207: {  	[tilespmem:s6+$0xFFFFFFE0] =	vst v0  }
0x208: {  	v0 =	vld [tilespmem:s7+$0xFFFFFFF0];
	_ =	sdelay $0x7  }
0x209: {  	v0 =	vld.idx.msk [tilespmem:v0+s2+$0x0], $0xffff;
	_ =	sdelay $0x4  }
0x20a: {  	[tilespmem:s6+$0xFFFFFFF0] =	vst v0  }
0x20b: {  	v0 =	vld [tilespmem:s7+$0x0];
	_ =	sdelay $0x7  }
0x20c: {  	v0 =	vld.idx.msk [tilespmem:v0+s2+$0x0], $0xffff;
	_ =	sdelay $0x4  }
0x20d: {  	[tilespmem:s6+$0x0] =	vst v0  }
0x20e: {  	v0 =	vld [tilespmem:s7+$0x10];
	_ =	sdelay $0x7  }
0x20f: {  	v0 =	vld.idx.msk [tilespmem:v0+s2+$0x0], $0xffff;
	_ =	sdelay $0x4  }
0x210: {  	[tilespmem:s6+$0x10] =	vst v0  }
0x211: {  	v0 =	vld [tilespmem:s7+$0x20];
	_ =	sdelay $0x7  }
0x212: {  	v0 =	vld.idx.msk [tilespmem:v0+s2+$0x0], $0xffff;
	_ =	sdelay $0x4  }
0x213: {  	[tilespmem:s6+$0x20] =	vst v0  }
0x214: {  	v0 =	vld [tilespmem:s7+$0x30];
	_ =	sdelay $0x7  }
0x215: {  	v0 =	vld.idx.msk [tilespmem:v0+s2+$0x0], $0xffff;
	_ =	sdelay $0x4  }
0x216: {  	[tilespmem:s6+$0x30] =	vst v0  }
0x217: {  	v0 =	vld [tilespmem:s7+$0x40];
	_ =	sdelay $0x7  }
0x218: {  	v0 =	vld.idx.msk [tilespmem:v0+s2+$0x0], $0xffff;
	_ =	sdelay $0x4  }
0x219: {  	[tilespmem:s6+$0x40] =	vst v0  }
0x21a: {  	v0 =	vld [tilespmem:s7+$0x50];
	_ =	sdelay $0x7  }
0x21b: {  	v0 =	vld.idx.msk [tilespmem:v0+s2+$0x0], $0xffff;
	_ =	sdelay $0x4  }
0x21c: {  	[tilespmem:s6+$0x50] =	vst v0  }
0x21d: {  	v0 =	vld [tilespmem:s7+$0x60];
	_ =	sdelay $0x7  }
0x21e: {  	v0 =	vld.idx.msk [tilespmem:v0+s2+$0x0], $0xffff;
	_ =	sdelay $0x4  }
0x21f: {  	[tilespmem:s6+$0x60] =	vst v0  }
0x220: {  	v0 =	vld [tilespmem:s7+$0x70];
	_ =	sdelay $0x6  }
0x221: {  	s5 =	sadd.s32 $0x10, s5  }
0x222: {  	p0 =	slt.u32 s5, $0xF0;
	v0 =	vld.idx.msk [tilespmem:v0+s2+$0x0], $0xffff  }
.Ltmp7:
0x223: {  	_ = 	snop;
	(pc) =	sbr.rel @p0 .LBB2_16-.Ltmp7, $2  }
0x224: {  	_ =	sdelay $0x2  }
0x225: {  	s7 =	sadd.s32 $0x100, s7;
	[tilespmem:s6+$0x70] =	vst v0;
	s6 =	sadd.s32 $0x100, s6  }
0x226: {  	v0 =	vld [tilespmem:$0x19700];
	_ =	sdelay $0x7  }
0x227: {  	v0 =	vld.idx.msk [tilespmem:v0+s2+$0x0], $0xffff;
	_ =	sdelay $0x2  }
0x228: {  	s4 =	sadd.s32 $0x1, s4  }
0x229: {  	p0 =	sne.s32 s4, s28  }
.Ltmp8:
0x22a: {  	[tilespmem:$0x1A780] =	vst v0;
	(pc) =	sbr.rel @p0 .LBB2_1-.Ltmp8, $4  }
0x22b: {  	[hbm4b:s26+s29] =	stream.strided.scatter [tilespmem:s3], [sflag:$0x2], $0x1080, s30, s29, $0x38;
	[tilespmem:$0x1A800] =	vst v63  }
0x22c: {  	_ =	swait.ge [sflag:s1], $0x1080  }
0x22d: {  	[sflag:s1] =	ssyncset.done $0x0  }
0x22e: {  	[sflag:s1] =	ssyncadd.s32 $0xFFFFEF80  }
0x22f: {  	_ =	sfence.sel $0x180000  }
0x230: {  	[bflag:$0x0] =	sbarrier.arrive $0xFFFF  }
0x231: {  	_ =	strace $0x9000004A  }
0x232: {  	s0 =	stileid.u32;
	[bflag:$0x2] =	sbarrier.arrive $0xFFFF  }
0x233: {  	p0 =	sne.s32 s0, $0x0;
	s0 =	rddreg [dreg:$0x1]  }
0x234: {  	s0 =	sadd.s32 @!p0 $0x100000, s0  }
0x235: {  	[sflag:s0] =	ssyncadd.tile.s32 @!p0 $0x1;
	_ =	shalt  }
.Lfunc_end2:
_tile_overlayer_lowered:
.L_overlay_start_2:
0x236: {  	(tag) =	ssettag $0x2  }
0x237: {  	s0 =	rddreg [dreg:$0x0];
	s2 =	stileid.u32  }
0x238: {  	s1 =	rddreg [dreg:$0x1];
	p0 =	sne.s32 s2, $0x0  }
0x239: {  	s3 =	rddreg [dreg:$0x2];
	[bflag:$0x3] =	sbarrier.arrive $0xFFFF;
	s2 =	simm.s32 @!p0 $0x1C02  }
0x23a: {  	[timem:s3], [sflag:s2] =	dma.local @!p0 [hbm:s0], s1  }
0x23b: {  	s0 =	simm.s32 @!p0 $0x2  }
0x23c: {  	_ =	swait.ge @!p0 [sflag:s0], s1  }
0x23d: {  	s1 =	ssub.s32 @!p0 $0x0, s1;
	[sflag:s0] =	ssyncset.done @!p0 $0x0  }
0x23e: {  	[sflag:s0] =	ssyncadd.s32 @!p0 s1  }
0x23f: {  	[bflag:$0x3] =	sbarrier.arrive $0xFFFF  }
0x240: {  	_ =	shalt  }

</sc_bundles>
